<compile_context>
chip_gen: v7x
topology: tpu7x:2x2x1
jax: 0.10.2.dev20260603
libtpu: 0.0.44.dev20260713+nightly
codegen_flags: <defaults>
</compile_context>

<pallas_src>
import functools

import jax
import jax.numpy as jnp
import numpy as np
from jax import lax
from jax.experimental import pallas as pl
from jax.experimental.pallas import tpu as pltpu
from jax.experimental.pallas import tpu_sc as plsc

IN_F = 16384
OUT_F = 16384
SPARSITY = 164
BATCH = 64

SPAD = 176
CHUNK = 8
NW = 32
CHUNKS_TOTAL = OUT_F // CHUNK
CHUNKS_PER_W = CHUNKS_TOTAL // NW
GROUPS = CHUNK * SPAD // 128
NBLK = SPAD // 16

_PERM = np.concatenate(
    [np.stack([np.arange(16) + 32 * q, np.arange(16) + 16 + 32 * q],
              axis=1).reshape(-1) for q in (0, 1)])


def _sc_kernel(xt_hbm, vals_hbm, cols_hbm, out_hbm, xt_sh, colv, valv, gath,
               outst, sem0, sem1):
    wid = lax.axis_index("s") * 2 + lax.axis_index("c")
    sid = lax.axis_index("s")

    stripe = IN_F // 16
    pltpu.sync_copy(xt_hbm.at[pl.ds(sid * stripe, stripe)],
                    xt_sh.at[pl.ds(sid * stripe, stripe)])
    plsc.subcore_barrier()

    def fire(slot, sem, t):
        cidx = wid * CHUNKS_PER_W + t
        pltpu.sync_copy(cols_hbm.at[cidx], colv.at[slot])
        pltpu.sync_copy(vals_hbm.at[cidx], valv.at[slot])
        for g in range(GROUPS):
            pltpu.async_copy(xt_sh.at[colv.at[slot, g]],
                             gath.at[slot, pl.ds(g * 128, 128)], sem)

    def drain(slot, sem):
        for g in range(GROUPS):
            pltpu.make_async_copy(xt_sh.at[colv.at[slot, g]],
                                  gath.at[slot, pl.ds(g * 128, 128)],
                                  sem).wait()

    def compute_store(slot, t):
        cidx = wid * CHUNKS_PER_W + t

        @plsc.parallel_loop(0, CHUNK, 1, unroll=1)
        def row_body(i):
            z = jnp.zeros((16,), jnp.float32)

            @plsc.parallel_loop(0, NBLK, 1, unroll=1, carry=(z, z, z, z))
            def sblk(sb, accs):
                base = i * SPAD + sb * 16
                wv = valv[slot, pl.ds(base, 16)]
                a0, a1, a2, a3 = accs
                for j in range(16):
                    w = wv[j]
                    e0, o0 = plsc.unpack(gath[slot, base + j, pl.ds(0, 32)],
                                         format=plsc.PackFormat.INTERLEAVED,
                                         preferred_element_type=jnp.float32)
                    e1, o1 = plsc.unpack(gath[slot, base + j, pl.ds(32, 32)],
                                         format=plsc.PackFormat.INTERLEAVED,
                                         preferred_element_type=jnp.float32)
                    a0 = a0 + w * e0
                    a1 = a1 + w * o0
                    a2 = a2 + w * e1
                    a3 = a3 + w * o1
                return (a0, a1, a2, a3)

            a0, a1, a2, a3 = sblk
            outst[i, pl.ds(0, 16)] = a0
            outst[i, pl.ds(16, 16)] = a1
            outst[i, pl.ds(32, 16)] = a2
            outst[i, pl.ds(48, 16)] = a3

        pltpu.sync_copy(outst, out_hbm.at[pl.ds(cidx * CHUNK, CHUNK)])

    fire(0, sem0, 0)

    def pair_body(k, carry):
        t0 = 2 * k
        fire(1, sem1, t0 + 1)
        drain(0, sem0)
        compute_store(0, t0)

        @pl.when(t0 + 2 < CHUNKS_PER_W)
        def _():
            fire(0, sem0, t0 + 2)

        drain(1, sem1)
        compute_store(1, t0 + 1)
        return carry

    lax.fori_loop(0, CHUNKS_PER_W // 2, pair_body, 0)


@jax.jit
def kernel(x, values, rows, cols):
    del rows
    xt_bf = x.T[:, _PERM].astype(jnp.bfloat16)
    cols2 = cols.astype(jnp.int32).reshape(OUT_F, SPARSITY)
    vals2 = values.reshape(OUT_F, SPARSITY)
    cols_p = jnp.pad(cols2, ((0, 0), (0, SPAD - SPARSITY)))
    vals_p = jnp.pad(vals2, ((0, 0), (0, SPAD - SPARSITY)))
    cols3 = cols_p.reshape(CHUNKS_TOTAL, GROUPS, 128)
    vals3 = vals_p.reshape(CHUNKS_TOTAL, CHUNK * SPAD)

    mesh = plsc.VectorSubcoreMesh(core_axis_name="c", subcore_axis_name="s")
    run = functools.partial(
        pl.kernel,
        mesh=mesh,
        compiler_params=pltpu.CompilerParams(use_tc_tiling_on_sc=False, needs_layout_passes=False),
        out_type=jax.ShapeDtypeStruct((OUT_F, BATCH), jnp.float32),
        scratch_types=[
            pltpu.VMEM_SHARED((IN_F, BATCH), jnp.bfloat16),
            pltpu.VMEM((2, GROUPS, 128), jnp.int32),
            pltpu.VMEM((2, CHUNK * SPAD), jnp.float32),
            pltpu.VMEM((2, CHUNK * SPAD, BATCH), jnp.bfloat16),
            pltpu.VMEM((CHUNK, BATCH), jnp.float32),
            pltpu.SemaphoreType.DMA,
            pltpu.SemaphoreType.DMA,
        ],
    )(_sc_kernel)
    out_t = run(xt_bf, vals3, cols3)
    return out_t.T

# --- scband reference (transcript-rebuilt; emitter-appended) ---
"""Pipeline reference for scband-learnable-sparse-linear-9388798509060 (READ-ONLY COPY).

The authoritative reference and input builder live on the scoring server;
editing this copy changes nothing except your own understanding.
"""

import jax, jax.numpy as jnp
import numpy as np

IN_FEATURES = 16384
OUT_FEATURES = 16384
SPARSITY = 164
BATCH = 64
NNZ = OUT_FEATURES * SPARSITY


def setup_inputs(seed: int = 0) -> dict:
    key = jax.random.key(seed)
    k1, k2 = jax.random.split(key)
    x = jax.random.normal(k1, (BATCH, IN_FEATURES), dtype=jnp.float32)
    # Fixed random sparsity pattern (mirrors torch.randperm per output row in __init__).
    rng = np.random.default_rng(0)
    cols = rng.integers(0, IN_FEATURES, size=(OUT_FEATURES, SPARSITY)).astype(np.int64).reshape(-1)
    rows = np.repeat(np.arange(OUT_FEATURES, dtype=np.int64), SPARSITY)
    values = jax.random.normal(k2, (NNZ,), dtype=jnp.float32)
    return {
        "x": x,
        "values": values,
        "rows": jnp.asarray(rows, dtype=jnp.int64),
        "cols": jnp.asarray(cols, dtype=jnp.int64),
    }


def reference(x, values, rows, cols):
    # torch.sparse.mm(w_sparse, x.t()).t()  ==
    # out[b, r] = sum_{j : (r, c_j) in pattern} values_j * x[b, c_j]
    # Implemented as gather along in_features + segment-sum over output rows.
    xt = x.T                                   # [in_features, B]
    gathered = jnp.take(xt, cols, axis=0)      # [nnz, B]
    contrib = gathered * values[:, None]       # [nnz, B]
    out_t = jax.ops.segment_sum(contrib, rows, num_segments=OUT_FEATURES)  # [out_features, B]
    return out_t.T                             # [B, out_features]

if __name__ == "__main__":
    import jax
    _d = setup_inputs()
    print(jax.jit(kernel)(*tuple(_d.values())))

</pallas_src>

<mosaic_0001>
#map = affine_map<(d0, d1) -> (0, 0)>
#map1 = affine_map<(d0, d1) -> (0, 0, 0)>
module attributes {stable_mosaic.version = 14 : i64} {
  func.func @_sc_kernel(%arg0: i32, %arg1: i32, %arg2: memref<16384x64xbf16, #tpu.memory_space<hbm>>, %arg3: memref<2048x1408xf32, #tpu.memory_space<hbm>>, %arg4: memref<2048x11x128xi32, #tpu.memory_space<hbm>>, %arg5: memref<16384x64xf32, #tpu.memory_space<hbm>>, %arg6: memref<16384x64xbf16, #tpu.memory_space<vmem_shared>>, %arg7: memref<2x11x128xi32, #tpu.memory_space<vmem>>, %arg8: memref<2x1408xf32, #tpu.memory_space<vmem>>, %arg9: memref<2x1408x64xbf16, #tpu.memory_space<vmem>>, %arg10: memref<8x64xf32, #tpu.memory_space<vmem>>, %arg11: memref<!tpu.dma_semaphore, #tpu.memory_space<semaphore_mem>>, %arg12: memref<!tpu.dma_semaphore, #tpu.memory_space<semaphore_mem>>) attributes {dimension_semantics = [#tpu.dimension_semantics<core_parallel>, #tpu.dimension_semantics<subcore_parallel>], iteration_bounds = array<i64: 2, 16>, scalar_prefetch = 0 : i64, scratch_operands = 7 : i64, tpu.core_type = #tpu.core_type<sc_vector_subcore>, window_params = [{transform_indices = #map}, {transform_indices = #map}, {transform_indices = #map1}, {transform_indices = #map}]} {
    %mul3A = arith.constant 2 : i32
    %mul3A_0 = arith.muli %arg1, %mul3A : i32
    %add3A = arith.addi %mul3A_0, %arg0 : i32
    %mul3A_1 = arith.constant 1024 : i32
    %mul3A_2 = arith.muli %arg1, %mul3A_1 : i32
    %mul3A_3 = arith.constant 1024 : i32
    %mul3A_4 = arith.muli %arg1, %mul3A_3 : i32
    "tpu.region"() ({
      %run_scoped3A_157 = tpu.sem_alloc : memref<!tpu.dma_semaphore, #tpu.memory_space<semaphore_mem>>
      %dma_start3A_158 = arith.constant 0 : i32
      %dma_start3A_159 = tpu.memref_slice %arg6[%mul3A_4, %dma_start3A_158] : memref<16384x64xbf16, #tpu.memory_space<vmem_shared>> -> memref<1024x64xbf16, #tpu.memory_space<vmem_shared>>
      %dma_start3A_160 = arith.constant 0 : i32
      %dma_start3A_161 = tpu.memref_slice %arg2[%mul3A_2, %dma_start3A_160] : memref<16384x64xbf16, #tpu.memory_space<hbm>> -> memref<1024x64xbf16, #tpu.memory_space<hbm>>
      tpu.enqueue_dma source(%dma_start3A_161 : memref<1024x64xbf16, #tpu.memory_space<hbm>>) target(%dma_start3A_159 : memref<1024x64xbf16, #tpu.memory_space<vmem_shared>>) target_semaphore(%run_scoped3A_157 : memref<!tpu.dma_semaphore, #tpu.memory_space<semaphore_mem>>)
      %dma_wait3A = arith.constant 0 : i32
      %dma_wait3A_162 = tpu.memref_slice %arg6[%mul3A_4, %dma_wait3A] : memref<16384x64xbf16, #tpu.memory_space<vmem_shared>> -> memref<1024x64xbf16, #tpu.memory_space<vmem_shared>>
      %dma_wait3A_163 = arith.constant 0 : i32
      %dma_wait3A_164 = tpu.memref_slice %arg2[%mul3A_2, %dma_wait3A_163] : memref<16384x64xbf16, #tpu.memory_space<hbm>> -> memref<1024x64xbf16, #tpu.memory_space<hbm>>
      tpu.wait_dma2 semaphore(%run_scoped3A_157 : memref<!tpu.dma_semaphore, #tpu.memory_space<semaphore_mem>>) src(%dma_wait3A_164 : memref<1024x64xbf16, #tpu.memory_space<hbm>>) dst(%dma_wait3A_162 : memref<1024x64xbf16, #tpu.memory_space<vmem_shared>>)
      tpu.yield
    }) : () -> ()
    %barrier3A = arith.constant 0 : index
    tpu.barrier barrier_id(%barrier3A)
    %mul3A_5 = arith.constant 64 : i32
    %mul3A_6 = arith.muli %add3A, %mul3A_5 : i32
    %add3A_7 = arith.constant 0 : i32
    %add3A_8 = arith.addi %mul3A_6, %add3A_7 : i32
    %run_scoped3A = arith.constant 0 : i32
    "tpu.region"() ({
      %run_scoped3A_157 = tpu.sem_alloc : memref<!tpu.dma_semaphore, #tpu.memory_space<semaphore_mem>>
      %dma_start3A_158 = arith.constant 0 : i32
      %dma_start3A_159 = arith.constant 0 : i32
      %dma_start3A_160 = tpu.memref_slice %arg7[%run_scoped3A, %dma_start3A_158, %dma_start3A_159] : memref<2x11x128xi32, #tpu.memory_space<vmem>> -> memref<1x11x128xi32, #tpu.memory_space<vmem>>
      %dma_start3A_161 = tpu.memref_squeeze %dma_start3A_160 : memref<1x11x128xi32, #tpu.memory_space<vmem>> -> memref<11x128xi32, #tpu.memory_space<vmem>>
      %dma_start3A_162 = arith.constant 0 : i32
      %dma_start3A_163 = arith.constant 0 : i32
      %dma_start3A_164 = tpu.memref_slice %arg4[%add3A_8, %dma_start3A_162, %dma_start3A_163] : memref<2048x11x128xi32, #tpu.memory_space<hbm>> -> memref<1x11x128xi32, #tpu.memory_space<hbm>>
      %dma_start3A_165 = tpu.memref_squeeze %dma_start3A_164 : memref<1x11x128xi32, #tpu.memory_space<hbm>> -> memref<11x128xi32, #tpu.memory_space<hbm>>
      %dma_start3A_166 = arith.constant 0 : i32
      %dma_start3A_167 = arith.constant 0 : i32
      %dma_start3A_168 = tpu.memref_slice %arg7[%run_scoped3A, %dma_start3A_166, %dma_start3A_167] : memref<2x11x128xi32, #tpu.memory_space<vmem>> -> memref<1x11x128xi32, #tpu.memory_space<vmem>>
      %dma_start3A_169 = tpu.memref_squeeze %dma_start3A_168 : memref<1x11x128xi32, #tpu.memory_space<vmem>> -> memref<11x128xi32, #tpu.memory_space<vmem>>
      %dma_start3A_170 = arith.constant 0 : i32
      %dma_start3A_171 = arith.constant 0 : i32
      %dma_start3A_172 = tpu.memref_slice %arg4[%add3A_8, %dma_start3A_170, %dma_start3A_171] : memref<2048x11x128xi32, #tpu.memory_space<hbm>> -> memref<1x11x128xi32, #tpu.memory_space<hbm>>
      %dma_start3A_173 = tpu.memref_squeeze %dma_start3A_172 : memref<1x11x128xi32, #tpu.memory_space<hbm>> -> memref<11x128xi32, #tpu.memory_space<hbm>>
      tpu.enqueue_dma source(%dma_start3A_173 : memref<11x128xi32, #tpu.memory_space<hbm>>) target(%dma_start3A_169 : memref<11x128xi32, #tpu.memory_space<vmem>>) target_semaphore(%run_scoped3A_157 : memref<!tpu.dma_semaphore, #tpu.memory_space<semaphore_mem>>)
      %dma_wait3A = arith.constant 0 : i32
      %dma_wait3A_174 = arith.constant 0 : i32
      %dma_wait3A_175 = tpu.memref_slice %arg7[%run_scoped3A, %dma_wait3A, %dma_wait3A_174] : memref<2x11x128xi32, #tpu.memory_space<vmem>> -> memref<1x11x128xi32, #tpu.memory_space<vmem>>
      %dma_wait3A_176 = tpu.memref_squeeze %dma_wait3A_175 : memref<1x11x128xi32, #tpu.memory_space<vmem>> -> memref<11x128xi32, #tpu.memory_space<vmem>>
      %dma_wait3A_177 = arith.constant 0 : i32
      %dma_wait3A_178 = arith.constant 0 : i32
      %dma_wait3A_179 = tpu.memref_slice %arg4[%add3A_8, %dma_wait3A_177, %dma_wait3A_178] : memref<2048x11x128xi32, #tpu.memory_space<hbm>> -> memref<1x11x128xi32, #tpu.memory_space<hbm>>
      %dma_wait3A_180 = tpu.memref_squeeze %dma_wait3A_179 : memref<1x11x128xi32, #tpu.memory_space<hbm>> -> memref<11x128xi32, #tpu.memory_space<hbm>>
      %dma_wait3A_181 = arith.constant 0 : i32
      %dma_wait3A_182 = arith.constant 0 : i32
      %dma_wait3A_183 = tpu.memref_slice %arg7[%run_scoped3A, %dma_wait3A_181, %dma_wait3A_182] : memref<2x11x128xi32, #tpu.memory_space<vmem>> -> memref<1x11x128xi32, #tpu.memory_space<vmem>>
      %dma_wait3A_184 = tpu.memref_squeeze %dma_wait3A_183 : memref<1x11x128xi32, #tpu.memory_space<vmem>> -> memref<11x128xi32, #tpu.memory_space<vmem>>
      %dma_wait3A_185 = arith.constant 0 : i32
      %dma_wait3A_186 = arith.constant 0 : i32
      %dma_wait3A_187 = tpu.memref_slice %arg4[%add3A_8, %dma_wait3A_185, %dma_wait3A_186] : memref<2048x11x128xi32, #tpu.memory_space<hbm>> -> memref<1x11x128xi32, #tpu.memory_space<hbm>>
      %dma_wait3A_188 = tpu.memref_squeeze %dma_wait3A_187 : memref<1x11x128xi32, #tpu.memory_space<hbm>> -> memref<11x128xi32, #tpu.memory_space<hbm>>
      tpu.wait_dma2 semaphore(%run_scoped3A_157 : memref<!tpu.dma_semaphore, #tpu.memory_space<semaphore_mem>>) src(%dma_wait3A_188 : memref<11x128xi32, #tpu.memory_space<hbm>>) dst(%dma_wait3A_184 : memref<11x128xi32, #tpu.memory_space<vmem>>)
      tpu.yield
    }) : () -> ()
    %run_scoped3A_9 = arith.constant 0 : i32
    "tpu.region"() ({
      %run_scoped3A_157 = tpu.sem_alloc : memref<!tpu.dma_semaphore, #tpu.memory_space<semaphore_mem>>
      %dma_start3A_158 = arith.constant 0 : i32
      %dma_start3A_159 = tpu.memref_slice %arg8[%run_scoped3A_9, %dma_start3A_158] : memref<2x1408xf32, #tpu.memory_space<vmem>> -> memref<1x1408xf32, #tpu.memory_space<vmem>>
      %dma_start3A_160 = tpu.memref_squeeze %dma_start3A_159 : memref<1x1408xf32, #tpu.memory_space<vmem>> -> memref<1408xf32, #tpu.memory_space<vmem>>
      %dma_start3A_161 = arith.constant 0 : i32
      %dma_start3A_162 = tpu.memref_slice %arg3[%add3A_8, %dma_start3A_161] : memref<2048x1408xf32, #tpu.memory_space<hbm>> -> memref<1x1408xf32, #tpu.memory_space<hbm>>
      %dma_start3A_163 = tpu.memref_squeeze %dma_start3A_162 : memref<1x1408xf32, #tpu.memory_space<hbm>> -> memref<1408xf32, #tpu.memory_space<hbm>>
      %dma_start3A_164 = arith.constant 0 : i32
      %dma_start3A_165 = tpu.memref_slice %arg8[%run_scoped3A_9, %dma_start3A_164] : memref<2x1408xf32, #tpu.memory_space<vmem>> -> memref<1x1408xf32, #tpu.memory_space<vmem>>
      %dma_start3A_166 = tpu.memref_squeeze %dma_start3A_165 : memref<1x1408xf32, #tpu.memory_space<vmem>> -> memref<1408xf32, #tpu.memory_space<vmem>>
      %dma_start3A_167 = arith.constant 0 : i32
      %dma_start3A_168 = tpu.memref_slice %arg3[%add3A_8, %dma_start3A_167] : memref<2048x1408xf32, #tpu.memory_space<hbm>> -> memref<1x1408xf32, #tpu.memory_space<hbm>>
      %dma_start3A_169 = tpu.memref_squeeze %dma_start3A_168 : memref<1x1408xf32, #tpu.memory_space<hbm>> -> memref<1408xf32, #tpu.memory_space<hbm>>
      tpu.enqueue_dma source(%dma_start3A_169 : memref<1408xf32, #tpu.memory_space<hbm>>) target(%dma_start3A_166 : memref<1408xf32, #tpu.memory_space<vmem>>) target_semaphore(%run_scoped3A_157 : memref<!tpu.dma_semaphore, #tpu.memory_space<semaphore_mem>>)
      %dma_wait3A = arith.constant 0 : i32
      %dma_wait3A_170 = tpu.memref_slice %arg8[%run_scoped3A_9, %dma_wait3A] : memref<2x1408xf32, #tpu.memory_space<vmem>> -> memref<1x1408xf32, #tpu.memory_space<vmem>>
      %dma_wait3A_171 = tpu.memref_squeeze %dma_wait3A_170 : memref<1x1408xf32, #tpu.memory_space<vmem>> -> memref<1408xf32, #tpu.memory_space<vmem>>
      %dma_wait3A_172 = arith.constant 0 : i32
      %dma_wait3A_173 = tpu.memref_slice %arg3[%add3A_8, %dma_wait3A_172] : memref<2048x1408xf32, #tpu.memory_space<hbm>> -> memref<1x1408xf32, #tpu.memory_space<hbm>>
      %dma_wait3A_174 = tpu.memref_squeeze %dma_wait3A_173 : memref<1x1408xf32, #tpu.memory_space<hbm>> -> memref<1408xf32, #tpu.memory_space<hbm>>
      %dma_wait3A_175 = arith.constant 0 : i32
      %dma_wait3A_176 = tpu.memref_slice %arg8[%run_scoped3A_9, %dma_wait3A_175] : memref<2x1408xf32, #tpu.memory_space<vmem>> -> memref<1x1408xf32, #tpu.memory_space<vmem>>
      %dma_wait3A_177 = tpu.memref_squeeze %dma_wait3A_176 : memref<1x1408xf32, #tpu.memory_space<vmem>> -> memref<1408xf32, #tpu.memory_space<vmem>>
      %dma_wait3A_178 = arith.constant 0 : i32
      %dma_wait3A_179 = tpu.memref_slice %arg3[%add3A_8, %dma_wait3A_178] : memref<2048x1408xf32, #tpu.memory_space<hbm>> -> memref<1x1408xf32, #tpu.memory_space<hbm>>
      %dma_wait3A_180 = tpu.memref_squeeze %dma_wait3A_179 : memref<1x1408xf32, #tpu.memory_space<hbm>> -> memref<1408xf32, #tpu.memory_space<hbm>>
      tpu.wait_dma2 semaphore(%run_scoped3A_157 : memref<!tpu.dma_semaphore, #tpu.memory_space<semaphore_mem>>) src(%dma_wait3A_180 : memref<1408xf32, #tpu.memory_space<hbm>>) dst(%dma_wait3A_177 : memref<1408xf32, #tpu.memory_space<vmem>>)
      tpu.yield
    }) : () -> ()
    %dma_start3A = arith.constant 0 : i32
    %dma_start3A_10 = arith.constant 0 : i32
    %dma_start3A_11 = arith.constant 0 : i32
    %dma_start3A_12 = arith.constant 0 : i32
    %dma_start3A_13 = arith.constant 0 : i32
    %dma_start3A_14 = tpu.memref_slice %arg9[%dma_start3A_11, %dma_start3A_12, %dma_start3A_13] : memref<2x1408x64xbf16, #tpu.memory_space<vmem>> -> memref<1x128x64xbf16, #tpu.memory_space<vmem>>
    %dma_start3A_15 = tpu.memref_squeeze %dma_start3A_14 : memref<1x128x64xbf16, #tpu.memory_space<vmem>> -> memref<128x64xbf16, #tpu.memory_space<vmem>>
    %dma_start3A_16 = arith.constant 0 : i32
    %dma_start3A_17 = tpu.memref_slice %arg7[%dma_start3A, %dma_start3A_10, %dma_start3A_16] : memref<2x11x128xi32, #tpu.memory_space<vmem>> -> memref<1x1x128xi32, #tpu.memory_space<vmem>>
    %dma_start3A_18 = tpu.memref_squeeze %dma_start3A_17 : memref<1x1x128xi32, #tpu.memory_space<vmem>> -> memref<128xi32, #tpu.memory_space<vmem>>
    %dma_start3A_19 = arith.constant 0 : i32
    %dma_start3A_20 = arith.constant 0 : i32
    %dma_start3A_21 = tpu.memref_slice %arg6[%dma_start3A_19, %dma_start3A_20] : memref<16384x64xbf16, #tpu.memory_space<vmem_shared>> -> memref<16384x64xbf16, #tpu.memory_space<vmem_shared>>
    tpu.enqueue_indirect_dma source(%dma_start3A_21 : memref<16384x64xbf16, #tpu.memory_space<vmem_shared>>) target(%dma_start3A_15 : memref<128x64xbf16, #tpu.memory_space<vmem>>) offsets(%dma_start3A_18 : memref<128xi32, #tpu.memory_space<vmem>>) semaphore(%arg11 : memref<!tpu.dma_semaphore, #tpu.memory_space<semaphore_mem>>)
    %dma_start3A_22 = arith.constant 0 : i32
    %dma_start3A_23 = arith.constant 1 : i32
    %dma_start3A_24 = arith.constant 0 : i32
    %dma_start3A_25 = arith.constant 128 : i32
    %dma_start3A_26 = arith.constant 0 : i32
    %dma_start3A_27 = tpu.memref_slice %arg9[%dma_start3A_24, %dma_start3A_25, %dma_start3A_26] : memref<2x1408x64xbf16, #tpu.memory_space<vmem>> -> memref<1x128x64xbf16, #tpu.memory_space<vmem>>
    %dma_start3A_28 = tpu.memref_squeeze %dma_start3A_27 : memref<1x128x64xbf16, #tpu.memory_space<vmem>> -> memref<128x64xbf16, #tpu.memory_space<vmem>>
    %dma_start3A_29 = arith.constant 0 : i32
    %dma_start3A_30 = tpu.memref_slice %arg7[%dma_start3A_22, %dma_start3A_23, %dma_start3A_29] : memref<2x11x128xi32, #tpu.memory_space<vmem>> -> memref<1x1x128xi32, #tpu.memory_space<vmem>>
    %dma_start3A_31 = tpu.memref_squeeze %dma_start3A_30 : memref<1x1x128xi32, #tpu.memory_space<vmem>> -> memref<128xi32, #tpu.memory_space<vmem>>
    %dma_start3A_32 = arith.constant 0 : i32
    %dma_start3A_33 = arith.constant 0 : i32
    %dma_start3A_34 = tpu.memref_slice %arg6[%dma_start3A_32, %dma_start3A_33] : memref<16384x64xbf16, #tpu.memory_space<vmem_shared>> -> memref<16384x64xbf16, #tpu.memory_space<vmem_shared>>
    tpu.enqueue_indirect_dma source(%dma_start3A_34 : memref<16384x64xbf16, #tpu.memory_space<vmem_shared>>) target(%dma_start3A_28 : memref<128x64xbf16, #tpu.memory_space<vmem>>) offsets(%dma_start3A_31 : memref<128xi32, #tpu.memory_space<vmem>>) semaphore(%arg11 : memref<!tpu.dma_semaphore, #tpu.memory_space<semaphore_mem>>)
    %dma_start3A_35 = arith.constant 0 : i32
    %dma_start3A_36 = arith.constant 2 : i32
    %dma_start3A_37 = arith.constant 0 : i32
    %dma_start3A_38 = arith.constant 256 : i32
    %dma_start3A_39 = arith.constant 0 : i32
    %dma_start3A_40 = tpu.memref_slice %arg9[%dma_start3A_37, %dma_start3A_38, %dma_start3A_39] : memref<2x1408x64xbf16, #tpu.memory_space<vmem>> -> memref<1x128x64xbf16, #tpu.memory_space<vmem>>
    %dma_start3A_41 = tpu.memref_squeeze %dma_start3A_40 : memref<1x128x64xbf16, #tpu.memory_space<vmem>> -> memref<128x64xbf16, #tpu.memory_space<vmem>>
    %dma_start3A_42 = arith.constant 0 : i32
    %dma_start3A_43 = tpu.memref_slice %arg7[%dma_start3A_35, %dma_start3A_36, %dma_start3A_42] : memref<2x11x128xi32, #tpu.memory_space<vmem>> -> memref<1x1x128xi32, #tpu.memory_space<vmem>>
    %dma_start3A_44 = tpu.memref_squeeze %dma_start3A_43 : memref<1x1x128xi32, #tpu.memory_space<vmem>> -> memref<128xi32, #tpu.memory_space<vmem>>
    %dma_start3A_45 = arith.constant 0 : i32
    %dma_start3A_46 = arith.constant 0 : i32
    %dma_start3A_47 = tpu.memref_slice %arg6[%dma_start3A_45, %dma_start3A_46] : memref<16384x64xbf16, #tpu.memory_space<vmem_shared>> -> memref<16384x64xbf16, #tpu.memory_space<vmem_shared>>
    tpu.enqueue_indirect_dma source(%dma_start3A_47 : memref<16384x64xbf16, #tpu.memory_space<vmem_shared>>) target(%dma_start3A_41 : memref<128x64xbf16, #tpu.memory_space<vmem>>) offsets(%dma_start3A_44 : memref<128xi32, #tpu.memory_space<vmem>>) semaphore(%arg11 : memref<!tpu.dma_semaphore, #tpu.memory_space<semaphore_mem>>)
    %dma_start3A_48 = arith.constant 0 : i32
    %dma_start3A_49 = arith.constant 3 : i32
    %dma_start3A_50 = arith.constant 0 : i32
    %dma_start3A_51 = arith.constant 384 : i32
    %dma_start3A_52 = arith.constant 0 : i32
    %dma_start3A_53 = tpu.memref_slice %arg9[%dma_start3A_50, %dma_start3A_51, %dma_start3A_52] : memref<2x1408x64xbf16, #tpu.memory_space<vmem>> -> memref<1x128x64xbf16, #tpu.memory_space<vmem>>
    %dma_start3A_54 = tpu.memref_squeeze %dma_start3A_53 : memref<1x128x64xbf16, #tpu.memory_space<vmem>> -> memref<128x64xbf16, #tpu.memory_space<vmem>>
    %dma_start3A_55 = arith.constant 0 : i32
    %dma_start3A_56 = tpu.memref_slice %arg7[%dma_start3A_48, %dma_start3A_49, %dma_start3A_55] : memref<2x11x128xi32, #tpu.memory_space<vmem>> -> memref<1x1x128xi32, #tpu.memory_space<vmem>>
    %dma_start3A_57 = tpu.memref_squeeze %dma_start3A_56 : memref<1x1x128xi32, #tpu.memory_space<vmem>> -> memref<128xi32, #tpu.memory_space<vmem>>
    %dma_start3A_58 = arith.constant 0 : i32
    %dma_start3A_59 = arith.constant 0 : i32
    %dma_start3A_60 = tpu.memref_slice %arg6[%dma_start3A_58, %dma_start3A_59] : memref<16384x64xbf16, #tpu.memory_space<vmem_shared>> -> memref<16384x64xbf16, #tpu.memory_space<vmem_shared>>
    tpu.enqueue_indirect_dma source(%dma_start3A_60 : memref<16384x64xbf16, #tpu.memory_space<vmem_shared>>) target(%dma_start3A_54 : memref<128x64xbf16, #tpu.memory_space<vmem>>) offsets(%dma_start3A_57 : memref<128xi32, #tpu.memory_space<vmem>>) semaphore(%arg11 : memref<!tpu.dma_semaphore, #tpu.memory_space<semaphore_mem>>)
    %dma_start3A_61 = arith.constant 0 : i32
    %dma_start3A_62 = arith.constant 4 : i32
    %dma_start3A_63 = arith.constant 0 : i32
    %dma_start3A_64 = arith.constant 512 : i32
    %dma_start3A_65 = arith.constant 0 : i32
    %dma_start3A_66 = tpu.memref_slice %arg9[%dma_start3A_63, %dma_start3A_64, %dma_start3A_65] : memref<2x1408x64xbf16, #tpu.memory_space<vmem>> -> memref<1x128x64xbf16, #tpu.memory_space<vmem>>
    %dma_start3A_67 = tpu.memref_squeeze %dma_start3A_66 : memref<1x128x64xbf16, #tpu.memory_space<vmem>> -> memref<128x64xbf16, #tpu.memory_space<vmem>>
    %dma_start3A_68 = arith.constant 0 : i32
    %dma_start3A_69 = tpu.memref_slice %arg7[%dma_start3A_61, %dma_start3A_62, %dma_start3A_68] : memref<2x11x128xi32, #tpu.memory_space<vmem>> -> memref<1x1x128xi32, #tpu.memory_space<vmem>>
    %dma_start3A_70 = tpu.memref_squeeze %dma_start3A_69 : memref<1x1x128xi32, #tpu.memory_space<vmem>> -> memref<128xi32, #tpu.memory_space<vmem>>
    %dma_start3A_71 = arith.constant 0 : i32
    %dma_start3A_72 = arith.constant 0 : i32
    %dma_start3A_73 = tpu.memref_slice %arg6[%dma_start3A_71, %dma_start3A_72] : memref<16384x64xbf16, #tpu.memory_space<vmem_shared>> -> memref<16384x64xbf16, #tpu.memory_space<vmem_shared>>
    tpu.enqueue_indirect_dma source(%dma_start3A_73 : memref<16384x64xbf16, #tpu.memory_space<vmem_shared>>) target(%dma_start3A_67 : memref<128x64xbf16, #tpu.memory_space<vmem>>) offsets(%dma_start3A_70 : memref<128xi32, #tpu.memory_space<vmem>>) semaphore(%arg11 : memref<!tpu.dma_semaphore, #tpu.memory_space<semaphore_mem>>)
    %dma_start3A_74 = arith.constant 0 : i32
    %dma_start3A_75 = arith.constant 5 : i32
    %dma_start3A_76 = arith.constant 0 : i32
    %dma_start3A_77 = arith.constant 640 : i32
    %dma_start3A_78 = arith.constant 0 : i32
    %dma_start3A_79 = tpu.memref_slice %arg9[%dma_start3A_76, %dma_start3A_77, %dma_start3A_78] : memref<2x1408x64xbf16, #tpu.memory_space<vmem>> -> memref<1x128x64xbf16, #tpu.memory_space<vmem>>
    %dma_start3A_80 = tpu.memref_squeeze %dma_start3A_79 : memref<1x128x64xbf16, #tpu.memory_space<vmem>> -> memref<128x64xbf16, #tpu.memory_space<vmem>>
    %dma_start3A_81 = arith.constant 0 : i32
    %dma_start3A_82 = tpu.memref_slice %arg7[%dma_start3A_74, %dma_start3A_75, %dma_start3A_81] : memref<2x11x128xi32, #tpu.memory_space<vmem>> -> memref<1x1x128xi32, #tpu.memory_space<vmem>>
    %dma_start3A_83 = tpu.memref_squeeze %dma_start3A_82 : memref<1x1x128xi32, #tpu.memory_space<vmem>> -> memref<128xi32, #tpu.memory_space<vmem>>
    %dma_start3A_84 = arith.constant 0 : i32
    %dma_start3A_85 = arith.constant 0 : i32
    %dma_start3A_86 = tpu.memref_slice %arg6[%dma_start3A_84, %dma_start3A_85] : memref<16384x64xbf16, #tpu.memory_space<vmem_shared>> -> memref<16384x64xbf16, #tpu.memory_space<vmem_shared>>
    tpu.enqueue_indirect_dma source(%dma_start3A_86 : memref<16384x64xbf16, #tpu.memory_space<vmem_shared>>) target(%dma_start3A_80 : memref<128x64xbf16, #tpu.memory_space<vmem>>) offsets(%dma_start3A_83 : memref<128xi32, #tpu.memory_space<vmem>>) semaphore(%arg11 : memref<!tpu.dma_semaphore, #tpu.memory_space<semaphore_mem>>)
    %dma_start3A_87 = arith.constant 0 : i32
    %dma_start3A_88 = arith.constant 6 : i32
    %dma_start3A_89 = arith.constant 0 : i32
    %dma_start3A_90 = arith.constant 768 : i32
    %dma_start3A_91 = arith.constant 0 : i32
    %dma_start3A_92 = tpu.memref_slice %arg9[%dma_start3A_89, %dma_start3A_90, %dma_start3A_91] : memref<2x1408x64xbf16, #tpu.memory_space<vmem>> -> memref<1x128x64xbf16, #tpu.memory_space<vmem>>
    %dma_start3A_93 = tpu.memref_squeeze %dma_start3A_92 : memref<1x128x64xbf16, #tpu.memory_space<vmem>> -> memref<128x64xbf16, #tpu.memory_space<vmem>>
    %dma_start3A_94 = arith.constant 0 : i32
    %dma_start3A_95 = tpu.memref_slice %arg7[%dma_start3A_87, %dma_start3A_88, %dma_start3A_94] : memref<2x11x128xi32, #tpu.memory_space<vmem>> -> memref<1x1x128xi32, #tpu.memory_space<vmem>>
    %dma_start3A_96 = tpu.memref_squeeze %dma_start3A_95 : memref<1x1x128xi32, #tpu.memory_space<vmem>> -> memref<128xi32, #tpu.memory_space<vmem>>
    %dma_start3A_97 = arith.constant 0 : i32
    %dma_start3A_98 = arith.constant 0 : i32
    %dma_start3A_99 = tpu.memref_slice %arg6[%dma_start3A_97, %dma_start3A_98] : memref<16384x64xbf16, #tpu.memory_space<vmem_shared>> -> memref<16384x64xbf16, #tpu.memory_space<vmem_shared>>
    tpu.enqueue_indirect_dma source(%dma_start3A_99 : memref<16384x64xbf16, #tpu.memory_space<vmem_shared>>) target(%dma_start3A_93 : memref<128x64xbf16, #tpu.memory_space<vmem>>) offsets(%dma_start3A_96 : memref<128xi32, #tpu.memory_space<vmem>>) semaphore(%arg11 : memref<!tpu.dma_semaphore, #tpu.memory_space<semaphore_mem>>)
    %dma_start3A_100 = arith.constant 0 : i32
    %dma_start3A_101 = arith.constant 7 : i32
    %dma_start3A_102 = arith.constant 0 : i32
    %dma_start3A_103 = arith.constant 896 : i32
    %dma_start3A_104 = arith.constant 0 : i32
    %dma_start3A_105 = tpu.memref_slice %arg9[%dma_start3A_102, %dma_start3A_103, %dma_start3A_104] : memref<2x1408x64xbf16, #tpu.memory_space<vmem>> -> memref<1x128x64xbf16, #tpu.memory_space<vmem>>
    %dma_start3A_106 = tpu.memref_squeeze %dma_start3A_105 : memref<1x128x64xbf16, #tpu.memory_space<vmem>> -> memref<128x64xbf16, #tpu.memory_space<vmem>>
    %dma_start3A_107 = arith.constant 0 : i32
    %dma_start3A_108 = tpu.memref_slice %arg7[%dma_start3A_100, %dma_start3A_101, %dma_start3A_107] : memref<2x11x128xi32, #tpu.memory_space<vmem>> -> memref<1x1x128xi32, #tpu.memory_space<vmem>>
    %dma_start3A_109 = tpu.memref_squeeze %dma_start3A_108 : memref<1x1x128xi32, #tpu.memory_space<vmem>> -> memref<128xi32, #tpu.memory_space<vmem>>
    %dma_start3A_110 = arith.constant 0 : i32
    %dma_start3A_111 = arith.constant 0 : i32
    %dma_start3A_112 = tpu.memref_slice %arg6[%dma_start3A_110, %dma_start3A_111] : memref<16384x64xbf16, #tpu.memory_space<vmem_shared>> -> memref<16384x64xbf16, #tpu.memory_space<vmem_shared>>
    tpu.enqueue_indirect_dma source(%dma_start3A_112 : memref<16384x64xbf16, #tpu.memory_space<vmem_shared>>) target(%dma_start3A_106 : memref<128x64xbf16, #tpu.memory_space<vmem>>) offsets(%dma_start3A_109 : memref<128xi32, #tpu.memory_space<vmem>>) semaphore(%arg11 : memref<!tpu.dma_semaphore, #tpu.memory_space<semaphore_mem>>)
    %dma_start3A_113 = arith.constant 0 : i32
    %dma_start3A_114 = arith.constant 8 : i32
    %dma_start3A_115 = arith.constant 0 : i32
    %dma_start3A_116 = arith.constant 1024 : i32
    %dma_start3A_117 = arith.constant 0 : i32
    %dma_start3A_118 = tpu.memref_slice %arg9[%dma_start3A_115, %dma_start3A_116, %dma_start3A_117] : memref<2x1408x64xbf16, #tpu.memory_space<vmem>> -> memref<1x128x64xbf16, #tpu.memory_space<vmem>>
    %dma_start3A_119 = tpu.memref_squeeze %dma_start3A_118 : memref<1x128x64xbf16, #tpu.memory_space<vmem>> -> memref<128x64xbf16, #tpu.memory_space<vmem>>
    %dma_start3A_120 = arith.constant 0 : i32
    %dma_start3A_121 = tpu.memref_slice %arg7[%dma_start3A_113, %dma_start3A_114, %dma_start3A_120] : memref<2x11x128xi32, #tpu.memory_space<vmem>> -> memref<1x1x128xi32, #tpu.memory_space<vmem>>
    %dma_start3A_122 = tpu.memref_squeeze %dma_start3A_121 : memref<1x1x128xi32, #tpu.memory_space<vmem>> -> memref<128xi32, #tpu.memory_space<vmem>>
    %dma_start3A_123 = arith.constant 0 : i32
    %dma_start3A_124 = arith.constant 0 : i32
    %dma_start3A_125 = tpu.memref_slice %arg6[%dma_start3A_123, %dma_start3A_124] : memref<16384x64xbf16, #tpu.memory_space<vmem_shared>> -> memref<16384x64xbf16, #tpu.memory_space<vmem_shared>>
    tpu.enqueue_indirect_dma source(%dma_start3A_125 : memref<16384x64xbf16, #tpu.memory_space<vmem_shared>>) target(%dma_start3A_119 : memref<128x64xbf16, #tpu.memory_space<vmem>>) offsets(%dma_start3A_122 : memref<128xi32, #tpu.memory_space<vmem>>) semaphore(%arg11 : memref<!tpu.dma_semaphore, #tpu.memory_space<semaphore_mem>>)
    %dma_start3A_126 = arith.constant 0 : i32
    %dma_start3A_127 = arith.constant 9 : i32
    %dma_start3A_128 = arith.constant 0 : i32
    %dma_start3A_129 = arith.constant 1152 : i32
    %dma_start3A_130 = arith.constant 0 : i32
    %dma_start3A_131 = tpu.memref_slice %arg9[%dma_start3A_128, %dma_start3A_129, %dma_start3A_130] : memref<2x1408x64xbf16, #tpu.memory_space<vmem>> -> memref<1x128x64xbf16, #tpu.memory_space<vmem>>
    %dma_start3A_132 = tpu.memref_squeeze %dma_start3A_131 : memref<1x128x64xbf16, #tpu.memory_space<vmem>> -> memref<128x64xbf16, #tpu.memory_space<vmem>>
    %dma_start3A_133 = arith.constant 0 : i32
    %dma_start3A_134 = tpu.memref_slice %arg7[%dma_start3A_126, %dma_start3A_127, %dma_start3A_133] : memref<2x11x128xi32, #tpu.memory_space<vmem>> -> memref<1x1x128xi32, #tpu.memory_space<vmem>>
    %dma_start3A_135 = tpu.memref_squeeze %dma_start3A_134 : memref<1x1x128xi32, #tpu.memory_space<vmem>> -> memref<128xi32, #tpu.memory_space<vmem>>
    %dma_start3A_136 = arith.constant 0 : i32
    %dma_start3A_137 = arith.constant 0 : i32
    %dma_start3A_138 = tpu.memref_slice %arg6[%dma_start3A_136, %dma_start3A_137] : memref<16384x64xbf16, #tpu.memory_space<vmem_shared>> -> memref<16384x64xbf16, #tpu.memory_space<vmem_shared>>
    tpu.enqueue_indirect_dma source(%dma_start3A_138 : memref<16384x64xbf16, #tpu.memory_space<vmem_shared>>) target(%dma_start3A_132 : memref<128x64xbf16, #tpu.memory_space<vmem>>) offsets(%dma_start3A_135 : memref<128xi32, #tpu.memory_space<vmem>>) semaphore(%arg11 : memref<!tpu.dma_semaphore, #tpu.memory_space<semaphore_mem>>)
    %dma_start3A_139 = arith.constant 0 : i32
    %dma_start3A_140 = arith.constant 10 : i32
    %dma_start3A_141 = arith.constant 0 : i32
    %dma_start3A_142 = arith.constant 1280 : i32
    %dma_start3A_143 = arith.constant 0 : i32
    %dma_start3A_144 = tpu.memref_slice %arg9[%dma_start3A_141, %dma_start3A_142, %dma_start3A_143] : memref<2x1408x64xbf16, #tpu.memory_space<vmem>> -> memref<1x128x64xbf16, #tpu.memory_space<vmem>>
    %dma_start3A_145 = tpu.memref_squeeze %dma_start3A_144 : memref<1x128x64xbf16, #tpu.memory_space<vmem>> -> memref<128x64xbf16, #tpu.memory_space<vmem>>
    %dma_start3A_146 = arith.constant 0 : i32
    %dma_start3A_147 = tpu.memref_slice %arg7[%dma_start3A_139, %dma_start3A_140, %dma_start3A_146] : memref<2x11x128xi32, #tpu.memory_space<vmem>> -> memref<1x1x128xi32, #tpu.memory_space<vmem>>
    %dma_start3A_148 = tpu.memref_squeeze %dma_start3A_147 : memref<1x1x128xi32, #tpu.memory_space<vmem>> -> memref<128xi32, #tpu.memory_space<vmem>>
    %dma_start3A_149 = arith.constant 0 : i32
    %dma_start3A_150 = arith.constant 0 : i32
    %dma_start3A_151 = tpu.memref_slice %arg6[%dma_start3A_149, %dma_start3A_150] : memref<16384x64xbf16, #tpu.memory_space<vmem_shared>> -> memref<16384x64xbf16, #tpu.memory_space<vmem_shared>>
    tpu.enqueue_indirect_dma source(%dma_start3A_151 : memref<16384x64xbf16, #tpu.memory_space<vmem_shared>>) target(%dma_start3A_145 : memref<128x64xbf16, #tpu.memory_space<vmem>>) offsets(%dma_start3A_148 : memref<128xi32, #tpu.memory_space<vmem>>) semaphore(%arg11 : memref<!tpu.dma_semaphore, #tpu.memory_space<semaphore_mem>>)
    %scan3A = arith.constant 0 : i32
    %scan3A_152 = arith.constant 0 : i32
    %scan3A_153 = arith.constant 32 : i32
    %scan3A_154 = arith.addi %scan3A_152, %scan3A_153 : i32
    %scan3A_155 = arith.constant 1 : i32
    scf.for %scan3A_157 = %scan3A_152 to %scan3A_154 step %scan3A_155  : i32 {
      %mul3A_158 = arith.constant 2 : i32
      %mul3A_159 = arith.muli %mul3A_158, %scan3A_157 : i32
      %add3A_160 = arith.constant 1 : i32
      %add3A_161 = arith.addi %mul3A_159, %add3A_160 : i32
      %mul3A_162 = arith.constant 64 : i32
      %mul3A_163 = arith.muli %add3A, %mul3A_162 : i32
      %add3A_164 = arith.addi %mul3A_163, %add3A_161 : i32
      %run_scoped3A_165 = arith.constant 1 : i32
      "tpu.region"() ({
        %run_scoped3A_616 = tpu.sem_alloc : memref<!tpu.dma_semaphore, #tpu.memory_space<semaphore_mem>>
        %dma_start3A_617 = arith.constant 0 : i32
        %dma_start3A_618 = arith.constant 0 : i32
        %dma_start3A_619 = tpu.memref_slice %arg7[%run_scoped3A_165, %dma_start3A_617, %dma_start3A_618] : memref<2x11x128xi32, #tpu.memory_space<vmem>> -> memref<1x11x128xi32, #tpu.memory_space<vmem>>
        %dma_start3A_620 = tpu.memref_squeeze %dma_start3A_619 : memref<1x11x128xi32, #tpu.memory_space<vmem>> -> memref<11x128xi32, #tpu.memory_space<vmem>>
        %dma_start3A_621 = arith.constant 0 : i32
        %dma_start3A_622 = arith.constant 0 : i32
        %dma_start3A_623 = tpu.memref_slice %arg4[%add3A_164, %dma_start3A_621, %dma_start3A_622] : memref<2048x11x128xi32, #tpu.memory_space<hbm>> -> memref<1x11x128xi32, #tpu.memory_space<hbm>>
        %dma_start3A_624 = tpu.memref_squeeze %dma_start3A_623 : memref<1x11x128xi32, #tpu.memory_space<hbm>> -> memref<11x128xi32, #tpu.memory_space<hbm>>
        %dma_start3A_625 = arith.constant 0 : i32
        %dma_start3A_626 = arith.constant 0 : i32
        %dma_start3A_627 = tpu.memref_slice %arg7[%run_scoped3A_165, %dma_start3A_625, %dma_start3A_626] : memref<2x11x128xi32, #tpu.memory_space<vmem>> -> memref<1x11x128xi32, #tpu.memory_space<vmem>>
        %dma_start3A_628 = tpu.memref_squeeze %dma_start3A_627 : memref<1x11x128xi32, #tpu.memory_space<vmem>> -> memref<11x128xi32, #tpu.memory_space<vmem>>
        %dma_start3A_629 = arith.constant 0 : i32
        %dma_start3A_630 = arith.constant 0 : i32
        %dma_start3A_631 = tpu.memref_slice %arg4[%add3A_164, %dma_start3A_629, %dma_start3A_630] : memref<2048x11x128xi32, #tpu.memory_space<hbm>> -> memref<1x11x128xi32, #tpu.memory_space<hbm>>
        %dma_start3A_632 = tpu.memref_squeeze %dma_start3A_631 : memref<1x11x128xi32, #tpu.memory_space<hbm>> -> memref<11x128xi32, #tpu.memory_space<hbm>>
        tpu.enqueue_dma source(%dma_start3A_632 : memref<11x128xi32, #tpu.memory_space<hbm>>) target(%dma_start3A_628 : memref<11x128xi32, #tpu.memory_space<vmem>>) target_semaphore(%run_scoped3A_616 : memref<!tpu.dma_semaphore, #tpu.memory_space<semaphore_mem>>)
        %dma_wait3A_633 = arith.constant 0 : i32
        %dma_wait3A_634 = arith.constant 0 : i32
        %dma_wait3A_635 = tpu.memref_slice %arg7[%run_scoped3A_165, %dma_wait3A_633, %dma_wait3A_634] : memref<2x11x128xi32, #tpu.memory_space<vmem>> -> memref<1x11x128xi32, #tpu.memory_space<vmem>>
        %dma_wait3A_636 = tpu.memref_squeeze %dma_wait3A_635 : memref<1x11x128xi32, #tpu.memory_space<vmem>> -> memref<11x128xi32, #tpu.memory_space<vmem>>
        %dma_wait3A_637 = arith.constant 0 : i32
        %dma_wait3A_638 = arith.constant 0 : i32
        %dma_wait3A_639 = tpu.memref_slice %arg4[%add3A_164, %dma_wait3A_637, %dma_wait3A_638] : memref<2048x11x128xi32, #tpu.memory_space<hbm>> -> memref<1x11x128xi32, #tpu.memory_space<hbm>>
        %dma_wait3A_640 = tpu.memref_squeeze %dma_wait3A_639 : memref<1x11x128xi32, #tpu.memory_space<hbm>> -> memref<11x128xi32, #tpu.memory_space<hbm>>
        %dma_wait3A_641 = arith.constant 0 : i32
        %dma_wait3A_642 = arith.constant 0 : i32
        %dma_wait3A_643 = tpu.memref_slice %arg7[%run_scoped3A_165, %dma_wait3A_641, %dma_wait3A_642] : memref<2x11x128xi32, #tpu.memory_space<vmem>> -> memref<1x11x128xi32, #tpu.memory_space<vmem>>
        %dma_wait3A_644 = tpu.memref_squeeze %dma_wait3A_643 : memref<1x11x128xi32, #tpu.memory_space<vmem>> -> memref<11x128xi32, #tpu.memory_space<vmem>>
        %dma_wait3A_645 = arith.constant 0 : i32
        %dma_wait3A_646 = arith.constant 0 : i32
        %dma_wait3A_647 = tpu.memref_slice %arg4[%add3A_164, %dma_wait3A_645, %dma_wait3A_646] : memref<2048x11x128xi32, #tpu.memory_space<hbm>> -> memref<1x11x128xi32, #tpu.memory_space<hbm>>
        %dma_wait3A_648 = tpu.memref_squeeze %dma_wait3A_647 : memref<1x11x128xi32, #tpu.memory_space<hbm>> -> memref<11x128xi32, #tpu.memory_space<hbm>>
        tpu.wait_dma2 semaphore(%run_scoped3A_616 : memref<!tpu.dma_semaphore, #tpu.memory_space<semaphore_mem>>) src(%dma_wait3A_648 : memref<11x128xi32, #tpu.memory_space<hbm>>) dst(%dma_wait3A_644 : memref<11x128xi32, #tpu.memory_space<vmem>>)
        tpu.yield
      }) : () -> ()
      %run_scoped3A_166 = arith.constant 1 : i32
      "tpu.region"() ({
        %run_scoped3A_616 = tpu.sem_alloc : memref<!tpu.dma_semaphore, #tpu.memory_space<semaphore_mem>>
        %dma_start3A_617 = arith.constant 0 : i32
        %dma_start3A_618 = tpu.memref_slice %arg8[%run_scoped3A_166, %dma_start3A_617] : memref<2x1408xf32, #tpu.memory_space<vmem>> -> memref<1x1408xf32, #tpu.memory_space<vmem>>
        %dma_start3A_619 = tpu.memref_squeeze %dma_start3A_618 : memref<1x1408xf32, #tpu.memory_space<vmem>> -> memref<1408xf32, #tpu.memory_space<vmem>>
        %dma_start3A_620 = arith.constant 0 : i32
        %dma_start3A_621 = tpu.memref_slice %arg3[%add3A_164, %dma_start3A_620] : memref<2048x1408xf32, #tpu.memory_space<hbm>> -> memref<1x1408xf32, #tpu.memory_space<hbm>>
        %dma_start3A_622 = tpu.memref_squeeze %dma_start3A_621 : memref<1x1408xf32, #tpu.memory_space<hbm>> -> memref<1408xf32, #tpu.memory_space<hbm>>
        %dma_start3A_623 = arith.constant 0 : i32
        %dma_start3A_624 = tpu.memref_slice %arg8[%run_scoped3A_166, %dma_start3A_623] : memref<2x1408xf32, #tpu.memory_space<vmem>> -> memref<1x1408xf32, #tpu.memory_space<vmem>>
        %dma_start3A_625 = tpu.memref_squeeze %dma_start3A_624 : memref<1x1408xf32, #tpu.memory_space<vmem>> -> memref<1408xf32, #tpu.memory_space<vmem>>
        %dma_start3A_626 = arith.constant 0 : i32
        %dma_start3A_627 = tpu.memref_slice %arg3[%add3A_164, %dma_start3A_626] : memref<2048x1408xf32, #tpu.memory_space<hbm>> -> memref<1x1408xf32, #tpu.memory_space<hbm>>
        %dma_start3A_628 = tpu.memref_squeeze %dma_start3A_627 : memref<1x1408xf32, #tpu.memory_space<hbm>> -> memref<1408xf32, #tpu.memory_space<hbm>>
        tpu.enqueue_dma source(%dma_start3A_628 : memref<1408xf32, #tpu.memory_space<hbm>>) target(%dma_start3A_625 : memref<1408xf32, #tpu.memory_space<vmem>>) target_semaphore(%run_scoped3A_616 : memref<!tpu.dma_semaphore, #tpu.memory_space<semaphore_mem>>)
        %dma_wait3A_629 = arith.constant 0 : i32
        %dma_wait3A_630 = tpu.memref_slice %arg8[%run_scoped3A_166, %dma_wait3A_629] : memref<2x1408xf32, #tpu.memory_space<vmem>> -> memref<1x1408xf32, #tpu.memory_space<vmem>>
        %dma_wait3A_631 = tpu.memref_squeeze %dma_wait3A_630 : memref<1x1408xf32, #tpu.memory_space<vmem>> -> memref<1408xf32, #tpu.memory_space<vmem>>
        %dma_wait3A_632 = arith.constant 0 : i32
        %dma_wait3A_633 = tpu.memref_slice %arg3[%add3A_164, %dma_wait3A_632] : memref<2048x1408xf32, #tpu.memory_space<hbm>> -> memref<1x1408xf32, #tpu.memory_space<hbm>>
        %dma_wait3A_634 = tpu.memref_squeeze %dma_wait3A_633 : memref<1x1408xf32, #tpu.memory_space<hbm>> -> memref<1408xf32, #tpu.memory_space<hbm>>
        %dma_wait3A_635 = arith.constant 0 : i32
        %dma_wait3A_636 = tpu.memref_slice %arg8[%run_scoped3A_166, %dma_wait3A_635] : memref<2x1408xf32, #tpu.memory_space<vmem>> -> memref<1x1408xf32, #tpu.memory_space<vmem>>
        %dma_wait3A_637 = tpu.memref_squeeze %dma_wait3A_636 : memref<1x1408xf32, #tpu.memory_space<vmem>> -> memref<1408xf32, #tpu.memory_space<vmem>>
        %dma_wait3A_638 = arith.constant 0 : i32
        %dma_wait3A_639 = tpu.memref_slice %arg3[%add3A_164, %dma_wait3A_638] : memref<2048x1408xf32, #tpu.memory_space<hbm>> -> memref<1x1408xf32, #tpu.memory_space<hbm>>
        %dma_wait3A_640 = tpu.memref_squeeze %dma_wait3A_639 : memref<1x1408xf32, #tpu.memory_space<hbm>> -> memref<1408xf32, #tpu.memory_space<hbm>>
        tpu.wait_dma2 semaphore(%run_scoped3A_616 : memref<!tpu.dma_semaphore, #tpu.memory_space<semaphore_mem>>) src(%dma_wait3A_640 : memref<1408xf32, #tpu.memory_space<hbm>>) dst(%dma_wait3A_637 : memref<1408xf32, #tpu.memory_space<vmem>>)
        tpu.yield
      }) : () -> ()
      %dma_start3A_167 = arith.constant 1 : i32
      %dma_start3A_168 = arith.constant 0 : i32
      %dma_start3A_169 = arith.constant 1 : i32
      %dma_start3A_170 = arith.constant 0 : i32
      %dma_start3A_171 = arith.constant 0 : i32
      %dma_start3A_172 = tpu.memref_slice %arg9[%dma_start3A_169, %dma_start3A_170, %dma_start3A_171] : memref<2x1408x64xbf16, #tpu.memory_space<vmem>> -> memref<1x128x64xbf16, #tpu.memory_space<vmem>>
      %dma_start3A_173 = tpu.memref_squeeze %dma_start3A_172 : memref<1x128x64xbf16, #tpu.memory_space<vmem>> -> memref<128x64xbf16, #tpu.memory_space<vmem>>
      %dma_start3A_174 = arith.constant 0 : i32
      %dma_start3A_175 = tpu.memref_slice %arg7[%dma_start3A_167, %dma_start3A_168, %dma_start3A_174] : memref<2x11x128xi32, #tpu.memory_space<vmem>> -> memref<1x1x128xi32, #tpu.memory_space<vmem>>
      %dma_start3A_176 = tpu.memref_squeeze %dma_start3A_175 : memref<1x1x128xi32, #tpu.memory_space<vmem>> -> memref<128xi32, #tpu.memory_space<vmem>>
      %dma_start3A_177 = arith.constant 0 : i32
      %dma_start3A_178 = arith.constant 0 : i32
      %dma_start3A_179 = tpu.memref_slice %arg6[%dma_start3A_177, %dma_start3A_178] : memref<16384x64xbf16, #tpu.memory_space<vmem_shared>> -> memref<16384x64xbf16, #tpu.memory_space<vmem_shared>>
      tpu.enqueue_indirect_dma source(%dma_start3A_179 : memref<16384x64xbf16, #tpu.memory_space<vmem_shared>>) target(%dma_start3A_173 : memref<128x64xbf16, #tpu.memory_space<vmem>>) offsets(%dma_start3A_176 : memref<128xi32, #tpu.memory_space<vmem>>) semaphore(%arg12 : memref<!tpu.dma_semaphore, #tpu.memory_space<semaphore_mem>>)
      %dma_start3A_180 = arith.constant 1 : i32
      %dma_start3A_181 = arith.constant 1 : i32
      %dma_start3A_182 = arith.constant 1 : i32
      %dma_start3A_183 = arith.constant 128 : i32
      %dma_start3A_184 = arith.constant 0 : i32
      %dma_start3A_185 = tpu.memref_slice %arg9[%dma_start3A_182, %dma_start3A_183, %dma_start3A_184] : memref<2x1408x64xbf16, #tpu.memory_space<vmem>> -> memref<1x128x64xbf16, #tpu.memory_space<vmem>>
      %dma_start3A_186 = tpu.memref_squeeze %dma_start3A_185 : memref<1x128x64xbf16, #tpu.memory_space<vmem>> -> memref<128x64xbf16, #tpu.memory_space<vmem>>
      %dma_start3A_187 = arith.constant 0 : i32
      %dma_start3A_188 = tpu.memref_slice %arg7[%dma_start3A_180, %dma_start3A_181, %dma_start3A_187] : memref<2x11x128xi32, #tpu.memory_space<vmem>> -> memref<1x1x128xi32, #tpu.memory_space<vmem>>
      %dma_start3A_189 = tpu.memref_squeeze %dma_start3A_188 : memref<1x1x128xi32, #tpu.memory_space<vmem>> -> memref<128xi32, #tpu.memory_space<vmem>>
      %dma_start3A_190 = arith.constant 0 : i32
      %dma_start3A_191 = arith.constant 0 : i32
      %dma_start3A_192 = tpu.memref_slice %arg6[%dma_start3A_190, %dma_start3A_191] : memref<16384x64xbf16, #tpu.memory_space<vmem_shared>> -> memref<16384x64xbf16, #tpu.memory_space<vmem_shared>>
      tpu.enqueue_indirect_dma source(%dma_start3A_192 : memref<16384x64xbf16, #tpu.memory_space<vmem_shared>>) target(%dma_start3A_186 : memref<128x64xbf16, #tpu.memory_space<vmem>>) offsets(%dma_start3A_189 : memref<128xi32, #tpu.memory_space<vmem>>) semaphore(%arg12 : memref<!tpu.dma_semaphore, #tpu.memory_space<semaphore_mem>>)
      %dma_start3A_193 = arith.constant 1 : i32
      %dma_start3A_194 = arith.constant 2 : i32
      %dma_start3A_195 = arith.constant 1 : i32
      %dma_start3A_196 = arith.constant 256 : i32
      %dma_start3A_197 = arith.constant 0 : i32
      %dma_start3A_198 = tpu.memref_slice %arg9[%dma_start3A_195, %dma_start3A_196, %dma_start3A_197] : memref<2x1408x64xbf16, #tpu.memory_space<vmem>> -> memref<1x128x64xbf16, #tpu.memory_space<vmem>>
      %dma_start3A_199 = tpu.memref_squeeze %dma_start3A_198 : memref<1x128x64xbf16, #tpu.memory_space<vmem>> -> memref<128x64xbf16, #tpu.memory_space<vmem>>
      %dma_start3A_200 = arith.constant 0 : i32
      %dma_start3A_201 = tpu.memref_slice %arg7[%dma_start3A_193, %dma_start3A_194, %dma_start3A_200] : memref<2x11x128xi32, #tpu.memory_space<vmem>> -> memref<1x1x128xi32, #tpu.memory_space<vmem>>
      %dma_start3A_202 = tpu.memref_squeeze %dma_start3A_201 : memref<1x1x128xi32, #tpu.memory_space<vmem>> -> memref<128xi32, #tpu.memory_space<vmem>>
      %dma_start3A_203 = arith.constant 0 : i32
      %dma_start3A_204 = arith.constant 0 : i32
      %dma_start3A_205 = tpu.memref_slice %arg6[%dma_start3A_203, %dma_start3A_204] : memref<16384x64xbf16, #tpu.memory_space<vmem_shared>> -> memref<16384x64xbf16, #tpu.memory_space<vmem_shared>>
      tpu.enqueue_indirect_dma source(%dma_start3A_205 : memref<16384x64xbf16, #tpu.memory_space<vmem_shared>>) target(%dma_start3A_199 : memref<128x64xbf16, #tpu.memory_space<vmem>>) offsets(%dma_start3A_202 : memref<128xi32, #tpu.memory_space<vmem>>) semaphore(%arg12 : memref<!tpu.dma_semaphore, #tpu.memory_space<semaphore_mem>>)
      %dma_start3A_206 = arith.constant 1 : i32
      %dma_start3A_207 = arith.constant 3 : i32
      %dma_start3A_208 = arith.constant 1 : i32
      %dma_start3A_209 = arith.constant 384 : i32
      %dma_start3A_210 = arith.constant 0 : i32
      %dma_start3A_211 = tpu.memref_slice %arg9[%dma_start3A_208, %dma_start3A_209, %dma_start3A_210] : memref<2x1408x64xbf16, #tpu.memory_space<vmem>> -> memref<1x128x64xbf16, #tpu.memory_space<vmem>>
      %dma_start3A_212 = tpu.memref_squeeze %dma_start3A_211 : memref<1x128x64xbf16, #tpu.memory_space<vmem>> -> memref<128x64xbf16, #tpu.memory_space<vmem>>
      %dma_start3A_213 = arith.constant 0 : i32
      %dma_start3A_214 = tpu.memref_slice %arg7[%dma_start3A_206, %dma_start3A_207, %dma_start3A_213] : memref<2x11x128xi32, #tpu.memory_space<vmem>> -> memref<1x1x128xi32, #tpu.memory_space<vmem>>
      %dma_start3A_215 = tpu.memref_squeeze %dma_start3A_214 : memref<1x1x128xi32, #tpu.memory_space<vmem>> -> memref<128xi32, #tpu.memory_space<vmem>>
      %dma_start3A_216 = arith.constant 0 : i32
      %dma_start3A_217 = arith.constant 0 : i32
      %dma_start3A_218 = tpu.memref_slice %arg6[%dma_start3A_216, %dma_start3A_217] : memref<16384x64xbf16, #tpu.memory_space<vmem_shared>> -> memref<16384x64xbf16, #tpu.memory_space<vmem_shared>>
      tpu.enqueue_indirect_dma source(%dma_start3A_218 : memref<16384x64xbf16, #tpu.memory_space<vmem_shared>>) target(%dma_start3A_212 : memref<128x64xbf16, #tpu.memory_space<vmem>>) offsets(%dma_start3A_215 : memref<128xi32, #tpu.memory_space<vmem>>) semaphore(%arg12 : memref<!tpu.dma_semaphore, #tpu.memory_space<semaphore_mem>>)
      %dma_start3A_219 = arith.constant 1 : i32
      %dma_start3A_220 = arith.constant 4 : i32
      %dma_start3A_221 = arith.constant 1 : i32
      %dma_start3A_222 = arith.constant 512 : i32
      %dma_start3A_223 = arith.constant 0 : i32
      %dma_start3A_224 = tpu.memref_slice %arg9[%dma_start3A_221, %dma_start3A_222, %dma_start3A_223] : memref<2x1408x64xbf16, #tpu.memory_space<vmem>> -> memref<1x128x64xbf16, #tpu.memory_space<vmem>>
      %dma_start3A_225 = tpu.memref_squeeze %dma_start3A_224 : memref<1x128x64xbf16, #tpu.memory_space<vmem>> -> memref<128x64xbf16, #tpu.memory_space<vmem>>
      %dma_start3A_226 = arith.constant 0 : i32
      %dma_start3A_227 = tpu.memref_slice %arg7[%dma_start3A_219, %dma_start3A_220, %dma_start3A_226] : memref<2x11x128xi32, #tpu.memory_space<vmem>> -> memref<1x1x128xi32, #tpu.memory_space<vmem>>
      %dma_start3A_228 = tpu.memref_squeeze %dma_start3A_227 : memref<1x1x128xi32, #tpu.memory_space<vmem>> -> memref<128xi32, #tpu.memory_space<vmem>>
      %dma_start3A_229 = arith.constant 0 : i32
      %dma_start3A_230 = arith.constant 0 : i32
      %dma_start3A_231 = tpu.memref_slice %arg6[%dma_start3A_229, %dma_start3A_230] : memref<16384x64xbf16, #tpu.memory_space<vmem_shared>> -> memref<16384x64xbf16, #tpu.memory_space<vmem_shared>>
      tpu.enqueue_indirect_dma source(%dma_start3A_231 : memref<16384x64xbf16, #tpu.memory_space<vmem_shared>>) target(%dma_start3A_225 : memref<128x64xbf16, #tpu.memory_space<vmem>>) offsets(%dma_start3A_228 : memref<128xi32, #tpu.memory_space<vmem>>) semaphore(%arg12 : memref<!tpu.dma_semaphore, #tpu.memory_space<semaphore_mem>>)
      %dma_start3A_232 = arith.constant 1 : i32
      %dma_start3A_233 = arith.constant 5 : i32
      %dma_start3A_234 = arith.constant 1 : i32
      %dma_start3A_235 = arith.constant 640 : i32
      %dma_start3A_236 = arith.constant 0 : i32
      %dma_start3A_237 = tpu.memref_slice %arg9[%dma_start3A_234, %dma_start3A_235, %dma_start3A_236] : memref<2x1408x64xbf16, #tpu.memory_space<vmem>> -> memref<1x128x64xbf16, #tpu.memory_space<vmem>>
      %dma_start3A_238 = tpu.memref_squeeze %dma_start3A_237 : memref<1x128x64xbf16, #tpu.memory_space<vmem>> -> memref<128x64xbf16, #tpu.memory_space<vmem>>
      %dma_start3A_239 = arith.constant 0 : i32
      %dma_start3A_240 = tpu.memref_slice %arg7[%dma_start3A_232, %dma_start3A_233, %dma_start3A_239] : memref<2x11x128xi32, #tpu.memory_space<vmem>> -> memref<1x1x128xi32, #tpu.memory_space<vmem>>
      %dma_start3A_241 = tpu.memref_squeeze %dma_start3A_240 : memref<1x1x128xi32, #tpu.memory_space<vmem>> -> memref<128xi32, #tpu.memory_space<vmem>>
      %dma_start3A_242 = arith.constant 0 : i32
      %dma_start3A_243 = arith.constant 0 : i32
      %dma_start3A_244 = tpu.memref_slice %arg6[%dma_start3A_242, %dma_start3A_243] : memref<16384x64xbf16, #tpu.memory_space<vmem_shared>> -> memref<16384x64xbf16, #tpu.memory_space<vmem_shared>>
      tpu.enqueue_indirect_dma source(%dma_start3A_244 : memref<16384x64xbf16, #tpu.memory_space<vmem_shared>>) target(%dma_start3A_238 : memref<128x64xbf16, #tpu.memory_space<vmem>>) offsets(%dma_start3A_241 : memref<128xi32, #tpu.memory_space<vmem>>) semaphore(%arg12 : memref<!tpu.dma_semaphore, #tpu.memory_space<semaphore_mem>>)
      %dma_start3A_245 = arith.constant 1 : i32
      %dma_start3A_246 = arith.constant 6 : i32
      %dma_start3A_247 = arith.constant 1 : i32
      %dma_start3A_248 = arith.constant 768 : i32
      %dma_start3A_249 = arith.constant 0 : i32
      %dma_start3A_250 = tpu.memref_slice %arg9[%dma_start3A_247, %dma_start3A_248, %dma_start3A_249] : memref<2x1408x64xbf16, #tpu.memory_space<vmem>> -> memref<1x128x64xbf16, #tpu.memory_space<vmem>>
      %dma_start3A_251 = tpu.memref_squeeze %dma_start3A_250 : memref<1x128x64xbf16, #tpu.memory_space<vmem>> -> memref<128x64xbf16, #tpu.memory_space<vmem>>
      %dma_start3A_252 = arith.constant 0 : i32
      %dma_start3A_253 = tpu.memref_slice %arg7[%dma_start3A_245, %dma_start3A_246, %dma_start3A_252] : memref<2x11x128xi32, #tpu.memory_space<vmem>> -> memref<1x1x128xi32, #tpu.memory_space<vmem>>
      %dma_start3A_254 = tpu.memref_squeeze %dma_start3A_253 : memref<1x1x128xi32, #tpu.memory_space<vmem>> -> memref<128xi32, #tpu.memory_space<vmem>>
      %dma_start3A_255 = arith.constant 0 : i32
      %dma_start3A_256 = arith.constant 0 : i32
      %dma_start3A_257 = tpu.memref_slice %arg6[%dma_start3A_255, %dma_start3A_256] : memref<16384x64xbf16, #tpu.memory_space<vmem_shared>> -> memref<16384x64xbf16, #tpu.memory_space<vmem_shared>>
      tpu.enqueue_indirect_dma source(%dma_start3A_257 : memref<16384x64xbf16, #tpu.memory_space<vmem_shared>>) target(%dma_start3A_251 : memref<128x64xbf16, #tpu.memory_space<vmem>>) offsets(%dma_start3A_254 : memref<128xi32, #tpu.memory_space<vmem>>) semaphore(%arg12 : memref<!tpu.dma_semaphore, #tpu.memory_space<semaphore_mem>>)
      %dma_start3A_258 = arith.constant 1 : i32
      %dma_start3A_259 = arith.constant 7 : i32
      %dma_start3A_260 = arith.constant 1 : i32
      %dma_start3A_261 = arith.constant 896 : i32
      %dma_start3A_262 = arith.constant 0 : i32
      %dma_start3A_263 = tpu.memref_slice %arg9[%dma_start3A_260, %dma_start3A_261, %dma_start3A_262] : memref<2x1408x64xbf16, #tpu.memory_space<vmem>> -> memref<1x128x64xbf16, #tpu.memory_space<vmem>>
      %dma_start3A_264 = tpu.memref_squeeze %dma_start3A_263 : memref<1x128x64xbf16, #tpu.memory_space<vmem>> -> memref<128x64xbf16, #tpu.memory_space<vmem>>
      %dma_start3A_265 = arith.constant 0 : i32
      %dma_start3A_266 = tpu.memref_slice %arg7[%dma_start3A_258, %dma_start3A_259, %dma_start3A_265] : memref<2x11x128xi32, #tpu.memory_space<vmem>> -> memref<1x1x128xi32, #tpu.memory_space<vmem>>
      %dma_start3A_267 = tpu.memref_squeeze %dma_start3A_266 : memref<1x1x128xi32, #tpu.memory_space<vmem>> -> memref<128xi32, #tpu.memory_space<vmem>>
      %dma_start3A_268 = arith.constant 0 : i32
      %dma_start3A_269 = arith.constant 0 : i32
      %dma_start3A_270 = tpu.memref_slice %arg6[%dma_start3A_268, %dma_start3A_269] : memref<16384x64xbf16, #tpu.memory_space<vmem_shared>> -> memref<16384x64xbf16, #tpu.memory_space<vmem_shared>>
      tpu.enqueue_indirect_dma source(%dma_start3A_270 : memref<16384x64xbf16, #tpu.memory_space<vmem_shared>>) target(%dma_start3A_264 : memref<128x64xbf16, #tpu.memory_space<vmem>>) offsets(%dma_start3A_267 : memref<128xi32, #tpu.memory_space<vmem>>) semaphore(%arg12 : memref<!tpu.dma_semaphore, #tpu.memory_space<semaphore_mem>>)
      %dma_start3A_271 = arith.constant 1 : i32
      %dma_start3A_272 = arith.constant 8 : i32
      %dma_start3A_273 = arith.constant 1 : i32
      %dma_start3A_274 = arith.constant 1024 : i32
      %dma_start3A_275 = arith.constant 0 : i32
      %dma_start3A_276 = tpu.memref_slice %arg9[%dma_start3A_273, %dma_start3A_274, %dma_start3A_275] : memref<2x1408x64xbf16, #tpu.memory_space<vmem>> -> memref<1x128x64xbf16, #tpu.memory_space<vmem>>
      %dma_start3A_277 = tpu.memref_squeeze %dma_start3A_276 : memref<1x128x64xbf16, #tpu.memory_space<vmem>> -> memref<128x64xbf16, #tpu.memory_space<vmem>>
      %dma_start3A_278 = arith.constant 0 : i32
      %dma_start3A_279 = tpu.memref_slice %arg7[%dma_start3A_271, %dma_start3A_272, %dma_start3A_278] : memref<2x11x128xi32, #tpu.memory_space<vmem>> -> memref<1x1x128xi32, #tpu.memory_space<vmem>>
      %dma_start3A_280 = tpu.memref_squeeze %dma_start3A_279 : memref<1x1x128xi32, #tpu.memory_space<vmem>> -> memref<128xi32, #tpu.memory_space<vmem>>
      %dma_start3A_281 = arith.constant 0 : i32
      %dma_start3A_282 = arith.constant 0 : i32
      %dma_start3A_283 = tpu.memref_slice %arg6[%dma_start3A_281, %dma_start3A_282] : memref<16384x64xbf16, #tpu.memory_space<vmem_shared>> -> memref<16384x64xbf16, #tpu.memory_space<vmem_shared>>
      tpu.enqueue_indirect_dma source(%dma_start3A_283 : memref<16384x64xbf16, #tpu.memory_space<vmem_shared>>) target(%dma_start3A_277 : memref<128x64xbf16, #tpu.memory_space<vmem>>) offsets(%dma_start3A_280 : memref<128xi32, #tpu.memory_space<vmem>>) semaphore(%arg12 : memref<!tpu.dma_semaphore, #tpu.memory_space<semaphore_mem>>)
      %dma_start3A_284 = arith.constant 1 : i32
      %dma_start3A_285 = arith.constant 9 : i32
      %dma_start3A_286 = arith.constant 1 : i32
      %dma_start3A_287 = arith.constant 1152 : i32
      %dma_start3A_288 = arith.constant 0 : i32
      %dma_start3A_289 = tpu.memref_slice %arg9[%dma_start3A_286, %dma_start3A_287, %dma_start3A_288] : memref<2x1408x64xbf16, #tpu.memory_space<vmem>> -> memref<1x128x64xbf16, #tpu.memory_space<vmem>>
      %dma_start3A_290 = tpu.memref_squeeze %dma_start3A_289 : memref<1x128x64xbf16, #tpu.memory_space<vmem>> -> memref<128x64xbf16, #tpu.memory_space<vmem>>
      %dma_start3A_291 = arith.constant 0 : i32
      %dma_start3A_292 = tpu.memref_slice %arg7[%dma_start3A_284, %dma_start3A_285, %dma_start3A_291] : memref<2x11x128xi32, #tpu.memory_space<vmem>> -> memref<1x1x128xi32, #tpu.memory_space<vmem>>
      %dma_start3A_293 = tpu.memref_squeeze %dma_start3A_292 : memref<1x1x128xi32, #tpu.memory_space<vmem>> -> memref<128xi32, #tpu.memory_space<vmem>>
      %dma_start3A_294 = arith.constant 0 : i32
      %dma_start3A_295 = arith.constant 0 : i32
      %dma_start3A_296 = tpu.memref_slice %arg6[%dma_start3A_294, %dma_start3A_295] : memref<16384x64xbf16, #tpu.memory_space<vmem_shared>> -> memref<16384x64xbf16, #tpu.memory_space<vmem_shared>>
      tpu.enqueue_indirect_dma source(%dma_start3A_296 : memref<16384x64xbf16, #tpu.memory_space<vmem_shared>>) target(%dma_start3A_290 : memref<128x64xbf16, #tpu.memory_space<vmem>>) offsets(%dma_start3A_293 : memref<128xi32, #tpu.memory_space<vmem>>) semaphore(%arg12 : memref<!tpu.dma_semaphore, #tpu.memory_space<semaphore_mem>>)
      %dma_start3A_297 = arith.constant 1 : i32
      %dma_start3A_298 = arith.constant 10 : i32
      %dma_start3A_299 = arith.constant 1 : i32
      %dma_start3A_300 = arith.constant 1280 : i32
      %dma_start3A_301 = arith.constant 0 : i32
      %dma_start3A_302 = tpu.memref_slice %arg9[%dma_start3A_299, %dma_start3A_300, %dma_start3A_301] : memref<2x1408x64xbf16, #tpu.memory_space<vmem>> -> memref<1x128x64xbf16, #tpu.memory_space<vmem>>
      %dma_start3A_303 = tpu.memref_squeeze %dma_start3A_302 : memref<1x128x64xbf16, #tpu.memory_space<vmem>> -> memref<128x64xbf16, #tpu.memory_space<vmem>>
      %dma_start3A_304 = arith.constant 0 : i32
      %dma_start3A_305 = tpu.memref_slice %arg7[%dma_start3A_297, %dma_start3A_298, %dma_start3A_304] : memref<2x11x128xi32, #tpu.memory_space<vmem>> -> memref<1x1x128xi32, #tpu.memory_space<vmem>>
      %dma_start3A_306 = tpu.memref_squeeze %dma_start3A_305 : memref<1x1x128xi32, #tpu.memory_space<vmem>> -> memref<128xi32, #tpu.memory_space<vmem>>
      %dma_start3A_307 = arith.constant 0 : i32
      %dma_start3A_308 = arith.constant 0 : i32
      %dma_start3A_309 = tpu.memref_slice %arg6[%dma_start3A_307, %dma_start3A_308] : memref<16384x64xbf16, #tpu.memory_space<vmem_shared>> -> memref<16384x64xbf16, #tpu.memory_space<vmem_shared>>
      tpu.enqueue_indirect_dma source(%dma_start3A_309 : memref<16384x64xbf16, #tpu.memory_space<vmem_shared>>) target(%dma_start3A_303 : memref<128x64xbf16, #tpu.memory_space<vmem>>) offsets(%dma_start3A_306 : memref<128xi32, #tpu.memory_space<vmem>>) semaphore(%arg12 : memref<!tpu.dma_semaphore, #tpu.memory_space<semaphore_mem>>)
      %dma_wait3A = arith.constant 0 : i32
      %dma_wait3A_310 = arith.constant 0 : i32
      %dma_wait3A_311 = arith.constant 0 : i32
      %dma_wait3A_312 = arith.constant 0 : i32
      %dma_wait3A_313 = arith.constant 0 : i32
      %dma_wait3A_314 = tpu.memref_slice %arg9[%dma_wait3A_311, %dma_wait3A_312, %dma_wait3A_313] : memref<2x1408x64xbf16, #tpu.memory_space<vmem>> -> memref<1x128x64xbf16, #tpu.memory_space<vmem>>
      %dma_wait3A_315 = tpu.memref_squeeze %dma_wait3A_314 : memref<1x128x64xbf16, #tpu.memory_space<vmem>> -> memref<128x64xbf16, #tpu.memory_space<vmem>>
      %dma_wait3A_316 = arith.constant 0 : i32
      %dma_wait3A_317 = tpu.memref_slice %arg7[%dma_wait3A, %dma_wait3A_310, %dma_wait3A_316] : memref<2x11x128xi32, #tpu.memory_space<vmem>> -> memref<1x1x128xi32, #tpu.memory_space<vmem>>
      %dma_wait3A_318 = tpu.memref_squeeze %dma_wait3A_317 : memref<1x1x128xi32, #tpu.memory_space<vmem>> -> memref<128xi32, #tpu.memory_space<vmem>>
      %dma_wait3A_319 = arith.constant 0 : i32
      %dma_wait3A_320 = arith.constant 0 : i32
      %dma_wait3A_321 = tpu.memref_slice %arg6[%dma_wait3A_319, %dma_wait3A_320] : memref<16384x64xbf16, #tpu.memory_space<vmem_shared>> -> memref<16384x64xbf16, #tpu.memory_space<vmem_shared>>
      tpu.wait_indirect_dma semaphore(%arg11 : memref<!tpu.dma_semaphore, #tpu.memory_space<semaphore_mem>>) src(%dma_wait3A_321 : memref<16384x64xbf16, #tpu.memory_space<vmem_shared>>) dst(%dma_wait3A_315 : memref<128x64xbf16, #tpu.memory_space<vmem>>)
      %dma_wait3A_322 = arith.constant 0 : i32
      %dma_wait3A_323 = arith.constant 1 : i32
      %dma_wait3A_324 = arith.constant 0 : i32
      %dma_wait3A_325 = arith.constant 128 : i32
      %dma_wait3A_326 = arith.constant 0 : i32
      %dma_wait3A_327 = tpu.memref_slice %arg9[%dma_wait3A_324, %dma_wait3A_325, %dma_wait3A_326] : memref<2x1408x64xbf16, #tpu.memory_space<vmem>> -> memref<1x128x64xbf16, #tpu.memory_space<vmem>>
      %dma_wait3A_328 = tpu.memref_squeeze %dma_wait3A_327 : memref<1x128x64xbf16, #tpu.memory_space<vmem>> -> memref<128x64xbf16, #tpu.memory_space<vmem>>
      %dma_wait3A_329 = arith.constant 0 : i32
      %dma_wait3A_330 = tpu.memref_slice %arg7[%dma_wait3A_322, %dma_wait3A_323, %dma_wait3A_329] : memref<2x11x128xi32, #tpu.memory_space<vmem>> -> memref<1x1x128xi32, #tpu.memory_space<vmem>>
      %dma_wait3A_331 = tpu.memref_squeeze %dma_wait3A_330 : memref<1x1x128xi32, #tpu.memory_space<vmem>> -> memref<128xi32, #tpu.memory_space<vmem>>
      %dma_wait3A_332 = arith.constant 0 : i32
      %dma_wait3A_333 = arith.constant 0 : i32
      %dma_wait3A_334 = tpu.memref_slice %arg6[%dma_wait3A_332, %dma_wait3A_333] : memref<16384x64xbf16, #tpu.memory_space<vmem_shared>> -> memref<16384x64xbf16, #tpu.memory_space<vmem_shared>>
      tpu.wait_indirect_dma semaphore(%arg11 : memref<!tpu.dma_semaphore, #tpu.memory_space<semaphore_mem>>) src(%dma_wait3A_334 : memref<16384x64xbf16, #tpu.memory_space<vmem_shared>>) dst(%dma_wait3A_328 : memref<128x64xbf16, #tpu.memory_space<vmem>>)
      %dma_wait3A_335 = arith.constant 0 : i32
      %dma_wait3A_336 = arith.constant 2 : i32
      %dma_wait3A_337 = arith.constant 0 : i32
      %dma_wait3A_338 = arith.constant 256 : i32
      %dma_wait3A_339 = arith.constant 0 : i32
      %dma_wait3A_340 = tpu.memref_slice %arg9[%dma_wait3A_337, %dma_wait3A_338, %dma_wait3A_339] : memref<2x1408x64xbf16, #tpu.memory_space<vmem>> -> memref<1x128x64xbf16, #tpu.memory_space<vmem>>
      %dma_wait3A_341 = tpu.memref_squeeze %dma_wait3A_340 : memref<1x128x64xbf16, #tpu.memory_space<vmem>> -> memref<128x64xbf16, #tpu.memory_space<vmem>>
      %dma_wait3A_342 = arith.constant 0 : i32
      %dma_wait3A_343 = tpu.memref_slice %arg7[%dma_wait3A_335, %dma_wait3A_336, %dma_wait3A_342] : memref<2x11x128xi32, #tpu.memory_space<vmem>> -> memref<1x1x128xi32, #tpu.memory_space<vmem>>
      %dma_wait3A_344 = tpu.memref_squeeze %dma_wait3A_343 : memref<1x1x128xi32, #tpu.memory_space<vmem>> -> memref<128xi32, #tpu.memory_space<vmem>>
      %dma_wait3A_345 = arith.constant 0 : i32
      %dma_wait3A_346 = arith.constant 0 : i32
      %dma_wait3A_347 = tpu.memref_slice %arg6[%dma_wait3A_345, %dma_wait3A_346] : memref<16384x64xbf16, #tpu.memory_space<vmem_shared>> -> memref<16384x64xbf16, #tpu.memory_space<vmem_shared>>
      tpu.wait_indirect_dma semaphore(%arg11 : memref<!tpu.dma_semaphore, #tpu.memory_space<semaphore_mem>>) src(%dma_wait3A_347 : memref<16384x64xbf16, #tpu.memory_space<vmem_shared>>) dst(%dma_wait3A_341 : memref<128x64xbf16, #tpu.memory_space<vmem>>)
      %dma_wait3A_348 = arith.constant 0 : i32
      %dma_wait3A_349 = arith.constant 3 : i32
      %dma_wait3A_350 = arith.constant 0 : i32
      %dma_wait3A_351 = arith.constant 384 : i32
      %dma_wait3A_352 = arith.constant 0 : i32
      %dma_wait3A_353 = tpu.memref_slice %arg9[%dma_wait3A_350, %dma_wait3A_351, %dma_wait3A_352] : memref<2x1408x64xbf16, #tpu.memory_space<vmem>> -> memref<1x128x64xbf16, #tpu.memory_space<vmem>>
      %dma_wait3A_354 = tpu.memref_squeeze %dma_wait3A_353 : memref<1x128x64xbf16, #tpu.memory_space<vmem>> -> memref<128x64xbf16, #tpu.memory_space<vmem>>
      %dma_wait3A_355 = arith.constant 0 : i32
      %dma_wait3A_356 = tpu.memref_slice %arg7[%dma_wait3A_348, %dma_wait3A_349, %dma_wait3A_355] : memref<2x11x128xi32, #tpu.memory_space<vmem>> -> memref<1x1x128xi32, #tpu.memory_space<vmem>>
      %dma_wait3A_357 = tpu.memref_squeeze %dma_wait3A_356 : memref<1x1x128xi32, #tpu.memory_space<vmem>> -> memref<128xi32, #tpu.memory_space<vmem>>
      %dma_wait3A_358 = arith.constant 0 : i32
      %dma_wait3A_359 = arith.constant 0 : i32
      %dma_wait3A_360 = tpu.memref_slice %arg6[%dma_wait3A_358, %dma_wait3A_359] : memref<16384x64xbf16, #tpu.memory_space<vmem_shared>> -> memref<16384x64xbf16, #tpu.memory_space<vmem_shared>>
      tpu.wait_indirect_dma semaphore(%arg11 : memref<!tpu.dma_semaphore, #tpu.memory_space<semaphore_mem>>) src(%dma_wait3A_360 : memref<16384x64xbf16, #tpu.memory_space<vmem_shared>>) dst(%dma_wait3A_354 : memref<128x64xbf16, #tpu.memory_space<vmem>>)
      %dma_wait3A_361 = arith.constant 0 : i32
      %dma_wait3A_362 = arith.constant 4 : i32
      %dma_wait3A_363 = arith.constant 0 : i32
      %dma_wait3A_364 = arith.constant 512 : i32
      %dma_wait3A_365 = arith.constant 0 : i32
      %dma_wait3A_366 = tpu.memref_slice %arg9[%dma_wait3A_363, %dma_wait3A_364, %dma_wait3A_365] : memref<2x1408x64xbf16, #tpu.memory_space<vmem>> -> memref<1x128x64xbf16, #tpu.memory_space<vmem>>
      %dma_wait3A_367 = tpu.memref_squeeze %dma_wait3A_366 : memref<1x128x64xbf16, #tpu.memory_space<vmem>> -> memref<128x64xbf16, #tpu.memory_space<vmem>>
      %dma_wait3A_368 = arith.constant 0 : i32
      %dma_wait3A_369 = tpu.memref_slice %arg7[%dma_wait3A_361, %dma_wait3A_362, %dma_wait3A_368] : memref<2x11x128xi32, #tpu.memory_space<vmem>> -> memref<1x1x128xi32, #tpu.memory_space<vmem>>
      %dma_wait3A_370 = tpu.memref_squeeze %dma_wait3A_369 : memref<1x1x128xi32, #tpu.memory_space<vmem>> -> memref<128xi32, #tpu.memory_space<vmem>>
      %dma_wait3A_371 = arith.constant 0 : i32
      %dma_wait3A_372 = arith.constant 0 : i32
      %dma_wait3A_373 = tpu.memref_slice %arg6[%dma_wait3A_371, %dma_wait3A_372] : memref<16384x64xbf16, #tpu.memory_space<vmem_shared>> -> memref<16384x64xbf16, #tpu.memory_space<vmem_shared>>
      tpu.wait_indirect_dma semaphore(%arg11 : memref<!tpu.dma_semaphore, #tpu.memory_space<semaphore_mem>>) src(%dma_wait3A_373 : memref<16384x64xbf16, #tpu.memory_space<vmem_shared>>) dst(%dma_wait3A_367 : memref<128x64xbf16, #tpu.memory_space<vmem>>)
      %dma_wait3A_374 = arith.constant 0 : i32
      %dma_wait3A_375 = arith.constant 5 : i32
      %dma_wait3A_376 = arith.constant 0 : i32
      %dma_wait3A_377 = arith.constant 640 : i32
      %dma_wait3A_378 = arith.constant 0 : i32
      %dma_wait3A_379 = tpu.memref_slice %arg9[%dma_wait3A_376, %dma_wait3A_377, %dma_wait3A_378] : memref<2x1408x64xbf16, #tpu.memory_space<vmem>> -> memref<1x128x64xbf16, #tpu.memory_space<vmem>>
      %dma_wait3A_380 = tpu.memref_squeeze %dma_wait3A_379 : memref<1x128x64xbf16, #tpu.memory_space<vmem>> -> memref<128x64xbf16, #tpu.memory_space<vmem>>
      %dma_wait3A_381 = arith.constant 0 : i32
      %dma_wait3A_382 = tpu.memref_slice %arg7[%dma_wait3A_374, %dma_wait3A_375, %dma_wait3A_381] : memref<2x11x128xi32, #tpu.memory_space<vmem>> -> memref<1x1x128xi32, #tpu.memory_space<vmem>>
      %dma_wait3A_383 = tpu.memref_squeeze %dma_wait3A_382 : memref<1x1x128xi32, #tpu.memory_space<vmem>> -> memref<128xi32, #tpu.memory_space<vmem>>
      %dma_wait3A_384 = arith.constant 0 : i32
      %dma_wait3A_385 = arith.constant 0 : i32
      %dma_wait3A_386 = tpu.memref_slice %arg6[%dma_wait3A_384, %dma_wait3A_385] : memref<16384x64xbf16, #tpu.memory_space<vmem_shared>> -> memref<16384x64xbf16, #tpu.memory_space<vmem_shared>>
      tpu.wait_indirect_dma semaphore(%arg11 : memref<!tpu.dma_semaphore, #tpu.memory_space<semaphore_mem>>) src(%dma_wait3A_386 : memref<16384x64xbf16, #tpu.memory_space<vmem_shared>>) dst(%dma_wait3A_380 : memref<128x64xbf16, #tpu.memory_space<vmem>>)
      %dma_wait3A_387 = arith.constant 0 : i32
      %dma_wait3A_388 = arith.constant 6 : i32
      %dma_wait3A_389 = arith.constant 0 : i32
      %dma_wait3A_390 = arith.constant 768 : i32
      %dma_wait3A_391 = arith.constant 0 : i32
      %dma_wait3A_392 = tpu.memref_slice %arg9[%dma_wait3A_389, %dma_wait3A_390, %dma_wait3A_391] : memref<2x1408x64xbf16, #tpu.memory_space<vmem>> -> memref<1x128x64xbf16, #tpu.memory_space<vmem>>
      %dma_wait3A_393 = tpu.memref_squeeze %dma_wait3A_392 : memref<1x128x64xbf16, #tpu.memory_space<vmem>> -> memref<128x64xbf16, #tpu.memory_space<vmem>>
      %dma_wait3A_394 = arith.constant 0 : i32
      %dma_wait3A_395 = tpu.memref_slice %arg7[%dma_wait3A_387, %dma_wait3A_388, %dma_wait3A_394] : memref<2x11x128xi32, #tpu.memory_space<vmem>> -> memref<1x1x128xi32, #tpu.memory_space<vmem>>
      %dma_wait3A_396 = tpu.memref_squeeze %dma_wait3A_395 : memref<1x1x128xi32, #tpu.memory_space<vmem>> -> memref<128xi32, #tpu.memory_space<vmem>>
      %dma_wait3A_397 = arith.constant 0 : i32
      %dma_wait3A_398 = arith.constant 0 : i32
      %dma_wait3A_399 = tpu.memref_slice %arg6[%dma_wait3A_397, %dma_wait3A_398] : memref<16384x64xbf16, #tpu.memory_space<vmem_shared>> -> memref<16384x64xbf16, #tpu.memory_space<vmem_shared>>
      tpu.wait_indirect_dma semaphore(%arg11 : memref<!tpu.dma_semaphore, #tpu.memory_space<semaphore_mem>>) src(%dma_wait3A_399 : memref<16384x64xbf16, #tpu.memory_space<vmem_shared>>) dst(%dma_wait3A_393 : memref<128x64xbf16, #tpu.memory_space<vmem>>)
      %dma_wait3A_400 = arith.constant 0 : i32
      %dma_wait3A_401 = arith.constant 7 : i32
      %dma_wait3A_402 = arith.constant 0 : i32
      %dma_wait3A_403 = arith.constant 896 : i32
      %dma_wait3A_404 = arith.constant 0 : i32
      %dma_wait3A_405 = tpu.memref_slice %arg9[%dma_wait3A_402, %dma_wait3A_403, %dma_wait3A_404] : memref<2x1408x64xbf16, #tpu.memory_space<vmem>> -> memref<1x128x64xbf16, #tpu.memory_space<vmem>>
      %dma_wait3A_406 = tpu.memref_squeeze %dma_wait3A_405 : memref<1x128x64xbf16, #tpu.memory_space<vmem>> -> memref<128x64xbf16, #tpu.memory_space<vmem>>
      %dma_wait3A_407 = arith.constant 0 : i32
      %dma_wait3A_408 = tpu.memref_slice %arg7[%dma_wait3A_400, %dma_wait3A_401, %dma_wait3A_407] : memref<2x11x128xi32, #tpu.memory_space<vmem>> -> memref<1x1x128xi32, #tpu.memory_space<vmem>>
      %dma_wait3A_409 = tpu.memref_squeeze %dma_wait3A_408 : memref<1x1x128xi32, #tpu.memory_space<vmem>> -> memref<128xi32, #tpu.memory_space<vmem>>
      %dma_wait3A_410 = arith.constant 0 : i32
      %dma_wait3A_411 = arith.constant 0 : i32
      %dma_wait3A_412 = tpu.memref_slice %arg6[%dma_wait3A_410, %dma_wait3A_411] : memref<16384x64xbf16, #tpu.memory_space<vmem_shared>> -> memref<16384x64xbf16, #tpu.memory_space<vmem_shared>>
      tpu.wait_indirect_dma semaphore(%arg11 : memref<!tpu.dma_semaphore, #tpu.memory_space<semaphore_mem>>) src(%dma_wait3A_412 : memref<16384x64xbf16, #tpu.memory_space<vmem_shared>>) dst(%dma_wait3A_406 : memref<128x64xbf16, #tpu.memory_space<vmem>>)
      %dma_wait3A_413 = arith.constant 0 : i32
      %dma_wait3A_414 = arith.constant 8 : i32
      %dma_wait3A_415 = arith.constant 0 : i32
      %dma_wait3A_416 = arith.constant 1024 : i32
      %dma_wait3A_417 = arith.constant 0 : i32
      %dma_wait3A_418 = tpu.memref_slice %arg9[%dma_wait3A_415, %dma_wait3A_416, %dma_wait3A_417] : memref<2x1408x64xbf16, #tpu.memory_space<vmem>> -> memref<1x128x64xbf16, #tpu.memory_space<vmem>>
      %dma_wait3A_419 = tpu.memref_squeeze %dma_wait3A_418 : memref<1x128x64xbf16, #tpu.memory_space<vmem>> -> memref<128x64xbf16, #tpu.memory_space<vmem>>
      %dma_wait3A_420 = arith.constant 0 : i32
      %dma_wait3A_421 = tpu.memref_slice %arg7[%dma_wait3A_413, %dma_wait3A_414, %dma_wait3A_420] : memref<2x11x128xi32, #tpu.memory_space<vmem>> -> memref<1x1x128xi32, #tpu.memory_space<vmem>>
      %dma_wait3A_422 = tpu.memref_squeeze %dma_wait3A_421 : memref<1x1x128xi32, #tpu.memory_space<vmem>> -> memref<128xi32, #tpu.memory_space<vmem>>
      %dma_wait3A_423 = arith.constant 0 : i32
      %dma_wait3A_424 = arith.constant 0 : i32
      %dma_wait3A_425 = tpu.memref_slice %arg6[%dma_wait3A_423, %dma_wait3A_424] : memref<16384x64xbf16, #tpu.memory_space<vmem_shared>> -> memref<16384x64xbf16, #tpu.memory_space<vmem_shared>>
      tpu.wait_indirect_dma semaphore(%arg11 : memref<!tpu.dma_semaphore, #tpu.memory_space<semaphore_mem>>) src(%dma_wait3A_425 : memref<16384x64xbf16, #tpu.memory_space<vmem_shared>>) dst(%dma_wait3A_419 : memref<128x64xbf16, #tpu.memory_space<vmem>>)
      %dma_wait3A_426 = arith.constant 0 : i32
      %dma_wait3A_427 = arith.constant 9 : i32
      %dma_wait3A_428 = arith.constant 0 : i32
      %dma_wait3A_429 = arith.constant 1152 : i32
      %dma_wait3A_430 = arith.constant 0 : i32
      %dma_wait3A_431 = tpu.memref_slice %arg9[%dma_wait3A_428, %dma_wait3A_429, %dma_wait3A_430] : memref<2x1408x64xbf16, #tpu.memory_space<vmem>> -> memref<1x128x64xbf16, #tpu.memory_space<vmem>>
      %dma_wait3A_432 = tpu.memref_squeeze %dma_wait3A_431 : memref<1x128x64xbf16, #tpu.memory_space<vmem>> -> memref<128x64xbf16, #tpu.memory_space<vmem>>
      %dma_wait3A_433 = arith.constant 0 : i32
      %dma_wait3A_434 = tpu.memref_slice %arg7[%dma_wait3A_426, %dma_wait3A_427, %dma_wait3A_433] : memref<2x11x128xi32, #tpu.memory_space<vmem>> -> memref<1x1x128xi32, #tpu.memory_space<vmem>>
      %dma_wait3A_435 = tpu.memref_squeeze %dma_wait3A_434 : memref<1x1x128xi32, #tpu.memory_space<vmem>> -> memref<128xi32, #tpu.memory_space<vmem>>
      %dma_wait3A_436 = arith.constant 0 : i32
      %dma_wait3A_437 = arith.constant 0 : i32
      %dma_wait3A_438 = tpu.memref_slice %arg6[%dma_wait3A_436, %dma_wait3A_437] : memref<16384x64xbf16, #tpu.memory_space<vmem_shared>> -> memref<16384x64xbf16, #tpu.memory_space<vmem_shared>>
      tpu.wait_indirect_dma semaphore(%arg11 : memref<!tpu.dma_semaphore, #tpu.memory_space<semaphore_mem>>) src(%dma_wait3A_438 : memref<16384x64xbf16, #tpu.memory_space<vmem_shared>>) dst(%dma_wait3A_432 : memref<128x64xbf16, #tpu.memory_space<vmem>>)
      %dma_wait3A_439 = arith.constant 0 : i32
      %dma_wait3A_440 = arith.constant 10 : i32
      %dma_wait3A_441 = arith.constant 0 : i32
      %dma_wait3A_442 = arith.constant 1280 : i32
      %dma_wait3A_443 = arith.constant 0 : i32
      %dma_wait3A_444 = tpu.memref_slice %arg9[%dma_wait3A_441, %dma_wait3A_442, %dma_wait3A_443] : memref<2x1408x64xbf16, #tpu.memory_space<vmem>> -> memref<1x128x64xbf16, #tpu.memory_space<vmem>>
      %dma_wait3A_445 = tpu.memref_squeeze %dma_wait3A_444 : memref<1x128x64xbf16, #tpu.memory_space<vmem>> -> memref<128x64xbf16, #tpu.memory_space<vmem>>
      %dma_wait3A_446 = arith.constant 0 : i32
      %dma_wait3A_447 = tpu.memref_slice %arg7[%dma_wait3A_439, %dma_wait3A_440, %dma_wait3A_446] : memref<2x11x128xi32, #tpu.memory_space<vmem>> -> memref<1x1x128xi32, #tpu.memory_space<vmem>>
      %dma_wait3A_448 = tpu.memref_squeeze %dma_wait3A_447 : memref<1x1x128xi32, #tpu.memory_space<vmem>> -> memref<128xi32, #tpu.memory_space<vmem>>
      %dma_wait3A_449 = arith.constant 0 : i32
      %dma_wait3A_450 = arith.constant 0 : i32
      %dma_wait3A_451 = tpu.memref_slice %arg6[%dma_wait3A_449, %dma_wait3A_450] : memref<16384x64xbf16, #tpu.memory_space<vmem_shared>> -> memref<16384x64xbf16, #tpu.memory_space<vmem_shared>>
      tpu.wait_indirect_dma semaphore(%arg11 : memref<!tpu.dma_semaphore, #tpu.memory_space<semaphore_mem>>) src(%dma_wait3A_451 : memref<16384x64xbf16, #tpu.memory_space<vmem_shared>>) dst(%dma_wait3A_445 : memref<128x64xbf16, #tpu.memory_space<vmem>>)
      %mul3A_452 = arith.constant 64 : i32
      %mul3A_453 = arith.muli %add3A, %mul3A_452 : i32
      %add3A_454 = arith.addi %mul3A_453, %mul3A_159 : i32
      %parallel_loop3A = arith.constant 0 : i32
      %parallel_loop3A_455 = arith.constant 8 : i32
      %parallel_loop3A_456 = arith.constant 1 : i32
      scf.for %parallel_loop3A_616 = %parallel_loop3A to %parallel_loop3A_455 step %parallel_loop3A_456  : i32 {
        %parallel_loop3A_617 = arith.constant 0.000000e+00 : f32
        %parallel_loop3A_618 = vector.broadcast %parallel_loop3A_617 : f32 to vector<16xf32>
        %parallel_loop3A_619 = arith.constant 0 : i32
        %parallel_loop3A_620 = arith.constant 11 : i32
        %parallel_loop3A_621 = arith.constant 1 : i32
        %parallel_loop3A_622:4 = scf.for %parallel_loop3A_635 = %parallel_loop3A_619 to %parallel_loop3A_620 step %parallel_loop3A_621 iter_args(%parallel_loop3A_636 = %parallel_loop3A_618, %parallel_loop3A_637 = %parallel_loop3A_618, %parallel_loop3A_638 = %parallel_loop3A_618, %parallel_loop3A_639 = %parallel_loop3A_618) -> (vector<16xf32>, vector<16xf32>, vector<16xf32>, vector<16xf32>)  : i32 {
          %parallel_loop3A_640 = arith.constant 176 : i32
          %parallel_loop3A_641 = arith.muli %parallel_loop3A_616, %parallel_loop3A_640 : i32
          %parallel_loop3A_642 = arith.constant 16 : i32
          %parallel_loop3A_643 = arith.muli %parallel_loop3A_635, %parallel_loop3A_642 : i32
          %parallel_loop3A_644 = arith.addi %parallel_loop3A_641, %parallel_loop3A_643 : i32
          %parallel_loop3A_645 = arith.constant 0 : i32
          %parallel_loop3A_646 = arith.index_cast %parallel_loop3A_645 : i32 to index
          %parallel_loop3A_647 = arith.index_cast %parallel_loop3A_644 : i32 to index
          %parallel_loop3A_648 = tpu.vector_load %arg8[%parallel_loop3A_646, %parallel_loop3A_647] {strides = array<i32>} : memref<2x1408xf32, #tpu.memory_space<vmem>>, vector<16xf32>,
          %parallel_loop3A_649 = vector.extract_strided_slice %parallel_loop3A_648 {offsets = [0], sizes = [1], strides = [1]} : vector<16xf32> to vector<1xf32>
          %parallel_loop3A_650 = vector.extract %parallel_loop3A_649[0] : f32 from vector<1xf32>
          %parallel_loop3A_651 = arith.constant 0 : i32
          %parallel_loop3A_652 = arith.addi %parallel_loop3A_644, %parallel_loop3A_651 : i32
          %parallel_loop3A_653 = arith.constant 0 : i32
          %parallel_loop3A_654 = arith.index_cast %parallel_loop3A_653 : i32 to index
          %parallel_loop3A_655 = arith.index_cast %parallel_loop3A_652 : i32 to index
          %parallel_loop3A_656 = arith.constant 0 : index
          %parallel_loop3A_657 = tpu.vector_load %arg9[%parallel_loop3A_654, %parallel_loop3A_655, %parallel_loop3A_656] {strides = array<i32>} : memref<2x1408x64xbf16, #tpu.memory_space<vmem>>, vector<32xbf16>,
          %parallel_loop3A_658 = tpu.unpack_subelements %parallel_loop3A_657, 0 {pack_format = #tpu.pack_format<interleaved>} : vector<32xbf16> -> vector<16xf32>
          %parallel_loop3A_659 = tpu.unpack_subelements %parallel_loop3A_657, 1 {pack_format = #tpu.pack_format<interleaved>} : vector<32xbf16> -> vector<16xf32>
          %parallel_loop3A_660 = arith.constant 0 : i32
          %parallel_loop3A_661 = arith.addi %parallel_loop3A_644, %parallel_loop3A_660 : i32
          %parallel_loop3A_662 = arith.constant 0 : i32
          %parallel_loop3A_663 = arith.index_cast %parallel_loop3A_662 : i32 to index
          %parallel_loop3A_664 = arith.index_cast %parallel_loop3A_661 : i32 to index
          %parallel_loop3A_665 = arith.constant 32 : index
          %parallel_loop3A_666 = tpu.vector_load %arg9[%parallel_loop3A_663, %parallel_loop3A_664, %parallel_loop3A_665] {strides = array<i32>} : memref<2x1408x64xbf16, #tpu.memory_space<vmem>>, vector<32xbf16>,
          %parallel_loop3A_667 = tpu.unpack_subelements %parallel_loop3A_666, 0 {pack_format = #tpu.pack_format<interleaved>} : vector<32xbf16> -> vector<16xf32>
          %parallel_loop3A_668 = tpu.unpack_subelements %parallel_loop3A_666, 1 {pack_format = #tpu.pack_format<interleaved>} : vector<32xbf16> -> vector<16xf32>
          %parallel_loop3A_669 = vector.broadcast %parallel_loop3A_650 : f32 to vector<16xf32>
          %parallel_loop3A_670 = arith.mulf %parallel_loop3A_669, %parallel_loop3A_658 : vector<16xf32>
          %parallel_loop3A_671 = arith.addf %parallel_loop3A_636, %parallel_loop3A_670 : vector<16xf32>
          %parallel_loop3A_672 = vector.broadcast %parallel_loop3A_650 : f32 to vector<16xf32>
          %parallel_loop3A_673 = arith.mulf %parallel_loop3A_672, %parallel_loop3A_659 : vector<16xf32>
          %parallel_loop3A_674 = arith.addf %parallel_loop3A_637, %parallel_loop3A_673 : vector<16xf32>
          %parallel_loop3A_675 = vector.broadcast %parallel_loop3A_650 : f32 to vector<16xf32>
          %parallel_loop3A_676 = arith.mulf %parallel_loop3A_675, %parallel_loop3A_667 : vector<16xf32>
          %parallel_loop3A_677 = arith.addf %parallel_loop3A_638, %parallel_loop3A_676 : vector<16xf32>
          %parallel_loop3A_678 = vector.broadcast %parallel_loop3A_650 : f32 to vector<16xf32>
          %parallel_loop3A_679 = arith.mulf %parallel_loop3A_678, %parallel_loop3A_668 : vector<16xf32>
          %parallel_loop3A_680 = arith.addf %parallel_loop3A_639, %parallel_loop3A_679 : vector<16xf32>
          %parallel_loop3A_681 = vector.extract_strided_slice %parallel_loop3A_648 {offsets = [1], sizes = [1], strides = [1]} : vector<16xf32> to vector<1xf32>
          %parallel_loop3A_682 = vector.extract %parallel_loop3A_681[0] : f32 from vector<1xf32>
          %parallel_loop3A_683 = arith.constant 1 : i32
          %parallel_loop3A_684 = arith.addi %parallel_loop3A_644, %parallel_loop3A_683 : i32
          %parallel_loop3A_685 = arith.constant 0 : i32
          %parallel_loop3A_686 = arith.index_cast %parallel_loop3A_685 : i32 to index
          %parallel_loop3A_687 = arith.index_cast %parallel_loop3A_684 : i32 to index
          %parallel_loop3A_688 = arith.constant 0 : index
          %parallel_loop3A_689 = tpu.vector_load %arg9[%parallel_loop3A_686, %parallel_loop3A_687, %parallel_loop3A_688] {strides = array<i32>} : memref<2x1408x64xbf16, #tpu.memory_space<vmem>>, vector<32xbf16>,
          %parallel_loop3A_690 = tpu.unpack_subelements %parallel_loop3A_689, 0 {pack_format = #tpu.pack_format<interleaved>} : vector<32xbf16> -> vector<16xf32>
          %parallel_loop3A_691 = tpu.unpack_subelements %parallel_loop3A_689, 1 {pack_format = #tpu.pack_format<interleaved>} : vector<32xbf16> -> vector<16xf32>
          %parallel_loop3A_692 = arith.constant 1 : i32
          %parallel_loop3A_693 = arith.addi %parallel_loop3A_644, %parallel_loop3A_692 : i32
          %parallel_loop3A_694 = arith.constant 0 : i32
          %parallel_loop3A_695 = arith.index_cast %parallel_loop3A_694 : i32 to index
          %parallel_loop3A_696 = arith.index_cast %parallel_loop3A_693 : i32 to index
          %parallel_loop3A_697 = arith.constant 32 : index
          %parallel_loop3A_698 = tpu.vector_load %arg9[%parallel_loop3A_695, %parallel_loop3A_696, %parallel_loop3A_697] {strides = array<i32>} : memref<2x1408x64xbf16, #tpu.memory_space<vmem>>, vector<32xbf16>,
          %parallel_loop3A_699 = tpu.unpack_subelements %parallel_loop3A_698, 0 {pack_format = #tpu.pack_format<interleaved>} : vector<32xbf16> -> vector<16xf32>
          %parallel_loop3A_700 = tpu.unpack_subelements %parallel_loop3A_698, 1 {pack_format = #tpu.pack_format<interleaved>} : vector<32xbf16> -> vector<16xf32>
          %parallel_loop3A_701 = vector.broadcast %parallel_loop3A_682 : f32 to vector<16xf32>
          %parallel_loop3A_702 = arith.mulf %parallel_loop3A_701, %parallel_loop3A_690 : vector<16xf32>
          %parallel_loop3A_703 = arith.addf %parallel_loop3A_671, %parallel_loop3A_702 : vector<16xf32>
          %parallel_loop3A_704 = vector.broadcast %parallel_loop3A_682 : f32 to vector<16xf32>
          %parallel_loop3A_705 = arith.mulf %parallel_loop3A_704, %parallel_loop3A_691 : vector<16xf32>
          %parallel_loop3A_706 = arith.addf %parallel_loop3A_674, %parallel_loop3A_705 : vector<16xf32>
          %parallel_loop3A_707 = vector.broadcast %parallel_loop3A_682 : f32 to vector<16xf32>
          %parallel_loop3A_708 = arith.mulf %parallel_loop3A_707, %parallel_loop3A_699 : vector<16xf32>
          %parallel_loop3A_709 = arith.addf %parallel_loop3A_677, %parallel_loop3A_708 : vector<16xf32>
          %parallel_loop3A_710 = vector.broadcast %parallel_loop3A_682 : f32 to vector<16xf32>
          %parallel_loop3A_711 = arith.mulf %parallel_loop3A_710, %parallel_loop3A_700 : vector<16xf32>
          %parallel_loop3A_712 = arith.addf %parallel_loop3A_680, %parallel_loop3A_711 : vector<16xf32>
          %parallel_loop3A_713 = vector.extract_strided_slice %parallel_loop3A_648 {offsets = [2], sizes = [1], strides = [1]} : vector<16xf32> to vector<1xf32>
          %parallel_loop3A_714 = vector.extract %parallel_loop3A_713[0] : f32 from vector<1xf32>
          %parallel_loop3A_715 = arith.constant 2 : i32
          %parallel_loop3A_716 = arith.addi %parallel_loop3A_644, %parallel_loop3A_715 : i32
          %parallel_loop3A_717 = arith.constant 0 : i32
          %parallel_loop3A_718 = arith.index_cast %parallel_loop3A_717 : i32 to index
          %parallel_loop3A_719 = arith.index_cast %parallel_loop3A_716 : i32 to index
          %parallel_loop3A_720 = arith.constant 0 : index
          %parallel_loop3A_721 = tpu.vector_load %arg9[%parallel_loop3A_718, %parallel_loop3A_719, %parallel_loop3A_720] {strides = array<i32>} : memref<2x1408x64xbf16, #tpu.memory_space<vmem>>, vector<32xbf16>,
          %parallel_loop3A_722 = tpu.unpack_subelements %parallel_loop3A_721, 0 {pack_format = #tpu.pack_format<interleaved>} : vector<32xbf16> -> vector<16xf32>
          %parallel_loop3A_723 = tpu.unpack_subelements %parallel_loop3A_721, 1 {pack_format = #tpu.pack_format<interleaved>} : vector<32xbf16> -> vector<16xf32>
          %parallel_loop3A_724 = arith.constant 2 : i32
          %parallel_loop3A_725 = arith.addi %parallel_loop3A_644, %parallel_loop3A_724 : i32
          %parallel_loop3A_726 = arith.constant 0 : i32
          %parallel_loop3A_727 = arith.index_cast %parallel_loop3A_726 : i32 to index
          %parallel_loop3A_728 = arith.index_cast %parallel_loop3A_725 : i32 to index
          %parallel_loop3A_729 = arith.constant 32 : index
          %parallel_loop3A_730 = tpu.vector_load %arg9[%parallel_loop3A_727, %parallel_loop3A_728, %parallel_loop3A_729] {strides = array<i32>} : memref<2x1408x64xbf16, #tpu.memory_space<vmem>>, vector<32xbf16>,
          %parallel_loop3A_731 = tpu.unpack_subelements %parallel_loop3A_730, 0 {pack_format = #tpu.pack_format<interleaved>} : vector<32xbf16> -> vector<16xf32>
          %parallel_loop3A_732 = tpu.unpack_subelements %parallel_loop3A_730, 1 {pack_format = #tpu.pack_format<interleaved>} : vector<32xbf16> -> vector<16xf32>
          %parallel_loop3A_733 = vector.broadcast %parallel_loop3A_714 : f32 to vector<16xf32>
          %parallel_loop3A_734 = arith.mulf %parallel_loop3A_733, %parallel_loop3A_722 : vector<16xf32>
          %parallel_loop3A_735 = arith.addf %parallel_loop3A_703, %parallel_loop3A_734 : vector<16xf32>
          %parallel_loop3A_736 = vector.broadcast %parallel_loop3A_714 : f32 to vector<16xf32>
          %parallel_loop3A_737 = arith.mulf %parallel_loop3A_736, %parallel_loop3A_723 : vector<16xf32>
          %parallel_loop3A_738 = arith.addf %parallel_loop3A_706, %parallel_loop3A_737 : vector<16xf32>
          %parallel_loop3A_739 = vector.broadcast %parallel_loop3A_714 : f32 to vector<16xf32>
          %parallel_loop3A_740 = arith.mulf %parallel_loop3A_739, %parallel_loop3A_731 : vector<16xf32>
          %parallel_loop3A_741 = arith.addf %parallel_loop3A_709, %parallel_loop3A_740 : vector<16xf32>
          %parallel_loop3A_742 = vector.broadcast %parallel_loop3A_714 : f32 to vector<16xf32>
          %parallel_loop3A_743 = arith.mulf %parallel_loop3A_742, %parallel_loop3A_732 : vector<16xf32>
          %parallel_loop3A_744 = arith.addf %parallel_loop3A_712, %parallel_loop3A_743 : vector<16xf32>
          %parallel_loop3A_745 = vector.extract_strided_slice %parallel_loop3A_648 {offsets = [3], sizes = [1], strides = [1]} : vector<16xf32> to vector<1xf32>
          %parallel_loop3A_746 = vector.extract %parallel_loop3A_745[0] : f32 from vector<1xf32>
          %parallel_loop3A_747 = arith.constant 3 : i32
          %parallel_loop3A_748 = arith.addi %parallel_loop3A_644, %parallel_loop3A_747 : i32
          %parallel_loop3A_749 = arith.constant 0 : i32
          %parallel_loop3A_750 = arith.index_cast %parallel_loop3A_749 : i32 to index
          %parallel_loop3A_751 = arith.index_cast %parallel_loop3A_748 : i32 to index
          %parallel_loop3A_752 = arith.constant 0 : index
          %parallel_loop3A_753 = tpu.vector_load %arg9[%parallel_loop3A_750, %parallel_loop3A_751, %parallel_loop3A_752] {strides = array<i32>} : memref<2x1408x64xbf16, #tpu.memory_space<vmem>>, vector<32xbf16>,
          %parallel_loop3A_754 = tpu.unpack_subelements %parallel_loop3A_753, 0 {pack_format = #tpu.pack_format<interleaved>} : vector<32xbf16> -> vector<16xf32>
          %parallel_loop3A_755 = tpu.unpack_subelements %parallel_loop3A_753, 1 {pack_format = #tpu.pack_format<interleaved>} : vector<32xbf16> -> vector<16xf32>
          %parallel_loop3A_756 = arith.constant 3 : i32
          %parallel_loop3A_757 = arith.addi %parallel_loop3A_644, %parallel_loop3A_756 : i32
          %parallel_loop3A_758 = arith.constant 0 : i32
          %parallel_loop3A_759 = arith.index_cast %parallel_loop3A_758 : i32 to index
          %parallel_loop3A_760 = arith.index_cast %parallel_loop3A_757 : i32 to index
          %parallel_loop3A_761 = arith.constant 32 : index
          %parallel_loop3A_762 = tpu.vector_load %arg9[%parallel_loop3A_759, %parallel_loop3A_760, %parallel_loop3A_761] {strides = array<i32>} : memref<2x1408x64xbf16, #tpu.memory_space<vmem>>, vector<32xbf16>,
          %parallel_loop3A_763 = tpu.unpack_subelements %parallel_loop3A_762, 0 {pack_format = #tpu.pack_format<interleaved>} : vector<32xbf16> -> vector<16xf32>
          %parallel_loop3A_764 = tpu.unpack_subelements %parallel_loop3A_762, 1 {pack_format = #tpu.pack_format<interleaved>} : vector<32xbf16> -> vector<16xf32>
          %parallel_loop3A_765 = vector.broadcast %parallel_loop3A_746 : f32 to vector<16xf32>
          %parallel_loop3A_766 = arith.mulf %parallel_loop3A_765, %parallel_loop3A_754 : vector<16xf32>
          %parallel_loop3A_767 = arith.addf %parallel_loop3A_735, %parallel_loop3A_766 : vector<16xf32>
          %parallel_loop3A_768 = vector.broadcast %parallel_loop3A_746 : f32 to vector<16xf32>
          %parallel_loop3A_769 = arith.mulf %parallel_loop3A_768, %parallel_loop3A_755 : vector<16xf32>
          %parallel_loop3A_770 = arith.addf %parallel_loop3A_738, %parallel_loop3A_769 : vector<16xf32>
          %parallel_loop3A_771 = vector.broadcast %parallel_loop3A_746 : f32 to vector<16xf32>
          %parallel_loop3A_772 = arith.mulf %parallel_loop3A_771, %parallel_loop3A_763 : vector<16xf32>
          %parallel_loop3A_773 = arith.addf %parallel_loop3A_741, %parallel_loop3A_772 : vector<16xf32>
          %parallel_loop3A_774 = vector.broadcast %parallel_loop3A_746 : f32 to vector<16xf32>
          %parallel_loop3A_775 = arith.mulf %parallel_loop3A_774, %parallel_loop3A_764 : vector<16xf32>
          %parallel_loop3A_776 = arith.addf %parallel_loop3A_744, %parallel_loop3A_775 : vector<16xf32>
          %parallel_loop3A_777 = vector.extract_strided_slice %parallel_loop3A_648 {offsets = [4], sizes = [1], strides = [1]} : vector<16xf32> to vector<1xf32>
          %parallel_loop3A_778 = vector.extract %parallel_loop3A_777[0] : f32 from vector<1xf32>
          %parallel_loop3A_779 = arith.constant 4 : i32
          %parallel_loop3A_780 = arith.addi %parallel_loop3A_644, %parallel_loop3A_779 : i32
          %parallel_loop3A_781 = arith.constant 0 : i32
          %parallel_loop3A_782 = arith.index_cast %parallel_loop3A_781 : i32 to index
          %parallel_loop3A_783 = arith.index_cast %parallel_loop3A_780 : i32 to index
          %parallel_loop3A_784 = arith.constant 0 : index
          %parallel_loop3A_785 = tpu.vector_load %arg9[%parallel_loop3A_782, %parallel_loop3A_783, %parallel_loop3A_784] {strides = array<i32>} : memref<2x1408x64xbf16, #tpu.memory_space<vmem>>, vector<32xbf16>,
          %parallel_loop3A_786 = tpu.unpack_subelements %parallel_loop3A_785, 0 {pack_format = #tpu.pack_format<interleaved>} : vector<32xbf16> -> vector<16xf32>
          %parallel_loop3A_787 = tpu.unpack_subelements %parallel_loop3A_785, 1 {pack_format = #tpu.pack_format<interleaved>} : vector<32xbf16> -> vector<16xf32>
          %parallel_loop3A_788 = arith.constant 4 : i32
          %parallel_loop3A_789 = arith.addi %parallel_loop3A_644, %parallel_loop3A_788 : i32
          %parallel_loop3A_790 = arith.constant 0 : i32
          %parallel_loop3A_791 = arith.index_cast %parallel_loop3A_790 : i32 to index
          %parallel_loop3A_792 = arith.index_cast %parallel_loop3A_789 : i32 to index
          %parallel_loop3A_793 = arith.constant 32 : index
          %parallel_loop3A_794 = tpu.vector_load %arg9[%parallel_loop3A_791, %parallel_loop3A_792, %parallel_loop3A_793] {strides = array<i32>} : memref<2x1408x64xbf16, #tpu.memory_space<vmem>>, vector<32xbf16>,
          %parallel_loop3A_795 = tpu.unpack_subelements %parallel_loop3A_794, 0 {pack_format = #tpu.pack_format<interleaved>} : vector<32xbf16> -> vector<16xf32>
          %parallel_loop3A_796 = tpu.unpack_subelements %parallel_loop3A_794, 1 {pack_format = #tpu.pack_format<interleaved>} : vector<32xbf16> -> vector<16xf32>
          %parallel_loop3A_797 = vector.broadcast %parallel_loop3A_778 : f32 to vector<16xf32>
          %parallel_loop3A_798 = arith.mulf %parallel_loop3A_797, %parallel_loop3A_786 : vector<16xf32>
          %parallel_loop3A_799 = arith.addf %parallel_loop3A_767, %parallel_loop3A_798 : vector<16xf32>
          %parallel_loop3A_800 = vector.broadcast %parallel_loop3A_778 : f32 to vector<16xf32>
          %parallel_loop3A_801 = arith.mulf %parallel_loop3A_800, %parallel_loop3A_787 : vector<16xf32>
          %parallel_loop3A_802 = arith.addf %parallel_loop3A_770, %parallel_loop3A_801 : vector<16xf32>
          %parallel_loop3A_803 = vector.broadcast %parallel_loop3A_778 : f32 to vector<16xf32>
          %parallel_loop3A_804 = arith.mulf %parallel_loop3A_803, %parallel_loop3A_795 : vector<16xf32>
          %parallel_loop3A_805 = arith.addf %parallel_loop3A_773, %parallel_loop3A_804 : vector<16xf32>
          %parallel_loop3A_806 = vector.broadcast %parallel_loop3A_778 : f32 to vector<16xf32>
          %parallel_loop3A_807 = arith.mulf %parallel_loop3A_806, %parallel_loop3A_796 : vector<16xf32>
          %parallel_loop3A_808 = arith.addf %parallel_loop3A_776, %parallel_loop3A_807 : vector<16xf32>
          %parallel_loop3A_809 = vector.extract_strided_slice %parallel_loop3A_648 {offsets = [5], sizes = [1], strides = [1]} : vector<16xf32> to vector<1xf32>
          %parallel_loop3A_810 = vector.extract %parallel_loop3A_809[0] : f32 from vector<1xf32>
          %parallel_loop3A_811 = arith.constant 5 : i32
          %parallel_loop3A_812 = arith.addi %parallel_loop3A_644, %parallel_loop3A_811 : i32
          %parallel_loop3A_813 = arith.constant 0 : i32
          %parallel_loop3A_814 = arith.index_cast %parallel_loop3A_813 : i32 to index
          %parallel_loop3A_815 = arith.index_cast %parallel_loop3A_812 : i32 to index
          %parallel_loop3A_816 = arith.constant 0 : index
          %parallel_loop3A_817 = tpu.vector_load %arg9[%parallel_loop3A_814, %parallel_loop3A_815, %parallel_loop3A_816] {strides = array<i32>} : memref<2x1408x64xbf16, #tpu.memory_space<vmem>>, vector<32xbf16>,
          %parallel_loop3A_818 = tpu.unpack_subelements %parallel_loop3A_817, 0 {pack_format = #tpu.pack_format<interleaved>} : vector<32xbf16> -> vector<16xf32>
          %parallel_loop3A_819 = tpu.unpack_subelements %parallel_loop3A_817, 1 {pack_format = #tpu.pack_format<interleaved>} : vector<32xbf16> -> vector<16xf32>
          %parallel_loop3A_820 = arith.constant 5 : i32
          %parallel_loop3A_821 = arith.addi %parallel_loop3A_644, %parallel_loop3A_820 : i32
          %parallel_loop3A_822 = arith.constant 0 : i32
          %parallel_loop3A_823 = arith.index_cast %parallel_loop3A_822 : i32 to index
          %parallel_loop3A_824 = arith.index_cast %parallel_loop3A_821 : i32 to index
          %parallel_loop3A_825 = arith.constant 32 : index
          %parallel_loop3A_826 = tpu.vector_load %arg9[%parallel_loop3A_823, %parallel_loop3A_824, %parallel_loop3A_825] {strides = array<i32>} : memref<2x1408x64xbf16, #tpu.memory_space<vmem>>, vector<32xbf16>,
          %parallel_loop3A_827 = tpu.unpack_subelements %parallel_loop3A_826, 0 {pack_format = #tpu.pack_format<interleaved>} : vector<32xbf16> -> vector<16xf32>
          %parallel_loop3A_828 = tpu.unpack_subelements %parallel_loop3A_826, 1 {pack_format = #tpu.pack_format<interleaved>} : vector<32xbf16> -> vector<16xf32>
          %parallel_loop3A_829 = vector.broadcast %parallel_loop3A_810 : f32 to vector<16xf32>
          %parallel_loop3A_830 = arith.mulf %parallel_loop3A_829, %parallel_loop3A_818 : vector<16xf32>
          %parallel_loop3A_831 = arith.addf %parallel_loop3A_799, %parallel_loop3A_830 : vector<16xf32>
          %parallel_loop3A_832 = vector.broadcast %parallel_loop3A_810 : f32 to vector<16xf32>
          %parallel_loop3A_833 = arith.mulf %parallel_loop3A_832, %parallel_loop3A_819 : vector<16xf32>
          %parallel_loop3A_834 = arith.addf %parallel_loop3A_802, %parallel_loop3A_833 : vector<16xf32>
          %parallel_loop3A_835 = vector.broadcast %parallel_loop3A_810 : f32 to vector<16xf32>
          %parallel_loop3A_836 = arith.mulf %parallel_loop3A_835, %parallel_loop3A_827 : vector<16xf32>
          %parallel_loop3A_837 = arith.addf %parallel_loop3A_805, %parallel_loop3A_836 : vector<16xf32>
          %parallel_loop3A_838 = vector.broadcast %parallel_loop3A_810 : f32 to vector<16xf32>
          %parallel_loop3A_839 = arith.mulf %parallel_loop3A_838, %parallel_loop3A_828 : vector<16xf32>
          %parallel_loop3A_840 = arith.addf %parallel_loop3A_808, %parallel_loop3A_839 : vector<16xf32>
          %parallel_loop3A_841 = vector.extract_strided_slice %parallel_loop3A_648 {offsets = [6], sizes = [1], strides = [1]} : vector<16xf32> to vector<1xf32>
          %parallel_loop3A_842 = vector.extract %parallel_loop3A_841[0] : f32 from vector<1xf32>
          %parallel_loop3A_843 = arith.constant 6 : i32
          %parallel_loop3A_844 = arith.addi %parallel_loop3A_644, %parallel_loop3A_843 : i32
          %parallel_loop3A_845 = arith.constant 0 : i32
          %parallel_loop3A_846 = arith.index_cast %parallel_loop3A_845 : i32 to index
          %parallel_loop3A_847 = arith.index_cast %parallel_loop3A_844 : i32 to index
          %parallel_loop3A_848 = arith.constant 0 : index
          %parallel_loop3A_849 = tpu.vector_load %arg9[%parallel_loop3A_846, %parallel_loop3A_847, %parallel_loop3A_848] {strides = array<i32>} : memref<2x1408x64xbf16, #tpu.memory_space<vmem>>, vector<32xbf16>,
          %parallel_loop3A_850 = tpu.unpack_subelements %parallel_loop3A_849, 0 {pack_format = #tpu.pack_format<interleaved>} : vector<32xbf16> -> vector<16xf32>
          %parallel_loop3A_851 = tpu.unpack_subelements %parallel_loop3A_849, 1 {pack_format = #tpu.pack_format<interleaved>} : vector<32xbf16> -> vector<16xf32>
          %parallel_loop3A_852 = arith.constant 6 : i32
          %parallel_loop3A_853 = arith.addi %parallel_loop3A_644, %parallel_loop3A_852 : i32
          %parallel_loop3A_854 = arith.constant 0 : i32
          %parallel_loop3A_855 = arith.index_cast %parallel_loop3A_854 : i32 to index
          %parallel_loop3A_856 = arith.index_cast %parallel_loop3A_853 : i32 to index
          %parallel_loop3A_857 = arith.constant 32 : index
          %parallel_loop3A_858 = tpu.vector_load %arg9[%parallel_loop3A_855, %parallel_loop3A_856, %parallel_loop3A_857] {strides = array<i32>} : memref<2x1408x64xbf16, #tpu.memory_space<vmem>>, vector<32xbf16>,
          %parallel_loop3A_859 = tpu.unpack_subelements %parallel_loop3A_858, 0 {pack_format = #tpu.pack_format<interleaved>} : vector<32xbf16> -> vector<16xf32>
          %parallel_loop3A_860 = tpu.unpack_subelements %parallel_loop3A_858, 1 {pack_format = #tpu.pack_format<interleaved>} : vector<32xbf16> -> vector<16xf32>
          %parallel_loop3A_861 = vector.broadcast %parallel_loop3A_842 : f32 to vector<16xf32>
          %parallel_loop3A_862 = arith.mulf %parallel_loop3A_861, %parallel_loop3A_850 : vector<16xf32>
          %parallel_loop3A_863 = arith.addf %parallel_loop3A_831, %parallel_loop3A_862 : vector<16xf32>
          %parallel_loop3A_864 = vector.broadcast %parallel_loop3A_842 : f32 to vector<16xf32>
          %parallel_loop3A_865 = arith.mulf %parallel_loop3A_864, %parallel_loop3A_851 : vector<16xf32>
          %parallel_loop3A_866 = arith.addf %parallel_loop3A_834, %parallel_loop3A_865 : vector<16xf32>
          %parallel_loop3A_867 = vector.broadcast %parallel_loop3A_842 : f32 to vector<16xf32>
          %parallel_loop3A_868 = arith.mulf %parallel_loop3A_867, %parallel_loop3A_859 : vector<16xf32>
          %parallel_loop3A_869 = arith.addf %parallel_loop3A_837, %parallel_loop3A_868 : vector<16xf32>
          %parallel_loop3A_870 = vector.broadcast %parallel_loop3A_842 : f32 to vector<16xf32>
          %parallel_loop3A_871 = arith.mulf %parallel_loop3A_870, %parallel_loop3A_860 : vector<16xf32>
          %parallel_loop3A_872 = arith.addf %parallel_loop3A_840, %parallel_loop3A_871 : vector<16xf32>
          %parallel_loop3A_873 = vector.extract_strided_slice %parallel_loop3A_648 {offsets = [7], sizes = [1], strides = [1]} : vector<16xf32> to vector<1xf32>
          %parallel_loop3A_874 = vector.extract %parallel_loop3A_873[0] : f32 from vector<1xf32>
          %parallel_loop3A_875 = arith.constant 7 : i32
          %parallel_loop3A_876 = arith.addi %parallel_loop3A_644, %parallel_loop3A_875 : i32
          %parallel_loop3A_877 = arith.constant 0 : i32
          %parallel_loop3A_878 = arith.index_cast %parallel_loop3A_877 : i32 to index
          %parallel_loop3A_879 = arith.index_cast %parallel_loop3A_876 : i32 to index
          %parallel_loop3A_880 = arith.constant 0 : index
          %parallel_loop3A_881 = tpu.vector_load %arg9[%parallel_loop3A_878, %parallel_loop3A_879, %parallel_loop3A_880] {strides = array<i32>} : memref<2x1408x64xbf16, #tpu.memory_space<vmem>>, vector<32xbf16>,
          %parallel_loop3A_882 = tpu.unpack_subelements %parallel_loop3A_881, 0 {pack_format = #tpu.pack_format<interleaved>} : vector<32xbf16> -> vector<16xf32>
          %parallel_loop3A_883 = tpu.unpack_subelements %parallel_loop3A_881, 1 {pack_format = #tpu.pack_format<interleaved>} : vector<32xbf16> -> vector<16xf32>
          %parallel_loop3A_884 = arith.constant 7 : i32
          %parallel_loop3A_885 = arith.addi %parallel_loop3A_644, %parallel_loop3A_884 : i32
          %parallel_loop3A_886 = arith.constant 0 : i32
          %parallel_loop3A_887 = arith.index_cast %parallel_loop3A_886 : i32 to index
          %parallel_loop3A_888 = arith.index_cast %parallel_loop3A_885 : i32 to index
          %parallel_loop3A_889 = arith.constant 32 : index
          %parallel_loop3A_890 = tpu.vector_load %arg9[%parallel_loop3A_887, %parallel_loop3A_888, %parallel_loop3A_889] {strides = array<i32>} : memref<2x1408x64xbf16, #tpu.memory_space<vmem>>, vector<32xbf16>,
          %parallel_loop3A_891 = tpu.unpack_subelements %parallel_loop3A_890, 0 {pack_format = #tpu.pack_format<interleaved>} : vector<32xbf16> -> vector<16xf32>
          %parallel_loop3A_892 = tpu.unpack_subelements %parallel_loop3A_890, 1 {pack_format = #tpu.pack_format<interleaved>} : vector<32xbf16> -> vector<16xf32>
          %parallel_loop3A_893 = vector.broadcast %parallel_loop3A_874 : f32 to vector<16xf32>
          %parallel_loop3A_894 = arith.mulf %parallel_loop3A_893, %parallel_loop3A_882 : vector<16xf32>
          %parallel_loop3A_895 = arith.addf %parallel_loop3A_863, %parallel_loop3A_894 : vector<16xf32>
          %parallel_loop3A_896 = vector.broadcast %parallel_loop3A_874 : f32 to vector<16xf32>
          %parallel_loop3A_897 = arith.mulf %parallel_loop3A_896, %parallel_loop3A_883 : vector<16xf32>
          %parallel_loop3A_898 = arith.addf %parallel_loop3A_866, %parallel_loop3A_897 : vector<16xf32>
          %parallel_loop3A_899 = vector.broadcast %parallel_loop3A_874 : f32 to vector<16xf32>
          %parallel_loop3A_900 = arith.mulf %parallel_loop3A_899, %parallel_loop3A_891 : vector<16xf32>
          %parallel_loop3A_901 = arith.addf %parallel_loop3A_869, %parallel_loop3A_900 : vector<16xf32>
          %parallel_loop3A_902 = vector.broadcast %parallel_loop3A_874 : f32 to vector<16xf32>
          %parallel_loop3A_903 = arith.mulf %parallel_loop3A_902, %parallel_loop3A_892 : vector<16xf32>
          %parallel_loop3A_904 = arith.addf %parallel_loop3A_872, %parallel_loop3A_903 : vector<16xf32>
          %parallel_loop3A_905 = vector.extract_strided_slice %parallel_loop3A_648 {offsets = [8], sizes = [1], strides = [1]} : vector<16xf32> to vector<1xf32>
          %parallel_loop3A_906 = vector.extract %parallel_loop3A_905[0] : f32 from vector<1xf32>
          %parallel_loop3A_907 = arith.constant 8 : i32
          %parallel_loop3A_908 = arith.addi %parallel_loop3A_644, %parallel_loop3A_907 : i32
          %parallel_loop3A_909 = arith.constant 0 : i32
          %parallel_loop3A_910 = arith.index_cast %parallel_loop3A_909 : i32 to index
          %parallel_loop3A_911 = arith.index_cast %parallel_loop3A_908 : i32 to index
          %parallel_loop3A_912 = arith.constant 0 : index
          %parallel_loop3A_913 = tpu.vector_load %arg9[%parallel_loop3A_910, %parallel_loop3A_911, %parallel_loop3A_912] {strides = array<i32>} : memref<2x1408x64xbf16, #tpu.memory_space<vmem>>, vector<32xbf16>,
          %parallel_loop3A_914 = tpu.unpack_subelements %parallel_loop3A_913, 0 {pack_format = #tpu.pack_format<interleaved>} : vector<32xbf16> -> vector<16xf32>
          %parallel_loop3A_915 = tpu.unpack_subelements %parallel_loop3A_913, 1 {pack_format = #tpu.pack_format<interleaved>} : vector<32xbf16> -> vector<16xf32>
          %parallel_loop3A_916 = arith.constant 8 : i32
          %parallel_loop3A_917 = arith.addi %parallel_loop3A_644, %parallel_loop3A_916 : i32
          %parallel_loop3A_918 = arith.constant 0 : i32
          %parallel_loop3A_919 = arith.index_cast %parallel_loop3A_918 : i32 to index
          %parallel_loop3A_920 = arith.index_cast %parallel_loop3A_917 : i32 to index
          %parallel_loop3A_921 = arith.constant 32 : index
          %parallel_loop3A_922 = tpu.vector_load %arg9[%parallel_loop3A_919, %parallel_loop3A_920, %parallel_loop3A_921] {strides = array<i32>} : memref<2x1408x64xbf16, #tpu.memory_space<vmem>>, vector<32xbf16>,
          %parallel_loop3A_923 = tpu.unpack_subelements %parallel_loop3A_922, 0 {pack_format = #tpu.pack_format<interleaved>} : vector<32xbf16> -> vector<16xf32>
          %parallel_loop3A_924 = tpu.unpack_subelements %parallel_loop3A_922, 1 {pack_format = #tpu.pack_format<interleaved>} : vector<32xbf16> -> vector<16xf32>
          %parallel_loop3A_925 = vector.broadcast %parallel_loop3A_906 : f32 to vector<16xf32>
          %parallel_loop3A_926 = arith.mulf %parallel_loop3A_925, %parallel_loop3A_914 : vector<16xf32>
          %parallel_loop3A_927 = arith.addf %parallel_loop3A_895, %parallel_loop3A_926 : vector<16xf32>
          %parallel_loop3A_928 = vector.broadcast %parallel_loop3A_906 : f32 to vector<16xf32>
          %parallel_loop3A_929 = arith.mulf %parallel_loop3A_928, %parallel_loop3A_915 : vector<16xf32>
          %parallel_loop3A_930 = arith.addf %parallel_loop3A_898, %parallel_loop3A_929 : vector<16xf32>
          %parallel_loop3A_931 = vector.broadcast %parallel_loop3A_906 : f32 to vector<16xf32>
          %parallel_loop3A_932 = arith.mulf %parallel_loop3A_931, %parallel_loop3A_923 : vector<16xf32>
          %parallel_loop3A_933 = arith.addf %parallel_loop3A_901, %parallel_loop3A_932 : vector<16xf32>
          %parallel_loop3A_934 = vector.broadcast %parallel_loop3A_906 : f32 to vector<16xf32>
          %parallel_loop3A_935 = arith.mulf %parallel_loop3A_934, %parallel_loop3A_924 : vector<16xf32>
          %parallel_loop3A_936 = arith.addf %parallel_loop3A_904, %parallel_loop3A_935 : vector<16xf32>
          %parallel_loop3A_937 = vector.extract_strided_slice %parallel_loop3A_648 {offsets = [9], sizes = [1], strides = [1]} : vector<16xf32> to vector<1xf32>
          %parallel_loop3A_938 = vector.extract %parallel_loop3A_937[0] : f32 from vector<1xf32>
          %parallel_loop3A_939 = arith.constant 9 : i32
          %parallel_loop3A_940 = arith.addi %parallel_loop3A_644, %parallel_loop3A_939 : i32
          %parallel_loop3A_941 = arith.constant 0 : i32
          %parallel_loop3A_942 = arith.index_cast %parallel_loop3A_941 : i32 to index
          %parallel_loop3A_943 = arith.index_cast %parallel_loop3A_940 : i32 to index
          %parallel_loop3A_944 = arith.constant 0 : index
          %parallel_loop3A_945 = tpu.vector_load %arg9[%parallel_loop3A_942, %parallel_loop3A_943, %parallel_loop3A_944] {strides = array<i32>} : memref<2x1408x64xbf16, #tpu.memory_space<vmem>>, vector<32xbf16>,
          %parallel_loop3A_946 = tpu.unpack_subelements %parallel_loop3A_945, 0 {pack_format = #tpu.pack_format<interleaved>} : vector<32xbf16> -> vector<16xf32>
          %parallel_loop3A_947 = tpu.unpack_subelements %parallel_loop3A_945, 1 {pack_format = #tpu.pack_format<interleaved>} : vector<32xbf16> -> vector<16xf32>
          %parallel_loop3A_948 = arith.constant 9 : i32
          %parallel_loop3A_949 = arith.addi %parallel_loop3A_644, %parallel_loop3A_948 : i32
          %parallel_loop3A_950 = arith.constant 0 : i32
          %parallel_loop3A_951 = arith.index_cast %parallel_loop3A_950 : i32 to index
          %parallel_loop3A_952 = arith.index_cast %parallel_loop3A_949 : i32 to index
          %parallel_loop3A_953 = arith.constant 32 : index
          %parallel_loop3A_954 = tpu.vector_load %arg9[%parallel_loop3A_951, %parallel_loop3A_952, %parallel_loop3A_953] {strides = array<i32>} : memref<2x1408x64xbf16, #tpu.memory_space<vmem>>, vector<32xbf16>,
          %parallel_loop3A_955 = tpu.unpack_subelements %parallel_loop3A_954, 0 {pack_format = #tpu.pack_format<interleaved>} : vector<32xbf16> -> vector<16xf32>
          %parallel_loop3A_956 = tpu.unpack_subelements %parallel_loop3A_954, 1 {pack_format = #tpu.pack_format<interleaved>} : vector<32xbf16> -> vector<16xf32>
          %parallel_loop3A_957 = vector.broadcast %parallel_loop3A_938 : f32 to vector<16xf32>
          %parallel_loop3A_958 = arith.mulf %parallel_loop3A_957, %parallel_loop3A_946 : vector<16xf32>
          %parallel_loop3A_959 = arith.addf %parallel_loop3A_927, %parallel_loop3A_958 : vector<16xf32>
          %parallel_loop3A_960 = vector.broadcast %parallel_loop3A_938 : f32 to vector<16xf32>
          %parallel_loop3A_961 = arith.mulf %parallel_loop3A_960, %parallel_loop3A_947 : vector<16xf32>
          %parallel_loop3A_962 = arith.addf %parallel_loop3A_930, %parallel_loop3A_961 : vector<16xf32>
          %parallel_loop3A_963 = vector.broadcast %parallel_loop3A_938 : f32 to vector<16xf32>
          %parallel_loop3A_964 = arith.mulf %parallel_loop3A_963, %parallel_loop3A_955 : vector<16xf32>
          %parallel_loop3A_965 = arith.addf %parallel_loop3A_933, %parallel_loop3A_964 : vector<16xf32>
          %parallel_loop3A_966 = vector.broadcast %parallel_loop3A_938 : f32 to vector<16xf32>
          %parallel_loop3A_967 = arith.mulf %parallel_loop3A_966, %parallel_loop3A_956 : vector<16xf32>
          %parallel_loop3A_968 = arith.addf %parallel_loop3A_936, %parallel_loop3A_967 : vector<16xf32>
          %parallel_loop3A_969 = vector.extract_strided_slice %parallel_loop3A_648 {offsets = [10], sizes = [1], strides = [1]} : vector<16xf32> to vector<1xf32>
          %parallel_loop3A_970 = vector.extract %parallel_loop3A_969[0] : f32 from vector<1xf32>
          %parallel_loop3A_971 = arith.constant 10 : i32
          %parallel_loop3A_972 = arith.addi %parallel_loop3A_644, %parallel_loop3A_971 : i32
          %parallel_loop3A_973 = arith.constant 0 : i32
          %parallel_loop3A_974 = arith.index_cast %parallel_loop3A_973 : i32 to index
          %parallel_loop3A_975 = arith.index_cast %parallel_loop3A_972 : i32 to index
          %parallel_loop3A_976 = arith.constant 0 : index
          %parallel_loop3A_977 = tpu.vector_load %arg9[%parallel_loop3A_974, %parallel_loop3A_975, %parallel_loop3A_976] {strides = array<i32>} : memref<2x1408x64xbf16, #tpu.memory_space<vmem>>, vector<32xbf16>,
          %parallel_loop3A_978 = tpu.unpack_subelements %parallel_loop3A_977, 0 {pack_format = #tpu.pack_format<interleaved>} : vector<32xbf16> -> vector<16xf32>
          %parallel_loop3A_979 = tpu.unpack_subelements %parallel_loop3A_977, 1 {pack_format = #tpu.pack_format<interleaved>} : vector<32xbf16> -> vector<16xf32>
          %parallel_loop3A_980 = arith.constant 10 : i32
          %parallel_loop3A_981 = arith.addi %parallel_loop3A_644, %parallel_loop3A_980 : i32
          %parallel_loop3A_982 = arith.constant 0 : i32
          %parallel_loop3A_983 = arith.index_cast %parallel_loop3A_982 : i32 to index
          %parallel_loop3A_984 = arith.index_cast %parallel_loop3A_981 : i32 to index
          %parallel_loop3A_985 = arith.constant 32 : index
          %parallel_loop3A_986 = tpu.vector_load %arg9[%parallel_loop3A_983, %parallel_loop3A_984, %parallel_loop3A_985] {strides = array<i32>} : memref<2x1408x64xbf16, #tpu.memory_space<vmem>>, vector<32xbf16>,
          %parallel_loop3A_987 = tpu.unpack_subelements %parallel_loop3A_986, 0 {pack_format = #tpu.pack_format<interleaved>} : vector<32xbf16> -> vector<16xf32>
          %parallel_loop3A_988 = tpu.unpack_subelements %parallel_loop3A_986, 1 {pack_format = #tpu.pack_format<interleaved>} : vector<32xbf16> -> vector<16xf32>
          %parallel_loop3A_989 = vector.broadcast %parallel_loop3A_970 : f32 to vector<16xf32>
          %parallel_loop3A_990 = arith.mulf %parallel_loop3A_989, %parallel_loop3A_978 : vector<16xf32>
          %parallel_loop3A_991 = arith.addf %parallel_loop3A_959, %parallel_loop3A_990 : vector<16xf32>
          %parallel_loop3A_992 = vector.broadcast %parallel_loop3A_970 : f32 to vector<16xf32>
          %parallel_loop3A_993 = arith.mulf %parallel_loop3A_992, %parallel_loop3A_979 : vector<16xf32>
          %parallel_loop3A_994 = arith.addf %parallel_loop3A_962, %parallel_loop3A_993 : vector<16xf32>
          %parallel_loop3A_995 = vector.broadcast %parallel_loop3A_970 : f32 to vector<16xf32>
          %parallel_loop3A_996 = arith.mulf %parallel_loop3A_995, %parallel_loop3A_987 : vector<16xf32>
          %parallel_loop3A_997 = arith.addf %parallel_loop3A_965, %parallel_loop3A_996 : vector<16xf32>
          %parallel_loop3A_998 = vector.broadcast %parallel_loop3A_970 : f32 to vector<16xf32>
          %parallel_loop3A_999 = arith.mulf %parallel_loop3A_998, %parallel_loop3A_988 : vector<16xf32>
          %parallel_loop3A_1000 = arith.addf %parallel_loop3A_968, %parallel_loop3A_999 : vector<16xf32>
          %parallel_loop3A_1001 = vector.extract_strided_slice %parallel_loop3A_648 {offsets = [11], sizes = [1], strides = [1]} : vector<16xf32> to vector<1xf32>
          %parallel_loop3A_1002 = vector.extract %parallel_loop3A_1001[0] : f32 from vector<1xf32>
          %parallel_loop3A_1003 = arith.constant 11 : i32
          %parallel_loop3A_1004 = arith.addi %parallel_loop3A_644, %parallel_loop3A_1003 : i32
          %parallel_loop3A_1005 = arith.constant 0 : i32
          %parallel_loop3A_1006 = arith.index_cast %parallel_loop3A_1005 : i32 to index
          %parallel_loop3A_1007 = arith.index_cast %parallel_loop3A_1004 : i32 to index
          %parallel_loop3A_1008 = arith.constant 0 : index
          %parallel_loop3A_1009 = tpu.vector_load %arg9[%parallel_loop3A_1006, %parallel_loop3A_1007, %parallel_loop3A_1008] {strides = array<i32>} : memref<2x1408x64xbf16, #tpu.memory_space<vmem>>, vector<32xbf16>,
          %parallel_loop3A_1010 = tpu.unpack_subelements %parallel_loop3A_1009, 0 {pack_format = #tpu.pack_format<interleaved>} : vector<32xbf16> -> vector<16xf32>
          %parallel_loop3A_1011 = tpu.unpack_subelements %parallel_loop3A_1009, 1 {pack_format = #tpu.pack_format<interleaved>} : vector<32xbf16> -> vector<16xf32>
          %parallel_loop3A_1012 = arith.constant 11 : i32
          %parallel_loop3A_1013 = arith.addi %parallel_loop3A_644, %parallel_loop3A_1012 : i32
          %parallel_loop3A_1014 = arith.constant 0 : i32
          %parallel_loop3A_1015 = arith.index_cast %parallel_loop3A_1014 : i32 to index
          %parallel_loop3A_1016 = arith.index_cast %parallel_loop3A_1013 : i32 to index
          %parallel_loop3A_1017 = arith.constant 32 : index
          %parallel_loop3A_1018 = tpu.vector_load %arg9[%parallel_loop3A_1015, %parallel_loop3A_1016, %parallel_loop3A_1017] {strides = array<i32>} : memref<2x1408x64xbf16, #tpu.memory_space<vmem>>, vector<32xbf16>,
          %parallel_loop3A_1019 = tpu.unpack_subelements %parallel_loop3A_1018, 0 {pack_format = #tpu.pack_format<interleaved>} : vector<32xbf16> -> vector<16xf32>
          %parallel_loop3A_1020 = tpu.unpack_subelements %parallel_loop3A_1018, 1 {pack_format = #tpu.pack_format<interleaved>} : vector<32xbf16> -> vector<16xf32>
          %parallel_loop3A_1021 = vector.broadcast %parallel_loop3A_1002 : f32 to vector<16xf32>
          %parallel_loop3A_1022 = arith.mulf %parallel_loop3A_1021, %parallel_loop3A_1010 : vector<16xf32>
          %parallel_loop3A_1023 = arith.addf %parallel_loop3A_991, %parallel_loop3A_1022 : vector<16xf32>
          %parallel_loop3A_1024 = vector.broadcast %parallel_loop3A_1002 : f32 to vector<16xf32>
          %parallel_loop3A_1025 = arith.mulf %parallel_loop3A_1024, %parallel_loop3A_1011 : vector<16xf32>
          %parallel_loop3A_1026 = arith.addf %parallel_loop3A_994, %parallel_loop3A_1025 : vector<16xf32>
          %parallel_loop3A_1027 = vector.broadcast %parallel_loop3A_1002 : f32 to vector<16xf32>
          %parallel_loop3A_1028 = arith.mulf %parallel_loop3A_1027, %parallel_loop3A_1019 : vector<16xf32>
          %parallel_loop3A_1029 = arith.addf %parallel_loop3A_997, %parallel_loop3A_1028 : vector<16xf32>
          %parallel_loop3A_1030 = vector.broadcast %parallel_loop3A_1002 : f32 to vector<16xf32>
          %parallel_loop3A_1031 = arith.mulf %parallel_loop3A_1030, %parallel_loop3A_1020 : vector<16xf32>
          %parallel_loop3A_1032 = arith.addf %parallel_loop3A_1000, %parallel_loop3A_1031 : vector<16xf32>
          %parallel_loop3A_1033 = vector.extract_strided_slice %parallel_loop3A_648 {offsets = [12], sizes = [1], strides = [1]} : vector<16xf32> to vector<1xf32>
          %parallel_loop3A_1034 = vector.extract %parallel_loop3A_1033[0] : f32 from vector<1xf32>
          %parallel_loop3A_1035 = arith.constant 12 : i32
          %parallel_loop3A_1036 = arith.addi %parallel_loop3A_644, %parallel_loop3A_1035 : i32
          %parallel_loop3A_1037 = arith.constant 0 : i32
          %parallel_loop3A_1038 = arith.index_cast %parallel_loop3A_1037 : i32 to index
          %parallel_loop3A_1039 = arith.index_cast %parallel_loop3A_1036 : i32 to index
          %parallel_loop3A_1040 = arith.constant 0 : index
          %parallel_loop3A_1041 = tpu.vector_load %arg9[%parallel_loop3A_1038, %parallel_loop3A_1039, %parallel_loop3A_1040] {strides = array<i32>} : memref<2x1408x64xbf16, #tpu.memory_space<vmem>>, vector<32xbf16>,
          %parallel_loop3A_1042 = tpu.unpack_subelements %parallel_loop3A_1041, 0 {pack_format = #tpu.pack_format<interleaved>} : vector<32xbf16> -> vector<16xf32>
          %parallel_loop3A_1043 = tpu.unpack_subelements %parallel_loop3A_1041, 1 {pack_format = #tpu.pack_format<interleaved>} : vector<32xbf16> -> vector<16xf32>
          %parallel_loop3A_1044 = arith.constant 12 : i32
          %parallel_loop3A_1045 = arith.addi %parallel_loop3A_644, %parallel_loop3A_1044 : i32
          %parallel_loop3A_1046 = arith.constant 0 : i32
          %parallel_loop3A_1047 = arith.index_cast %parallel_loop3A_1046 : i32 to index
          %parallel_loop3A_1048 = arith.index_cast %parallel_loop3A_1045 : i32 to index
          %parallel_loop3A_1049 = arith.constant 32 : index
          %parallel_loop3A_1050 = tpu.vector_load %arg9[%parallel_loop3A_1047, %parallel_loop3A_1048, %parallel_loop3A_1049] {strides = array<i32>} : memref<2x1408x64xbf16, #tpu.memory_space<vmem>>, vector<32xbf16>,
          %parallel_loop3A_1051 = tpu.unpack_subelements %parallel_loop3A_1050, 0 {pack_format = #tpu.pack_format<interleaved>} : vector<32xbf16> -> vector<16xf32>
          %parallel_loop3A_1052 = tpu.unpack_subelements %parallel_loop3A_1050, 1 {pack_format = #tpu.pack_format<interleaved>} : vector<32xbf16> -> vector<16xf32>
          %parallel_loop3A_1053 = vector.broadcast %parallel_loop3A_1034 : f32 to vector<16xf32>
          %parallel_loop3A_1054 = arith.mulf %parallel_loop3A_1053, %parallel_loop3A_1042 : vector<16xf32>
          %parallel_loop3A_1055 = arith.addf %parallel_loop3A_1023, %parallel_loop3A_1054 : vector<16xf32>
          %parallel_loop3A_1056 = vector.broadcast %parallel_loop3A_1034 : f32 to vector<16xf32>
          %parallel_loop3A_1057 = arith.mulf %parallel_loop3A_1056, %parallel_loop3A_1043 : vector<16xf32>
          %parallel_loop3A_1058 = arith.addf %parallel_loop3A_1026, %parallel_loop3A_1057 : vector<16xf32>
          %parallel_loop3A_1059 = vector.broadcast %parallel_loop3A_1034 : f32 to vector<16xf32>
          %parallel_loop3A_1060 = arith.mulf %parallel_loop3A_1059, %parallel_loop3A_1051 : vector<16xf32>
          %parallel_loop3A_1061 = arith.addf %parallel_loop3A_1029, %parallel_loop3A_1060 : vector<16xf32>
          %parallel_loop3A_1062 = vector.broadcast %parallel_loop3A_1034 : f32 to vector<16xf32>
          %parallel_loop3A_1063 = arith.mulf %parallel_loop3A_1062, %parallel_loop3A_1052 : vector<16xf32>
          %parallel_loop3A_1064 = arith.addf %parallel_loop3A_1032, %parallel_loop3A_1063 : vector<16xf32>
          %parallel_loop3A_1065 = vector.extract_strided_slice %parallel_loop3A_648 {offsets = [13], sizes = [1], strides = [1]} : vector<16xf32> to vector<1xf32>
          %parallel_loop3A_1066 = vector.extract %parallel_loop3A_1065[0] : f32 from vector<1xf32>
          %parallel_loop3A_1067 = arith.constant 13 : i32
          %parallel_loop3A_1068 = arith.addi %parallel_loop3A_644, %parallel_loop3A_1067 : i32
          %parallel_loop3A_1069 = arith.constant 0 : i32
          %parallel_loop3A_1070 = arith.index_cast %parallel_loop3A_1069 : i32 to index
          %parallel_loop3A_1071 = arith.index_cast %parallel_loop3A_1068 : i32 to index
          %parallel_loop3A_1072 = arith.constant 0 : index
          %parallel_loop3A_1073 = tpu.vector_load %arg9[%parallel_loop3A_1070, %parallel_loop3A_1071, %parallel_loop3A_1072] {strides = array<i32>} : memref<2x1408x64xbf16, #tpu.memory_space<vmem>>, vector<32xbf16>,
          %parallel_loop3A_1074 = tpu.unpack_subelements %parallel_loop3A_1073, 0 {pack_format = #tpu.pack_format<interleaved>} : vector<32xbf16> -> vector<16xf32>
          %parallel_loop3A_1075 = tpu.unpack_subelements %parallel_loop3A_1073, 1 {pack_format = #tpu.pack_format<interleaved>} : vector<32xbf16> -> vector<16xf32>
          %parallel_loop3A_1076 = arith.constant 13 : i32
          %parallel_loop3A_1077 = arith.addi %parallel_loop3A_644, %parallel_loop3A_1076 : i32
          %parallel_loop3A_1078 = arith.constant 0 : i32
          %parallel_loop3A_1079 = arith.index_cast %parallel_loop3A_1078 : i32 to index
          %parallel_loop3A_1080 = arith.index_cast %parallel_loop3A_1077 : i32 to index
          %parallel_loop3A_1081 = arith.constant 32 : index
          %parallel_loop3A_1082 = tpu.vector_load %arg9[%parallel_loop3A_1079, %parallel_loop3A_1080, %parallel_loop3A_1081] {strides = array<i32>} : memref<2x1408x64xbf16, #tpu.memory_space<vmem>>, vector<32xbf16>,
          %parallel_loop3A_1083 = tpu.unpack_subelements %parallel_loop3A_1082, 0 {pack_format = #tpu.pack_format<interleaved>} : vector<32xbf16> -> vector<16xf32>
          %parallel_loop3A_1084 = tpu.unpack_subelements %parallel_loop3A_1082, 1 {pack_format = #tpu.pack_format<interleaved>} : vector<32xbf16> -> vector<16xf32>
          %parallel_loop3A_1085 = vector.broadcast %parallel_loop3A_1066 : f32 to vector<16xf32>
          %parallel_loop3A_1086 = arith.mulf %parallel_loop3A_1085, %parallel_loop3A_1074 : vector<16xf32>
          %parallel_loop3A_1087 = arith.addf %parallel_loop3A_1055, %parallel_loop3A_1086 : vector<16xf32>
          %parallel_loop3A_1088 = vector.broadcast %parallel_loop3A_1066 : f32 to vector<16xf32>
          %parallel_loop3A_1089 = arith.mulf %parallel_loop3A_1088, %parallel_loop3A_1075 : vector<16xf32>
          %parallel_loop3A_1090 = arith.addf %parallel_loop3A_1058, %parallel_loop3A_1089 : vector<16xf32>
          %parallel_loop3A_1091 = vector.broadcast %parallel_loop3A_1066 : f32 to vector<16xf32>
          %parallel_loop3A_1092 = arith.mulf %parallel_loop3A_1091, %parallel_loop3A_1083 : vector<16xf32>
          %parallel_loop3A_1093 = arith.addf %parallel_loop3A_1061, %parallel_loop3A_1092 : vector<16xf32>
          %parallel_loop3A_1094 = vector.broadcast %parallel_loop3A_1066 : f32 to vector<16xf32>
          %parallel_loop3A_1095 = arith.mulf %parallel_loop3A_1094, %parallel_loop3A_1084 : vector<16xf32>
          %parallel_loop3A_1096 = arith.addf %parallel_loop3A_1064, %parallel_loop3A_1095 : vector<16xf32>
          %parallel_loop3A_1097 = vector.extract_strided_slice %parallel_loop3A_648 {offsets = [14], sizes = [1], strides = [1]} : vector<16xf32> to vector<1xf32>
          %parallel_loop3A_1098 = vector.extract %parallel_loop3A_1097[0] : f32 from vector<1xf32>
          %parallel_loop3A_1099 = arith.constant 14 : i32
          %parallel_loop3A_1100 = arith.addi %parallel_loop3A_644, %parallel_loop3A_1099 : i32
          %parallel_loop3A_1101 = arith.constant 0 : i32
          %parallel_loop3A_1102 = arith.index_cast %parallel_loop3A_1101 : i32 to index
          %parallel_loop3A_1103 = arith.index_cast %parallel_loop3A_1100 : i32 to index
          %parallel_loop3A_1104 = arith.constant 0 : index
          %parallel_loop3A_1105 = tpu.vector_load %arg9[%parallel_loop3A_1102, %parallel_loop3A_1103, %parallel_loop3A_1104] {strides = array<i32>} : memref<2x1408x64xbf16, #tpu.memory_space<vmem>>, vector<32xbf16>,
          %parallel_loop3A_1106 = tpu.unpack_subelements %parallel_loop3A_1105, 0 {pack_format = #tpu.pack_format<interleaved>} : vector<32xbf16> -> vector<16xf32>
          %parallel_loop3A_1107 = tpu.unpack_subelements %parallel_loop3A_1105, 1 {pack_format = #tpu.pack_format<interleaved>} : vector<32xbf16> -> vector<16xf32>
          %parallel_loop3A_1108 = arith.constant 14 : i32
          %parallel_loop3A_1109 = arith.addi %parallel_loop3A_644, %parallel_loop3A_1108 : i32
          %parallel_loop3A_1110 = arith.constant 0 : i32
          %parallel_loop3A_1111 = arith.index_cast %parallel_loop3A_1110 : i32 to index
          %parallel_loop3A_1112 = arith.index_cast %parallel_loop3A_1109 : i32 to index
          %parallel_loop3A_1113 = arith.constant 32 : index
          %parallel_loop3A_1114 = tpu.vector_load %arg9[%parallel_loop3A_1111, %parallel_loop3A_1112, %parallel_loop3A_1113] {strides = array<i32>} : memref<2x1408x64xbf16, #tpu.memory_space<vmem>>, vector<32xbf16>,
          %parallel_loop3A_1115 = tpu.unpack_subelements %parallel_loop3A_1114, 0 {pack_format = #tpu.pack_format<interleaved>} : vector<32xbf16> -> vector<16xf32>
          %parallel_loop3A_1116 = tpu.unpack_subelements %parallel_loop3A_1114, 1 {pack_format = #tpu.pack_format<interleaved>} : vector<32xbf16> -> vector<16xf32>
          %parallel_loop3A_1117 = vector.broadcast %parallel_loop3A_1098 : f32 to vector<16xf32>
          %parallel_loop3A_1118 = arith.mulf %parallel_loop3A_1117, %parallel_loop3A_1106 : vector<16xf32>
          %parallel_loop3A_1119 = arith.addf %parallel_loop3A_1087, %parallel_loop3A_1118 : vector<16xf32>
          %parallel_loop3A_1120 = vector.broadcast %parallel_loop3A_1098 : f32 to vector<16xf32>
          %parallel_loop3A_1121 = arith.mulf %parallel_loop3A_1120, %parallel_loop3A_1107 : vector<16xf32>
          %parallel_loop3A_1122 = arith.addf %parallel_loop3A_1090, %parallel_loop3A_1121 : vector<16xf32>
          %parallel_loop3A_1123 = vector.broadcast %parallel_loop3A_1098 : f32 to vector<16xf32>
          %parallel_loop3A_1124 = arith.mulf %parallel_loop3A_1123, %parallel_loop3A_1115 : vector<16xf32>
          %parallel_loop3A_1125 = arith.addf %parallel_loop3A_1093, %parallel_loop3A_1124 : vector<16xf32>
          %parallel_loop3A_1126 = vector.broadcast %parallel_loop3A_1098 : f32 to vector<16xf32>
          %parallel_loop3A_1127 = arith.mulf %parallel_loop3A_1126, %parallel_loop3A_1116 : vector<16xf32>
          %parallel_loop3A_1128 = arith.addf %parallel_loop3A_1096, %parallel_loop3A_1127 : vector<16xf32>
          %parallel_loop3A_1129 = vector.extract_strided_slice %parallel_loop3A_648 {offsets = [15], sizes = [1], strides = [1]} : vector<16xf32> to vector<1xf32>
          %parallel_loop3A_1130 = vector.extract %parallel_loop3A_1129[0] : f32 from vector<1xf32>
          %parallel_loop3A_1131 = arith.constant 15 : i32
          %parallel_loop3A_1132 = arith.addi %parallel_loop3A_644, %parallel_loop3A_1131 : i32
          %parallel_loop3A_1133 = arith.constant 0 : i32
          %parallel_loop3A_1134 = arith.index_cast %parallel_loop3A_1133 : i32 to index
          %parallel_loop3A_1135 = arith.index_cast %parallel_loop3A_1132 : i32 to index
          %parallel_loop3A_1136 = arith.constant 0 : index
          %parallel_loop3A_1137 = tpu.vector_load %arg9[%parallel_loop3A_1134, %parallel_loop3A_1135, %parallel_loop3A_1136] {strides = array<i32>} : memref<2x1408x64xbf16, #tpu.memory_space<vmem>>, vector<32xbf16>,
          %parallel_loop3A_1138 = tpu.unpack_subelements %parallel_loop3A_1137, 0 {pack_format = #tpu.pack_format<interleaved>} : vector<32xbf16> -> vector<16xf32>
          %parallel_loop3A_1139 = tpu.unpack_subelements %parallel_loop3A_1137, 1 {pack_format = #tpu.pack_format<interleaved>} : vector<32xbf16> -> vector<16xf32>
          %parallel_loop3A_1140 = arith.constant 15 : i32
          %parallel_loop3A_1141 = arith.addi %parallel_loop3A_644, %parallel_loop3A_1140 : i32
          %parallel_loop3A_1142 = arith.constant 0 : i32
          %parallel_loop3A_1143 = arith.index_cast %parallel_loop3A_1142 : i32 to index
          %parallel_loop3A_1144 = arith.index_cast %parallel_loop3A_1141 : i32 to index
          %parallel_loop3A_1145 = arith.constant 32 : index
          %parallel_loop3A_1146 = tpu.vector_load %arg9[%parallel_loop3A_1143, %parallel_loop3A_1144, %parallel_loop3A_1145] {strides = array<i32>} : memref<2x1408x64xbf16, #tpu.memory_space<vmem>>, vector<32xbf16>,
          %parallel_loop3A_1147 = tpu.unpack_subelements %parallel_loop3A_1146, 0 {pack_format = #tpu.pack_format<interleaved>} : vector<32xbf16> -> vector<16xf32>
          %parallel_loop3A_1148 = tpu.unpack_subelements %parallel_loop3A_1146, 1 {pack_format = #tpu.pack_format<interleaved>} : vector<32xbf16> -> vector<16xf32>
          %parallel_loop3A_1149 = vector.broadcast %parallel_loop3A_1130 : f32 to vector<16xf32>
          %parallel_loop3A_1150 = arith.mulf %parallel_loop3A_1149, %parallel_loop3A_1138 : vector<16xf32>
          %parallel_loop3A_1151 = arith.addf %parallel_loop3A_1119, %parallel_loop3A_1150 : vector<16xf32>
          %parallel_loop3A_1152 = vector.broadcast %parallel_loop3A_1130 : f32 to vector<16xf32>
          %parallel_loop3A_1153 = arith.mulf %parallel_loop3A_1152, %parallel_loop3A_1139 : vector<16xf32>
          %parallel_loop3A_1154 = arith.addf %parallel_loop3A_1122, %parallel_loop3A_1153 : vector<16xf32>
          %parallel_loop3A_1155 = vector.broadcast %parallel_loop3A_1130 : f32 to vector<16xf32>
          %parallel_loop3A_1156 = arith.mulf %parallel_loop3A_1155, %parallel_loop3A_1147 : vector<16xf32>
          %parallel_loop3A_1157 = arith.addf %parallel_loop3A_1125, %parallel_loop3A_1156 : vector<16xf32>
          %parallel_loop3A_1158 = vector.broadcast %parallel_loop3A_1130 : f32 to vector<16xf32>
          %parallel_loop3A_1159 = arith.mulf %parallel_loop3A_1158, %parallel_loop3A_1148 : vector<16xf32>
          %parallel_loop3A_1160 = arith.addf %parallel_loop3A_1128, %parallel_loop3A_1159 : vector<16xf32>
          scf.yield %parallel_loop3A_1151, %parallel_loop3A_1154, %parallel_loop3A_1157, %parallel_loop3A_1160 : vector<16xf32>, vector<16xf32>, vector<16xf32>, vector<16xf32>
        } {sc.loop_unroll_factor = 1 : i64, sc.parallel_access}
        %parallel_loop3A_623 = arith.index_cast %parallel_loop3A_616 : i32 to index
        %parallel_loop3A_624 = arith.constant 0 : index
        %parallel_loop3A_625 = tpu.vector_load %arg10[%parallel_loop3A_623, %parallel_loop3A_624] {strides = array<i32>} : memref<8x64xf32, #tpu.memory_space<vmem>>, vector<16xf32>,
        tpu.vector_store %arg10[%parallel_loop3A_623, %parallel_loop3A_624], %parallel_loop3A_622#0 {strides = array<i32>} : memref<8x64xf32, #tpu.memory_space<vmem>>, vector<16xf32>,
        %parallel_loop3A_626 = arith.index_cast %parallel_loop3A_616 : i32 to index
        %parallel_loop3A_627 = arith.constant 16 : index
        %parallel_loop3A_628 = tpu.vector_load %arg10[%parallel_loop3A_626, %parallel_loop3A_627] {strides = array<i32>} : memref<8x64xf32, #tpu.memory_space<vmem>>, vector<16xf32>,
        tpu.vector_store %arg10[%parallel_loop3A_626, %parallel_loop3A_627], %parallel_loop3A_622#1 {strides = array<i32>} : memref<8x64xf32, #tpu.memory_space<vmem>>, vector<16xf32>,
        %parallel_loop3A_629 = arith.index_cast %parallel_loop3A_616 : i32 to index
        %parallel_loop3A_630 = arith.constant 32 : index
        %parallel_loop3A_631 = tpu.vector_load %arg10[%parallel_loop3A_629, %parallel_loop3A_630] {strides = array<i32>} : memref<8x64xf32, #tpu.memory_space<vmem>>, vector<16xf32>,
        tpu.vector_store %arg10[%parallel_loop3A_629, %parallel_loop3A_630], %parallel_loop3A_622#2 {strides = array<i32>} : memref<8x64xf32, #tpu.memory_space<vmem>>, vector<16xf32>,
        %parallel_loop3A_632 = arith.index_cast %parallel_loop3A_616 : i32 to index
        %parallel_loop3A_633 = arith.constant 48 : index
        %parallel_loop3A_634 = tpu.vector_load %arg10[%parallel_loop3A_632, %parallel_loop3A_633] {strides = array<i32>} : memref<8x64xf32, #tpu.memory_space<vmem>>, vector<16xf32>,
        tpu.vector_store %arg10[%parallel_loop3A_632, %parallel_loop3A_633], %parallel_loop3A_622#3 {strides = array<i32>} : memref<8x64xf32, #tpu.memory_space<vmem>>, vector<16xf32>,
      } {sc.loop_unroll_factor = 1 : i64, sc.parallel_access}
      %mul3A_457 = arith.constant 8 : i32
      %mul3A_458 = arith.muli %add3A_454, %mul3A_457 : i32
      "tpu.region"() ({
        %run_scoped3A_616 = tpu.sem_alloc : memref<!tpu.dma_semaphore, #tpu.memory_space<semaphore_mem>>
        %dma_start3A_617 = arith.constant 0 : i32
        %dma_start3A_618 = tpu.memref_slice %arg5[%mul3A_458, %dma_start3A_617] : memref<16384x64xf32, #tpu.memory_space<hbm>> -> memref<8x64xf32, #tpu.memory_space<hbm>>
        %dma_start3A_619 = arith.constant 0 : i32
        %dma_start3A_620 = tpu.memref_slice %arg5[%mul3A_458, %dma_start3A_619] : memref<16384x64xf32, #tpu.memory_space<hbm>> -> memref<8x64xf32, #tpu.memory_space<hbm>>
        tpu.enqueue_dma source(%arg10 : memref<8x64xf32, #tpu.memory_space<vmem>>) target(%dma_start3A_620 : memref<8x64xf32, #tpu.memory_space<hbm>>) target_semaphore(%run_scoped3A_616 : memref<!tpu.dma_semaphore, #tpu.memory_space<semaphore_mem>>)
        %dma_wait3A_621 = arith.constant 0 : i32
        %dma_wait3A_622 = tpu.memref_slice %arg5[%mul3A_458, %dma_wait3A_621] : memref<16384x64xf32, #tpu.memory_space<hbm>> -> memref<8x64xf32, #tpu.memory_space<hbm>>
        %dma_wait3A_623 = arith.constant 0 : i32
        %dma_wait3A_624 = tpu.memref_slice %arg5[%mul3A_458, %dma_wait3A_623] : memref<16384x64xf32, #tpu.memory_space<hbm>> -> memref<8x64xf32, #tpu.memory_space<hbm>>
        tpu.wait_dma2 semaphore(%run_scoped3A_616 : memref<!tpu.dma_semaphore, #tpu.memory_space<semaphore_mem>>) src(%arg10 : memref<8x64xf32, #tpu.memory_space<vmem>>) dst(%dma_wait3A_624 : memref<8x64xf32, #tpu.memory_space<hbm>>)
        tpu.yield
      }) : () -> ()
      %add3A_459 = arith.constant 2 : i32
      %add3A_460 = arith.addi %mul3A_159, %add3A_459 : i32
      %lt3A = arith.constant 64 : i32
      %lt3A_461 = arith.cmpi slt, %add3A_460, %lt3A : i32
      %convert_element_type3A = arith.extui %lt3A_461 : i1 to i32
      %cond3A = arith.constant 0 : i32
      %cond3A_462 = arith.cmpi ne, %convert_element_type3A, %cond3A : i32
      scf.if %cond3A_462 {
        %add3A_616 = arith.constant 2 : i32
        %add3A_617 = arith.addi %mul3A_159, %add3A_616 : i32
        %mul3A_618 = arith.constant 64 : i32
        %mul3A_619 = arith.muli %add3A, %mul3A_618 : i32
        %add3A_620 = arith.addi %mul3A_619, %add3A_617 : i32
        %run_scoped3A_621 = arith.constant 0 : i32
        "tpu.region"() ({
          %run_scoped3A_766 = tpu.sem_alloc : memref<!tpu.dma_semaphore, #tpu.memory_space<semaphore_mem>>
          %dma_start3A_767 = arith.constant 0 : i32
          %dma_start3A_768 = arith.constant 0 : i32
          %dma_start3A_769 = tpu.memref_slice %arg7[%run_scoped3A_621, %dma_start3A_767, %dma_start3A_768] : memref<2x11x128xi32, #tpu.memory_space<vmem>> -> memref<1x11x128xi32, #tpu.memory_space<vmem>>
          %dma_start3A_770 = tpu.memref_squeeze %dma_start3A_769 : memref<1x11x128xi32, #tpu.memory_space<vmem>> -> memref<11x128xi32, #tpu.memory_space<vmem>>
          %dma_start3A_771 = arith.constant 0 : i32
          %dma_start3A_772 = arith.constant 0 : i32
          %dma_start3A_773 = tpu.memref_slice %arg4[%add3A_620, %dma_start3A_771, %dma_start3A_772] : memref<2048x11x128xi32, #tpu.memory_space<hbm>> -> memref<1x11x128xi32, #tpu.memory_space<hbm>>
          %dma_start3A_774 = tpu.memref_squeeze %dma_start3A_773 : memref<1x11x128xi32, #tpu.memory_space<hbm>> -> memref<11x128xi32, #tpu.memory_space<hbm>>
          %dma_start3A_775 = arith.constant 0 : i32
          %dma_start3A_776 = arith.constant 0 : i32
          %dma_start3A_777 = tpu.memref_slice %arg7[%run_scoped3A_621, %dma_start3A_775, %dma_start3A_776] : memref<2x11x128xi32, #tpu.memory_space<vmem>> -> memref<1x11x128xi32, #tpu.memory_space<vmem>>
          %dma_start3A_778 = tpu.memref_squeeze %dma_start3A_777 : memref<1x11x128xi32, #tpu.memory_space<vmem>> -> memref<11x128xi32, #tpu.memory_space<vmem>>
          %dma_start3A_779 = arith.constant 0 : i32
          %dma_start3A_780 = arith.constant 0 : i32
          %dma_start3A_781 = tpu.memref_slice %arg4[%add3A_620, %dma_start3A_779, %dma_start3A_780] : memref<2048x11x128xi32, #tpu.memory_space<hbm>> -> memref<1x11x128xi32, #tpu.memory_space<hbm>>
          %dma_start3A_782 = tpu.memref_squeeze %dma_start3A_781 : memref<1x11x128xi32, #tpu.memory_space<hbm>> -> memref<11x128xi32, #tpu.memory_space<hbm>>
          tpu.enqueue_dma source(%dma_start3A_782 : memref<11x128xi32, #tpu.memory_space<hbm>>) target(%dma_start3A_778 : memref<11x128xi32, #tpu.memory_space<vmem>>) target_semaphore(%run_scoped3A_766 : memref<!tpu.dma_semaphore, #tpu.memory_space<semaphore_mem>>)
          %dma_wait3A_783 = arith.constant 0 : i32
          %dma_wait3A_784 = arith.constant 0 : i32
          %dma_wait3A_785 = tpu.memref_slice %arg7[%run_scoped3A_621, %dma_wait3A_783, %dma_wait3A_784] : memref<2x11x128xi32, #tpu.memory_space<vmem>> -> memref<1x11x128xi32, #tpu.memory_space<vmem>>
          %dma_wait3A_786 = tpu.memref_squeeze %dma_wait3A_785 : memref<1x11x128xi32, #tpu.memory_space<vmem>> -> memref<11x128xi32, #tpu.memory_space<vmem>>
          %dma_wait3A_787 = arith.constant 0 : i32
          %dma_wait3A_788 = arith.constant 0 : i32
          %dma_wait3A_789 = tpu.memref_slice %arg4[%add3A_620, %dma_wait3A_787, %dma_wait3A_788] : memref<2048x11x128xi32, #tpu.memory_space<hbm>> -> memref<1x11x128xi32, #tpu.memory_space<hbm>>
          %dma_wait3A_790 = tpu.memref_squeeze %dma_wait3A_789 : memref<1x11x128xi32, #tpu.memory_space<hbm>> -> memref<11x128xi32, #tpu.memory_space<hbm>>
          %dma_wait3A_791 = arith.constant 0 : i32
          %dma_wait3A_792 = arith.constant 0 : i32
          %dma_wait3A_793 = tpu.memref_slice %arg7[%run_scoped3A_621, %dma_wait3A_791, %dma_wait3A_792] : memref<2x11x128xi32, #tpu.memory_space<vmem>> -> memref<1x11x128xi32, #tpu.memory_space<vmem>>
          %dma_wait3A_794 = tpu.memref_squeeze %dma_wait3A_793 : memref<1x11x128xi32, #tpu.memory_space<vmem>> -> memref<11x128xi32, #tpu.memory_space<vmem>>
          %dma_wait3A_795 = arith.constant 0 : i32
          %dma_wait3A_796 = arith.constant 0 : i32
          %dma_wait3A_797 = tpu.memref_slice %arg4[%add3A_620, %dma_wait3A_795, %dma_wait3A_796] : memref<2048x11x128xi32, #tpu.memory_space<hbm>> -> memref<1x11x128xi32, #tpu.memory_space<hbm>>
          %dma_wait3A_798 = tpu.memref_squeeze %dma_wait3A_797 : memref<1x11x128xi32, #tpu.memory_space<hbm>> -> memref<11x128xi32, #tpu.memory_space<hbm>>
          tpu.wait_dma2 semaphore(%run_scoped3A_766 : memref<!tpu.dma_semaphore, #tpu.memory_space<semaphore_mem>>) src(%dma_wait3A_798 : memref<11x128xi32, #tpu.memory_space<hbm>>) dst(%dma_wait3A_794 : memref<11x128xi32, #tpu.memory_space<vmem>>)
          tpu.yield
        }) : () -> ()
        %run_scoped3A_622 = arith.constant 0 : i32
        "tpu.region"() ({
          %run_scoped3A_766 = tpu.sem_alloc : memref<!tpu.dma_semaphore, #tpu.memory_space<semaphore_mem>>
          %dma_start3A_767 = arith.constant 0 : i32
          %dma_start3A_768 = tpu.memref_slice %arg8[%run_scoped3A_622, %dma_start3A_767] : memref<2x1408xf32, #tpu.memory_space<vmem>> -> memref<1x1408xf32, #tpu.memory_space<vmem>>
          %dma_start3A_769 = tpu.memref_squeeze %dma_start3A_768 : memref<1x1408xf32, #tpu.memory_space<vmem>> -> memref<1408xf32, #tpu.memory_space<vmem>>
          %dma_start3A_770 = arith.constant 0 : i32
          %dma_start3A_771 = tpu.memref_slice %arg3[%add3A_620, %dma_start3A_770] : memref<2048x1408xf32, #tpu.memory_space<hbm>> -> memref<1x1408xf32, #tpu.memory_space<hbm>>
          %dma_start3A_772 = tpu.memref_squeeze %dma_start3A_771 : memref<1x1408xf32, #tpu.memory_space<hbm>> -> memref<1408xf32, #tpu.memory_space<hbm>>
          %dma_start3A_773 = arith.constant 0 : i32
          %dma_start3A_774 = tpu.memref_slice %arg8[%run_scoped3A_622, %dma_start3A_773] : memref<2x1408xf32, #tpu.memory_space<vmem>> -> memref<1x1408xf32, #tpu.memory_space<vmem>>
          %dma_start3A_775 = tpu.memref_squeeze %dma_start3A_774 : memref<1x1408xf32, #tpu.memory_space<vmem>> -> memref<1408xf32, #tpu.memory_space<vmem>>
          %dma_start3A_776 = arith.constant 0 : i32
          %dma_start3A_777 = tpu.memref_slice %arg3[%add3A_620, %dma_start3A_776] : memref<2048x1408xf32, #tpu.memory_space<hbm>> -> memref<1x1408xf32, #tpu.memory_space<hbm>>
          %dma_start3A_778 = tpu.memref_squeeze %dma_start3A_777 : memref<1x1408xf32, #tpu.memory_space<hbm>> -> memref<1408xf32, #tpu.memory_space<hbm>>
          tpu.enqueue_dma source(%dma_start3A_778 : memref<1408xf32, #tpu.memory_space<hbm>>) target(%dma_start3A_775 : memref<1408xf32, #tpu.memory_space<vmem>>) target_semaphore(%run_scoped3A_766 : memref<!tpu.dma_semaphore, #tpu.memory_space<semaphore_mem>>)
          %dma_wait3A_779 = arith.constant 0 : i32
          %dma_wait3A_780 = tpu.memref_slice %arg8[%run_scoped3A_622, %dma_wait3A_779] : memref<2x1408xf32, #tpu.memory_space<vmem>> -> memref<1x1408xf32, #tpu.memory_space<vmem>>
          %dma_wait3A_781 = tpu.memref_squeeze %dma_wait3A_780 : memref<1x1408xf32, #tpu.memory_space<vmem>> -> memref<1408xf32, #tpu.memory_space<vmem>>
          %dma_wait3A_782 = arith.constant 0 : i32
          %dma_wait3A_783 = tpu.memref_slice %arg3[%add3A_620, %dma_wait3A_782] : memref<2048x1408xf32, #tpu.memory_space<hbm>> -> memref<1x1408xf32, #tpu.memory_space<hbm>>
          %dma_wait3A_784 = tpu.memref_squeeze %dma_wait3A_783 : memref<1x1408xf32, #tpu.memory_space<hbm>> -> memref<1408xf32, #tpu.memory_space<hbm>>
          %dma_wait3A_785 = arith.constant 0 : i32
          %dma_wait3A_786 = tpu.memref_slice %arg8[%run_scoped3A_622, %dma_wait3A_785] : memref<2x1408xf32, #tpu.memory_space<vmem>> -> memref<1x1408xf32, #tpu.memory_space<vmem>>
          %dma_wait3A_787 = tpu.memref_squeeze %dma_wait3A_786 : memref<1x1408xf32, #tpu.memory_space<vmem>> -> memref<1408xf32, #tpu.memory_space<vmem>>
          %dma_wait3A_788 = arith.constant 0 : i32
          %dma_wait3A_789 = tpu.memref_slice %arg3[%add3A_620, %dma_wait3A_788] : memref<2048x1408xf32, #tpu.memory_space<hbm>> -> memref<1x1408xf32, #tpu.memory_space<hbm>>
          %dma_wait3A_790 = tpu.memref_squeeze %dma_wait3A_789 : memref<1x1408xf32, #tpu.memory_space<hbm>> -> memref<1408xf32, #tpu.memory_space<hbm>>
          tpu.wait_dma2 semaphore(%run_scoped3A_766 : memref<!tpu.dma_semaphore, #tpu.memory_space<semaphore_mem>>) src(%dma_wait3A_790 : memref<1408xf32, #tpu.memory_space<hbm>>) dst(%dma_wait3A_787 : memref<1408xf32, #tpu.memory_space<vmem>>)
          tpu.yield
        }) : () -> ()
        %dma_start3A_623 = arith.constant 0 : i32
        %dma_start3A_624 = arith.constant 0 : i32
        %dma_start3A_625 = arith.constant 0 : i32
        %dma_start3A_626 = arith.constant 0 : i32
        %dma_start3A_627 = arith.constant 0 : i32
        %dma_start3A_628 = tpu.memref_slice %arg9[%dma_start3A_625, %dma_start3A_626, %dma_start3A_627] : memref<2x1408x64xbf16, #tpu.memory_space<vmem>> -> memref<1x128x64xbf16, #tpu.memory_space<vmem>>
        %dma_start3A_629 = tpu.memref_squeeze %dma_start3A_628 : memref<1x128x64xbf16, #tpu.memory_space<vmem>> -> memref<128x64xbf16, #tpu.memory_space<vmem>>
        %dma_start3A_630 = arith.constant 0 : i32
        %dma_start3A_631 = tpu.memref_slice %arg7[%dma_start3A_623, %dma_start3A_624, %dma_start3A_630] : memref<2x11x128xi32, #tpu.memory_space<vmem>> -> memref<1x1x128xi32, #tpu.memory_space<vmem>>
        %dma_start3A_632 = tpu.memref_squeeze %dma_start3A_631 : memref<1x1x128xi32, #tpu.memory_space<vmem>> -> memref<128xi32, #tpu.memory_space<vmem>>
        %dma_start3A_633 = arith.constant 0 : i32
        %dma_start3A_634 = arith.constant 0 : i32
        %dma_start3A_635 = tpu.memref_slice %arg6[%dma_start3A_633, %dma_start3A_634] : memref<16384x64xbf16, #tpu.memory_space<vmem_shared>> -> memref<16384x64xbf16, #tpu.memory_space<vmem_shared>>
        tpu.enqueue_indirect_dma source(%dma_start3A_635 : memref<16384x64xbf16, #tpu.memory_space<vmem_shared>>) target(%dma_start3A_629 : memref<128x64xbf16, #tpu.memory_space<vmem>>) offsets(%dma_start3A_632 : memref<128xi32, #tpu.memory_space<vmem>>) semaphore(%arg11 : memref<!tpu.dma_semaphore, #tpu.memory_space<semaphore_mem>>)
        %dma_start3A_636 = arith.constant 0 : i32
        %dma_start3A_637 = arith.constant 1 : i32
        %dma_start3A_638 = arith.constant 0 : i32
        %dma_start3A_639 = arith.constant 128 : i32
        %dma_start3A_640 = arith.constant 0 : i32
        %dma_start3A_641 = tpu.memref_slice %arg9[%dma_start3A_638, %dma_start3A_639, %dma_start3A_640] : memref<2x1408x64xbf16, #tpu.memory_space<vmem>> -> memref<1x128x64xbf16, #tpu.memory_space<vmem>>
        %dma_start3A_642 = tpu.memref_squeeze %dma_start3A_641 : memref<1x128x64xbf16, #tpu.memory_space<vmem>> -> memref<128x64xbf16, #tpu.memory_space<vmem>>
        %dma_start3A_643 = arith.constant 0 : i32
        %dma_start3A_644 = tpu.memref_slice %arg7[%dma_start3A_636, %dma_start3A_637, %dma_start3A_643] : memref<2x11x128xi32, #tpu.memory_space<vmem>> -> memref<1x1x128xi32, #tpu.memory_space<vmem>>
        %dma_start3A_645 = tpu.memref_squeeze %dma_start3A_644 : memref<1x1x128xi32, #tpu.memory_space<vmem>> -> memref<128xi32, #tpu.memory_space<vmem>>
        %dma_start3A_646 = arith.constant 0 : i32
        %dma_start3A_647 = arith.constant 0 : i32
        %dma_start3A_648 = tpu.memref_slice %arg6[%dma_start3A_646, %dma_start3A_647] : memref<16384x64xbf16, #tpu.memory_space<vmem_shared>> -> memref<16384x64xbf16, #tpu.memory_space<vmem_shared>>
        tpu.enqueue_indirect_dma source(%dma_start3A_648 : memref<16384x64xbf16, #tpu.memory_space<vmem_shared>>) target(%dma_start3A_642 : memref<128x64xbf16, #tpu.memory_space<vmem>>) offsets(%dma_start3A_645 : memref<128xi32, #tpu.memory_space<vmem>>) semaphore(%arg11 : memref<!tpu.dma_semaphore, #tpu.memory_space<semaphore_mem>>)
        %dma_start3A_649 = arith.constant 0 : i32
        %dma_start3A_650 = arith.constant 2 : i32
        %dma_start3A_651 = arith.constant 0 : i32
        %dma_start3A_652 = arith.constant 256 : i32
        %dma_start3A_653 = arith.constant 0 : i32
        %dma_start3A_654 = tpu.memref_slice %arg9[%dma_start3A_651, %dma_start3A_652, %dma_start3A_653] : memref<2x1408x64xbf16, #tpu.memory_space<vmem>> -> memref<1x128x64xbf16, #tpu.memory_space<vmem>>
        %dma_start3A_655 = tpu.memref_squeeze %dma_start3A_654 : memref<1x128x64xbf16, #tpu.memory_space<vmem>> -> memref<128x64xbf16, #tpu.memory_space<vmem>>
        %dma_start3A_656 = arith.constant 0 : i32
        %dma_start3A_657 = tpu.memref_slice %arg7[%dma_start3A_649, %dma_start3A_650, %dma_start3A_656] : memref<2x11x128xi32, #tpu.memory_space<vmem>> -> memref<1x1x128xi32, #tpu.memory_space<vmem>>
        %dma_start3A_658 = tpu.memref_squeeze %dma_start3A_657 : memref<1x1x128xi32, #tpu.memory_space<vmem>> -> memref<128xi32, #tpu.memory_space<vmem>>
        %dma_start3A_659 = arith.constant 0 : i32
        %dma_start3A_660 = arith.constant 0 : i32
        %dma_start3A_661 = tpu.memref_slice %arg6[%dma_start3A_659, %dma_start3A_660] : memref<16384x64xbf16, #tpu.memory_space<vmem_shared>> -> memref<16384x64xbf16, #tpu.memory_space<vmem_shared>>
        tpu.enqueue_indirect_dma source(%dma_start3A_661 : memref<16384x64xbf16, #tpu.memory_space<vmem_shared>>) target(%dma_start3A_655 : memref<128x64xbf16, #tpu.memory_space<vmem>>) offsets(%dma_start3A_658 : memref<128xi32, #tpu.memory_space<vmem>>) semaphore(%arg11 : memref<!tpu.dma_semaphore, #tpu.memory_space<semaphore_mem>>)
        %dma_start3A_662 = arith.constant 0 : i32
        %dma_start3A_663 = arith.constant 3 : i32
        %dma_start3A_664 = arith.constant 0 : i32
        %dma_start3A_665 = arith.constant 384 : i32
        %dma_start3A_666 = arith.constant 0 : i32
        %dma_start3A_667 = tpu.memref_slice %arg9[%dma_start3A_664, %dma_start3A_665, %dma_start3A_666] : memref<2x1408x64xbf16, #tpu.memory_space<vmem>> -> memref<1x128x64xbf16, #tpu.memory_space<vmem>>
        %dma_start3A_668 = tpu.memref_squeeze %dma_start3A_667 : memref<1x128x64xbf16, #tpu.memory_space<vmem>> -> memref<128x64xbf16, #tpu.memory_space<vmem>>
        %dma_start3A_669 = arith.constant 0 : i32
        %dma_start3A_670 = tpu.memref_slice %arg7[%dma_start3A_662, %dma_start3A_663, %dma_start3A_669] : memref<2x11x128xi32, #tpu.memory_space<vmem>> -> memref<1x1x128xi32, #tpu.memory_space<vmem>>
        %dma_start3A_671 = tpu.memref_squeeze %dma_start3A_670 : memref<1x1x128xi32, #tpu.memory_space<vmem>> -> memref<128xi32, #tpu.memory_space<vmem>>
        %dma_start3A_672 = arith.constant 0 : i32
        %dma_start3A_673 = arith.constant 0 : i32
        %dma_start3A_674 = tpu.memref_slice %arg6[%dma_start3A_672, %dma_start3A_673] : memref<16384x64xbf16, #tpu.memory_space<vmem_shared>> -> memref<16384x64xbf16, #tpu.memory_space<vmem_shared>>
        tpu.enqueue_indirect_dma source(%dma_start3A_674 : memref<16384x64xbf16, #tpu.memory_space<vmem_shared>>) target(%dma_start3A_668 : memref<128x64xbf16, #tpu.memory_space<vmem>>) offsets(%dma_start3A_671 : memref<128xi32, #tpu.memory_space<vmem>>) semaphore(%arg11 : memref<!tpu.dma_semaphore, #tpu.memory_space<semaphore_mem>>)
        %dma_start3A_675 = arith.constant 0 : i32
        %dma_start3A_676 = arith.constant 4 : i32
        %dma_start3A_677 = arith.constant 0 : i32
        %dma_start3A_678 = arith.constant 512 : i32
        %dma_start3A_679 = arith.constant 0 : i32
        %dma_start3A_680 = tpu.memref_slice %arg9[%dma_start3A_677, %dma_start3A_678, %dma_start3A_679] : memref<2x1408x64xbf16, #tpu.memory_space<vmem>> -> memref<1x128x64xbf16, #tpu.memory_space<vmem>>
        %dma_start3A_681 = tpu.memref_squeeze %dma_start3A_680 : memref<1x128x64xbf16, #tpu.memory_space<vmem>> -> memref<128x64xbf16, #tpu.memory_space<vmem>>
        %dma_start3A_682 = arith.constant 0 : i32
        %dma_start3A_683 = tpu.memref_slice %arg7[%dma_start3A_675, %dma_start3A_676, %dma_start3A_682] : memref<2x11x128xi32, #tpu.memory_space<vmem>> -> memref<1x1x128xi32, #tpu.memory_space<vmem>>
        %dma_start3A_684 = tpu.memref_squeeze %dma_start3A_683 : memref<1x1x128xi32, #tpu.memory_space<vmem>> -> memref<128xi32, #tpu.memory_space<vmem>>
        %dma_start3A_685 = arith.constant 0 : i32
        %dma_start3A_686 = arith.constant 0 : i32
        %dma_start3A_687 = tpu.memref_slice %arg6[%dma_start3A_685, %dma_start3A_686] : memref<16384x64xbf16, #tpu.memory_space<vmem_shared>> -> memref<16384x64xbf16, #tpu.memory_space<vmem_shared>>
        tpu.enqueue_indirect_dma source(%dma_start3A_687 : memref<16384x64xbf16, #tpu.memory_space<vmem_shared>>) target(%dma_start3A_681 : memref<128x64xbf16, #tpu.memory_space<vmem>>) offsets(%dma_start3A_684 : memref<128xi32, #tpu.memory_space<vmem>>) semaphore(%arg11 : memref<!tpu.dma_semaphore, #tpu.memory_space<semaphore_mem>>)
        %dma_start3A_688 = arith.constant 0 : i32
        %dma_start3A_689 = arith.constant 5 : i32
        %dma_start3A_690 = arith.constant 0 : i32
        %dma_start3A_691 = arith.constant 640 : i32
        %dma_start3A_692 = arith.constant 0 : i32
        %dma_start3A_693 = tpu.memref_slice %arg9[%dma_start3A_690, %dma_start3A_691, %dma_start3A_692] : memref<2x1408x64xbf16, #tpu.memory_space<vmem>> -> memref<1x128x64xbf16, #tpu.memory_space<vmem>>
        %dma_start3A_694 = tpu.memref_squeeze %dma_start3A_693 : memref<1x128x64xbf16, #tpu.memory_space<vmem>> -> memref<128x64xbf16, #tpu.memory_space<vmem>>
        %dma_start3A_695 = arith.constant 0 : i32
        %dma_start3A_696 = tpu.memref_slice %arg7[%dma_start3A_688, %dma_start3A_689, %dma_start3A_695] : memref<2x11x128xi32, #tpu.memory_space<vmem>> -> memref<1x1x128xi32, #tpu.memory_space<vmem>>
        %dma_start3A_697 = tpu.memref_squeeze %dma_start3A_696 : memref<1x1x128xi32, #tpu.memory_space<vmem>> -> memref<128xi32, #tpu.memory_space<vmem>>
        %dma_start3A_698 = arith.constant 0 : i32
        %dma_start3A_699 = arith.constant 0 : i32
        %dma_start3A_700 = tpu.memref_slice %arg6[%dma_start3A_698, %dma_start3A_699] : memref<16384x64xbf16, #tpu.memory_space<vmem_shared>> -> memref<16384x64xbf16, #tpu.memory_space<vmem_shared>>
        tpu.enqueue_indirect_dma source(%dma_start3A_700 : memref<16384x64xbf16, #tpu.memory_space<vmem_shared>>) target(%dma_start3A_694 : memref<128x64xbf16, #tpu.memory_space<vmem>>) offsets(%dma_start3A_697 : memref<128xi32, #tpu.memory_space<vmem>>) semaphore(%arg11 : memref<!tpu.dma_semaphore, #tpu.memory_space<semaphore_mem>>)
        %dma_start3A_701 = arith.constant 0 : i32
        %dma_start3A_702 = arith.constant 6 : i32
        %dma_start3A_703 = arith.constant 0 : i32
        %dma_start3A_704 = arith.constant 768 : i32
        %dma_start3A_705 = arith.constant 0 : i32
        %dma_start3A_706 = tpu.memref_slice %arg9[%dma_start3A_703, %dma_start3A_704, %dma_start3A_705] : memref<2x1408x64xbf16, #tpu.memory_space<vmem>> -> memref<1x128x64xbf16, #tpu.memory_space<vmem>>
        %dma_start3A_707 = tpu.memref_squeeze %dma_start3A_706 : memref<1x128x64xbf16, #tpu.memory_space<vmem>> -> memref<128x64xbf16, #tpu.memory_space<vmem>>
        %dma_start3A_708 = arith.constant 0 : i32
        %dma_start3A_709 = tpu.memref_slice %arg7[%dma_start3A_701, %dma_start3A_702, %dma_start3A_708] : memref<2x11x128xi32, #tpu.memory_space<vmem>> -> memref<1x1x128xi32, #tpu.memory_space<vmem>>
        %dma_start3A_710 = tpu.memref_squeeze %dma_start3A_709 : memref<1x1x128xi32, #tpu.memory_space<vmem>> -> memref<128xi32, #tpu.memory_space<vmem>>
        %dma_start3A_711 = arith.constant 0 : i32
        %dma_start3A_712 = arith.constant 0 : i32
        %dma_start3A_713 = tpu.memref_slice %arg6[%dma_start3A_711, %dma_start3A_712] : memref<16384x64xbf16, #tpu.memory_space<vmem_shared>> -> memref<16384x64xbf16, #tpu.memory_space<vmem_shared>>
        tpu.enqueue_indirect_dma source(%dma_start3A_713 : memref<16384x64xbf16, #tpu.memory_space<vmem_shared>>) target(%dma_start3A_707 : memref<128x64xbf16, #tpu.memory_space<vmem>>) offsets(%dma_start3A_710 : memref<128xi32, #tpu.memory_space<vmem>>) semaphore(%arg11 : memref<!tpu.dma_semaphore, #tpu.memory_space<semaphore_mem>>)
        %dma_start3A_714 = arith.constant 0 : i32
        %dma_start3A_715 = arith.constant 7 : i32
        %dma_start3A_716 = arith.constant 0 : i32
        %dma_start3A_717 = arith.constant 896 : i32
        %dma_start3A_718 = arith.constant 0 : i32
        %dma_start3A_719 = tpu.memref_slice %arg9[%dma_start3A_716, %dma_start3A_717, %dma_start3A_718] : memref<2x1408x64xbf16, #tpu.memory_space<vmem>> -> memref<1x128x64xbf16, #tpu.memory_space<vmem>>
        %dma_start3A_720 = tpu.memref_squeeze %dma_start3A_719 : memref<1x128x64xbf16, #tpu.memory_space<vmem>> -> memref<128x64xbf16, #tpu.memory_space<vmem>>
        %dma_start3A_721 = arith.constant 0 : i32
        %dma_start3A_722 = tpu.memref_slice %arg7[%dma_start3A_714, %dma_start3A_715, %dma_start3A_721] : memref<2x11x128xi32, #tpu.memory_space<vmem>> -> memref<1x1x128xi32, #tpu.memory_space<vmem>>
        %dma_start3A_723 = tpu.memref_squeeze %dma_start3A_722 : memref<1x1x128xi32, #tpu.memory_space<vmem>> -> memref<128xi32, #tpu.memory_space<vmem>>
        %dma_start3A_724 = arith.constant 0 : i32
        %dma_start3A_725 = arith.constant 0 : i32
        %dma_start3A_726 = tpu.memref_slice %arg6[%dma_start3A_724, %dma_start3A_725] : memref<16384x64xbf16, #tpu.memory_space<vmem_shared>> -> memref<16384x64xbf16, #tpu.memory_space<vmem_shared>>
        tpu.enqueue_indirect_dma source(%dma_start3A_726 : memref<16384x64xbf16, #tpu.memory_space<vmem_shared>>) target(%dma_start3A_720 : memref<128x64xbf16, #tpu.memory_space<vmem>>) offsets(%dma_start3A_723 : memref<128xi32, #tpu.memory_space<vmem>>) semaphore(%arg11 : memref<!tpu.dma_semaphore, #tpu.memory_space<semaphore_mem>>)
        %dma_start3A_727 = arith.constant 0 : i32
        %dma_start3A_728 = arith.constant 8 : i32
        %dma_start3A_729 = arith.constant 0 : i32
        %dma_start3A_730 = arith.constant 1024 : i32
        %dma_start3A_731 = arith.constant 0 : i32
        %dma_start3A_732 = tpu.memref_slice %arg9[%dma_start3A_729, %dma_start3A_730, %dma_start3A_731] : memref<2x1408x64xbf16, #tpu.memory_space<vmem>> -> memref<1x128x64xbf16, #tpu.memory_space<vmem>>
        %dma_start3A_733 = tpu.memref_squeeze %dma_start3A_732 : memref<1x128x64xbf16, #tpu.memory_space<vmem>> -> memref<128x64xbf16, #tpu.memory_space<vmem>>
        %dma_start3A_734 = arith.constant 0 : i32
        %dma_start3A_735 = tpu.memref_slice %arg7[%dma_start3A_727, %dma_start3A_728, %dma_start3A_734] : memref<2x11x128xi32, #tpu.memory_space<vmem>> -> memref<1x1x128xi32, #tpu.memory_space<vmem>>
        %dma_start3A_736 = tpu.memref_squeeze %dma_start3A_735 : memref<1x1x128xi32, #tpu.memory_space<vmem>> -> memref<128xi32, #tpu.memory_space<vmem>>
        %dma_start3A_737 = arith.constant 0 : i32
        %dma_start3A_738 = arith.constant 0 : i32
        %dma_start3A_739 = tpu.memref_slice %arg6[%dma_start3A_737, %dma_start3A_738] : memref<16384x64xbf16, #tpu.memory_space<vmem_shared>> -> memref<16384x64xbf16, #tpu.memory_space<vmem_shared>>
        tpu.enqueue_indirect_dma source(%dma_start3A_739 : memref<16384x64xbf16, #tpu.memory_space<vmem_shared>>) target(%dma_start3A_733 : memref<128x64xbf16, #tpu.memory_space<vmem>>) offsets(%dma_start3A_736 : memref<128xi32, #tpu.memory_space<vmem>>) semaphore(%arg11 : memref<!tpu.dma_semaphore, #tpu.memory_space<semaphore_mem>>)
        %dma_start3A_740 = arith.constant 0 : i32
        %dma_start3A_741 = arith.constant 9 : i32
        %dma_start3A_742 = arith.constant 0 : i32
        %dma_start3A_743 = arith.constant 1152 : i32
        %dma_start3A_744 = arith.constant 0 : i32
        %dma_start3A_745 = tpu.memref_slice %arg9[%dma_start3A_742, %dma_start3A_743, %dma_start3A_744] : memref<2x1408x64xbf16, #tpu.memory_space<vmem>> -> memref<1x128x64xbf16, #tpu.memory_space<vmem>>
        %dma_start3A_746 = tpu.memref_squeeze %dma_start3A_745 : memref<1x128x64xbf16, #tpu.memory_space<vmem>> -> memref<128x64xbf16, #tpu.memory_space<vmem>>
        %dma_start3A_747 = arith.constant 0 : i32
        %dma_start3A_748 = tpu.memref_slice %arg7[%dma_start3A_740, %dma_start3A_741, %dma_start3A_747] : memref<2x11x128xi32, #tpu.memory_space<vmem>> -> memref<1x1x128xi32, #tpu.memory_space<vmem>>
        %dma_start3A_749 = tpu.memref_squeeze %dma_start3A_748 : memref<1x1x128xi32, #tpu.memory_space<vmem>> -> memref<128xi32, #tpu.memory_space<vmem>>
        %dma_start3A_750 = arith.constant 0 : i32
        %dma_start3A_751 = arith.constant 0 : i32
        %dma_start3A_752 = tpu.memref_slice %arg6[%dma_start3A_750, %dma_start3A_751] : memref<16384x64xbf16, #tpu.memory_space<vmem_shared>> -> memref<16384x64xbf16, #tpu.memory_space<vmem_shared>>
        tpu.enqueue_indirect_dma source(%dma_start3A_752 : memref<16384x64xbf16, #tpu.memory_space<vmem_shared>>) target(%dma_start3A_746 : memref<128x64xbf16, #tpu.memory_space<vmem>>) offsets(%dma_start3A_749 : memref<128xi32, #tpu.memory_space<vmem>>) semaphore(%arg11 : memref<!tpu.dma_semaphore, #tpu.memory_space<semaphore_mem>>)
        %dma_start3A_753 = arith.constant 0 : i32
        %dma_start3A_754 = arith.constant 10 : i32
        %dma_start3A_755 = arith.constant 0 : i32
        %dma_start3A_756 = arith.constant 1280 : i32
        %dma_start3A_757 = arith.constant 0 : i32
        %dma_start3A_758 = tpu.memref_slice %arg9[%dma_start3A_755, %dma_start3A_756, %dma_start3A_757] : memref<2x1408x64xbf16, #tpu.memory_space<vmem>> -> memref<1x128x64xbf16, #tpu.memory_space<vmem>>
        %dma_start3A_759 = tpu.memref_squeeze %dma_start3A_758 : memref<1x128x64xbf16, #tpu.memory_space<vmem>> -> memref<128x64xbf16, #tpu.memory_space<vmem>>
        %dma_start3A_760 = arith.constant 0 : i32
        %dma_start3A_761 = tpu.memref_slice %arg7[%dma_start3A_753, %dma_start3A_754, %dma_start3A_760] : memref<2x11x128xi32, #tpu.memory_space<vmem>> -> memref<1x1x128xi32, #tpu.memory_space<vmem>>
        %dma_start3A_762 = tpu.memref_squeeze %dma_start3A_761 : memref<1x1x128xi32, #tpu.memory_space<vmem>> -> memref<128xi32, #tpu.memory_space<vmem>>
        %dma_start3A_763 = arith.constant 0 : i32
        %dma_start3A_764 = arith.constant 0 : i32
        %dma_start3A_765 = tpu.memref_slice %arg6[%dma_start3A_763, %dma_start3A_764] : memref<16384x64xbf16, #tpu.memory_space<vmem_shared>> -> memref<16384x64xbf16, #tpu.memory_space<vmem_shared>>
        tpu.enqueue_indirect_dma source(%dma_start3A_765 : memref<16384x64xbf16, #tpu.memory_space<vmem_shared>>) target(%dma_start3A_759 : memref<128x64xbf16, #tpu.memory_space<vmem>>) offsets(%dma_start3A_762 : memref<128xi32, #tpu.memory_space<vmem>>) semaphore(%arg11 : memref<!tpu.dma_semaphore, #tpu.memory_space<semaphore_mem>>)
      } else {
      }
      %dma_wait3A_463 = arith.constant 1 : i32
      %dma_wait3A_464 = arith.constant 0 : i32
      %dma_wait3A_465 = arith.constant 1 : i32
      %dma_wait3A_466 = arith.constant 0 : i32
      %dma_wait3A_467 = arith.constant 0 : i32
      %dma_wait3A_468 = tpu.memref_slice %arg9[%dma_wait3A_465, %dma_wait3A_466, %dma_wait3A_467] : memref<2x1408x64xbf16, #tpu.memory_space<vmem>> -> memref<1x128x64xbf16, #tpu.memory_space<vmem>>
      %dma_wait3A_469 = tpu.memref_squeeze %dma_wait3A_468 : memref<1x128x64xbf16, #tpu.memory_space<vmem>> -> memref<128x64xbf16, #tpu.memory_space<vmem>>
      %dma_wait3A_470 = arith.constant 0 : i32
      %dma_wait3A_471 = tpu.memref_slice %arg7[%dma_wait3A_463, %dma_wait3A_464, %dma_wait3A_470] : memref<2x11x128xi32, #tpu.memory_space<vmem>> -> memref<1x1x128xi32, #tpu.memory_space<vmem>>
      %dma_wait3A_472 = tpu.memref_squeeze %dma_wait3A_471 : memref<1x1x128xi32, #tpu.memory_space<vmem>> -> memref<128xi32, #tpu.memory_space<vmem>>
      %dma_wait3A_473 = arith.constant 0 : i32
      %dma_wait3A_474 = arith.constant 0 : i32
      %dma_wait3A_475 = tpu.memref_slice %arg6[%dma_wait3A_473, %dma_wait3A_474] : memref<16384x64xbf16, #tpu.memory_space<vmem_shared>> -> memref<16384x64xbf16, #tpu.memory_space<vmem_shared>>
      tpu.wait_indirect_dma semaphore(%arg12 : memref<!tpu.dma_semaphore, #tpu.memory_space<semaphore_mem>>) src(%dma_wait3A_475 : memref<16384x64xbf16, #tpu.memory_space<vmem_shared>>) dst(%dma_wait3A_469 : memref<128x64xbf16, #tpu.memory_space<vmem>>)
      %dma_wait3A_476 = arith.constant 1 : i32
      %dma_wait3A_477 = arith.constant 1 : i32
      %dma_wait3A_478 = arith.constant 1 : i32
      %dma_wait3A_479 = arith.constant 128 : i32
      %dma_wait3A_480 = arith.constant 0 : i32
      %dma_wait3A_481 = tpu.memref_slice %arg9[%dma_wait3A_478, %dma_wait3A_479, %dma_wait3A_480] : memref<2x1408x64xbf16, #tpu.memory_space<vmem>> -> memref<1x128x64xbf16, #tpu.memory_space<vmem>>
      %dma_wait3A_482 = tpu.memref_squeeze %dma_wait3A_481 : memref<1x128x64xbf16, #tpu.memory_space<vmem>> -> memref<128x64xbf16, #tpu.memory_space<vmem>>
      %dma_wait3A_483 = arith.constant 0 : i32
      %dma_wait3A_484 = tpu.memref_slice %arg7[%dma_wait3A_476, %dma_wait3A_477, %dma_wait3A_483] : memref<2x11x128xi32, #tpu.memory_space<vmem>> -> memref<1x1x128xi32, #tpu.memory_space<vmem>>
      %dma_wait3A_485 = tpu.memref_squeeze %dma_wait3A_484 : memref<1x1x128xi32, #tpu.memory_space<vmem>> -> memref<128xi32, #tpu.memory_space<vmem>>
      %dma_wait3A_486 = arith.constant 0 : i32
      %dma_wait3A_487 = arith.constant 0 : i32
      %dma_wait3A_488 = tpu.memref_slice %arg6[%dma_wait3A_486, %dma_wait3A_487] : memref<16384x64xbf16, #tpu.memory_space<vmem_shared>> -> memref<16384x64xbf16, #tpu.memory_space<vmem_shared>>
      tpu.wait_indirect_dma semaphore(%arg12 : memref<!tpu.dma_semaphore, #tpu.memory_space<semaphore_mem>>) src(%dma_wait3A_488 : memref<16384x64xbf16, #tpu.memory_space<vmem_shared>>) dst(%dma_wait3A_482 : memref<128x64xbf16, #tpu.memory_space<vmem>>)
      %dma_wait3A_489 = arith.constant 1 : i32
      %dma_wait3A_490 = arith.constant 2 : i32
      %dma_wait3A_491 = arith.constant 1 : i32
      %dma_wait3A_492 = arith.constant 256 : i32
      %dma_wait3A_493 = arith.constant 0 : i32
      %dma_wait3A_494 = tpu.memref_slice %arg9[%dma_wait3A_491, %dma_wait3A_492, %dma_wait3A_493] : memref<2x1408x64xbf16, #tpu.memory_space<vmem>> -> memref<1x128x64xbf16, #tpu.memory_space<vmem>>
      %dma_wait3A_495 = tpu.memref_squeeze %dma_wait3A_494 : memref<1x128x64xbf16, #tpu.memory_space<vmem>> -> memref<128x64xbf16, #tpu.memory_space<vmem>>
      %dma_wait3A_496 = arith.constant 0 : i32
      %dma_wait3A_497 = tpu.memref_slice %arg7[%dma_wait3A_489, %dma_wait3A_490, %dma_wait3A_496] : memref<2x11x128xi32, #tpu.memory_space<vmem>> -> memref<1x1x128xi32, #tpu.memory_space<vmem>>
      %dma_wait3A_498 = tpu.memref_squeeze %dma_wait3A_497 : memref<1x1x128xi32, #tpu.memory_space<vmem>> -> memref<128xi32, #tpu.memory_space<vmem>>
      %dma_wait3A_499 = arith.constant 0 : i32
      %dma_wait3A_500 = arith.constant 0 : i32
      %dma_wait3A_501 = tpu.memref_slice %arg6[%dma_wait3A_499, %dma_wait3A_500] : memref<16384x64xbf16, #tpu.memory_space<vmem_shared>> -> memref<16384x64xbf16, #tpu.memory_space<vmem_shared>>
      tpu.wait_indirect_dma semaphore(%arg12 : memref<!tpu.dma_semaphore, #tpu.memory_space<semaphore_mem>>) src(%dma_wait3A_501 : memref<16384x64xbf16, #tpu.memory_space<vmem_shared>>) dst(%dma_wait3A_495 : memref<128x64xbf16, #tpu.memory_space<vmem>>)
      %dma_wait3A_502 = arith.constant 1 : i32
      %dma_wait3A_503 = arith.constant 3 : i32
      %dma_wait3A_504 = arith.constant 1 : i32
      %dma_wait3A_505 = arith.constant 384 : i32
      %dma_wait3A_506 = arith.constant 0 : i32
      %dma_wait3A_507 = tpu.memref_slice %arg9[%dma_wait3A_504, %dma_wait3A_505, %dma_wait3A_506] : memref<2x1408x64xbf16, #tpu.memory_space<vmem>> -> memref<1x128x64xbf16, #tpu.memory_space<vmem>>
      %dma_wait3A_508 = tpu.memref_squeeze %dma_wait3A_507 : memref<1x128x64xbf16, #tpu.memory_space<vmem>> -> memref<128x64xbf16, #tpu.memory_space<vmem>>
      %dma_wait3A_509 = arith.constant 0 : i32
      %dma_wait3A_510 = tpu.memref_slice %arg7[%dma_wait3A_502, %dma_wait3A_503, %dma_wait3A_509] : memref<2x11x128xi32, #tpu.memory_space<vmem>> -> memref<1x1x128xi32, #tpu.memory_space<vmem>>
      %dma_wait3A_511 = tpu.memref_squeeze %dma_wait3A_510 : memref<1x1x128xi32, #tpu.memory_space<vmem>> -> memref<128xi32, #tpu.memory_space<vmem>>
      %dma_wait3A_512 = arith.constant 0 : i32
      %dma_wait3A_513 = arith.constant 0 : i32
      %dma_wait3A_514 = tpu.memref_slice %arg6[%dma_wait3A_512, %dma_wait3A_513] : memref<16384x64xbf16, #tpu.memory_space<vmem_shared>> -> memref<16384x64xbf16, #tpu.memory_space<vmem_shared>>
      tpu.wait_indirect_dma semaphore(%arg12 : memref<!tpu.dma_semaphore, #tpu.memory_space<semaphore_mem>>) src(%dma_wait3A_514 : memref<16384x64xbf16, #tpu.memory_space<vmem_shared>>) dst(%dma_wait3A_508 : memref<128x64xbf16, #tpu.memory_space<vmem>>)
      %dma_wait3A_515 = arith.constant 1 : i32
      %dma_wait3A_516 = arith.constant 4 : i32
      %dma_wait3A_517 = arith.constant 1 : i32
      %dma_wait3A_518 = arith.constant 512 : i32
      %dma_wait3A_519 = arith.constant 0 : i32
      %dma_wait3A_520 = tpu.memref_slice %arg9[%dma_wait3A_517, %dma_wait3A_518, %dma_wait3A_519] : memref<2x1408x64xbf16, #tpu.memory_space<vmem>> -> memref<1x128x64xbf16, #tpu.memory_space<vmem>>
      %dma_wait3A_521 = tpu.memref_squeeze %dma_wait3A_520 : memref<1x128x64xbf16, #tpu.memory_space<vmem>> -> memref<128x64xbf16, #tpu.memory_space<vmem>>
      %dma_wait3A_522 = arith.constant 0 : i32
      %dma_wait3A_523 = tpu.memref_slice %arg7[%dma_wait3A_515, %dma_wait3A_516, %dma_wait3A_522] : memref<2x11x128xi32, #tpu.memory_space<vmem>> -> memref<1x1x128xi32, #tpu.memory_space<vmem>>
      %dma_wait3A_524 = tpu.memref_squeeze %dma_wait3A_523 : memref<1x1x128xi32, #tpu.memory_space<vmem>> -> memref<128xi32, #tpu.memory_space<vmem>>
      %dma_wait3A_525 = arith.constant 0 : i32
      %dma_wait3A_526 = arith.constant 0 : i32
      %dma_wait3A_527 = tpu.memref_slice %arg6[%dma_wait3A_525, %dma_wait3A_526] : memref<16384x64xbf16, #tpu.memory_space<vmem_shared>> -> memref<16384x64xbf16, #tpu.memory_space<vmem_shared>>
      tpu.wait_indirect_dma semaphore(%arg12 : memref<!tpu.dma_semaphore, #tpu.memory_space<semaphore_mem>>) src(%dma_wait3A_527 : memref<16384x64xbf16, #tpu.memory_space<vmem_shared>>) dst(%dma_wait3A_521 : memref<128x64xbf16, #tpu.memory_space<vmem>>)
      %dma_wait3A_528 = arith.constant 1 : i32
      %dma_wait3A_529 = arith.constant 5 : i32
      %dma_wait3A_530 = arith.constant 1 : i32
      %dma_wait3A_531 = arith.constant 640 : i32
      %dma_wait3A_532 = arith.constant 0 : i32
      %dma_wait3A_533 = tpu.memref_slice %arg9[%dma_wait3A_530, %dma_wait3A_531, %dma_wait3A_532] : memref<2x1408x64xbf16, #tpu.memory_space<vmem>> -> memref<1x128x64xbf16, #tpu.memory_space<vmem>>
      %dma_wait3A_534 = tpu.memref_squeeze %dma_wait3A_533 : memref<1x128x64xbf16, #tpu.memory_space<vmem>> -> memref<128x64xbf16, #tpu.memory_space<vmem>>
      %dma_wait3A_535 = arith.constant 0 : i32
      %dma_wait3A_536 = tpu.memref_slice %arg7[%dma_wait3A_528, %dma_wait3A_529, %dma_wait3A_535] : memref<2x11x128xi32, #tpu.memory_space<vmem>> -> memref<1x1x128xi32, #tpu.memory_space<vmem>>
      %dma_wait3A_537 = tpu.memref_squeeze %dma_wait3A_536 : memref<1x1x128xi32, #tpu.memory_space<vmem>> -> memref<128xi32, #tpu.memory_space<vmem>>
      %dma_wait3A_538 = arith.constant 0 : i32
      %dma_wait3A_539 = arith.constant 0 : i32
      %dma_wait3A_540 = tpu.memref_slice %arg6[%dma_wait3A_538, %dma_wait3A_539] : memref<16384x64xbf16, #tpu.memory_space<vmem_shared>> -> memref<16384x64xbf16, #tpu.memory_space<vmem_shared>>
      tpu.wait_indirect_dma semaphore(%arg12 : memref<!tpu.dma_semaphore, #tpu.memory_space<semaphore_mem>>) src(%dma_wait3A_540 : memref<16384x64xbf16, #tpu.memory_space<vmem_shared>>) dst(%dma_wait3A_534 : memref<128x64xbf16, #tpu.memory_space<vmem>>)
      %dma_wait3A_541 = arith.constant 1 : i32
      %dma_wait3A_542 = arith.constant 6 : i32
      %dma_wait3A_543 = arith.constant 1 : i32
      %dma_wait3A_544 = arith.constant 768 : i32
      %dma_wait3A_545 = arith.constant 0 : i32
      %dma_wait3A_546 = tpu.memref_slice %arg9[%dma_wait3A_543, %dma_wait3A_544, %dma_wait3A_545] : memref<2x1408x64xbf16, #tpu.memory_space<vmem>> -> memref<1x128x64xbf16, #tpu.memory_space<vmem>>
      %dma_wait3A_547 = tpu.memref_squeeze %dma_wait3A_546 : memref<1x128x64xbf16, #tpu.memory_space<vmem>> -> memref<128x64xbf16, #tpu.memory_space<vmem>>
      %dma_wait3A_548 = arith.constant 0 : i32
      %dma_wait3A_549 = tpu.memref_slice %arg7[%dma_wait3A_541, %dma_wait3A_542, %dma_wait3A_548] : memref<2x11x128xi32, #tpu.memory_space<vmem>> -> memref<1x1x128xi32, #tpu.memory_space<vmem>>
      %dma_wait3A_550 = tpu.memref_squeeze %dma_wait3A_549 : memref<1x1x128xi32, #tpu.memory_space<vmem>> -> memref<128xi32, #tpu.memory_space<vmem>>
      %dma_wait3A_551 = arith.constant 0 : i32
      %dma_wait3A_552 = arith.constant 0 : i32
      %dma_wait3A_553 = tpu.memref_slice %arg6[%dma_wait3A_551, %dma_wait3A_552] : memref<16384x64xbf16, #tpu.memory_space<vmem_shared>> -> memref<16384x64xbf16, #tpu.memory_space<vmem_shared>>
      tpu.wait_indirect_dma semaphore(%arg12 : memref<!tpu.dma_semaphore, #tpu.memory_space<semaphore_mem>>) src(%dma_wait3A_553 : memref<16384x64xbf16, #tpu.memory_space<vmem_shared>>) dst(%dma_wait3A_547 : memref<128x64xbf16, #tpu.memory_space<vmem>>)
      %dma_wait3A_554 = arith.constant 1 : i32
      %dma_wait3A_555 = arith.constant 7 : i32
      %dma_wait3A_556 = arith.constant 1 : i32
      %dma_wait3A_557 = arith.constant 896 : i32
      %dma_wait3A_558 = arith.constant 0 : i32
      %dma_wait3A_559 = tpu.memref_slice %arg9[%dma_wait3A_556, %dma_wait3A_557, %dma_wait3A_558] : memref<2x1408x64xbf16, #tpu.memory_space<vmem>> -> memref<1x128x64xbf16, #tpu.memory_space<vmem>>
      %dma_wait3A_560 = tpu.memref_squeeze %dma_wait3A_559 : memref<1x128x64xbf16, #tpu.memory_space<vmem>> -> memref<128x64xbf16, #tpu.memory_space<vmem>>
      %dma_wait3A_561 = arith.constant 0 : i32
      %dma_wait3A_562 = tpu.memref_slice %arg7[%dma_wait3A_554, %dma_wait3A_555, %dma_wait3A_561] : memref<2x11x128xi32, #tpu.memory_space<vmem>> -> memref<1x1x128xi32, #tpu.memory_space<vmem>>
      %dma_wait3A_563 = tpu.memref_squeeze %dma_wait3A_562 : memref<1x1x128xi32, #tpu.memory_space<vmem>> -> memref<128xi32, #tpu.memory_space<vmem>>
      %dma_wait3A_564 = arith.constant 0 : i32
      %dma_wait3A_565 = arith.constant 0 : i32
      %dma_wait3A_566 = tpu.memref_slice %arg6[%dma_wait3A_564, %dma_wait3A_565] : memref<16384x64xbf16, #tpu.memory_space<vmem_shared>> -> memref<16384x64xbf16, #tpu.memory_space<vmem_shared>>
      tpu.wait_indirect_dma semaphore(%arg12 : memref<!tpu.dma_semaphore, #tpu.memory_space<semaphore_mem>>) src(%dma_wait3A_566 : memref<16384x64xbf16, #tpu.memory_space<vmem_shared>>) dst(%dma_wait3A_560 : memref<128x64xbf16, #tpu.memory_space<vmem>>)
      %dma_wait3A_567 = arith.constant 1 : i32
      %dma_wait3A_568 = arith.constant 8 : i32
      %dma_wait3A_569 = arith.constant 1 : i32
      %dma_wait3A_570 = arith.constant 1024 : i32
      %dma_wait3A_571 = arith.constant 0 : i32
      %dma_wait3A_572 = tpu.memref_slice %arg9[%dma_wait3A_569, %dma_wait3A_570, %dma_wait3A_571] : memref<2x1408x64xbf16, #tpu.memory_space<vmem>> -> memref<1x128x64xbf16, #tpu.memory_space<vmem>>
      %dma_wait3A_573 = tpu.memref_squeeze %dma_wait3A_572 : memref<1x128x64xbf16, #tpu.memory_space<vmem>> -> memref<128x64xbf16, #tpu.memory_space<vmem>>
      %dma_wait3A_574 = arith.constant 0 : i32
      %dma_wait3A_575 = tpu.memref_slice %arg7[%dma_wait3A_567, %dma_wait3A_568, %dma_wait3A_574] : memref<2x11x128xi32, #tpu.memory_space<vmem>> -> memref<1x1x128xi32, #tpu.memory_space<vmem>>
      %dma_wait3A_576 = tpu.memref_squeeze %dma_wait3A_575 : memref<1x1x128xi32, #tpu.memory_space<vmem>> -> memref<128xi32, #tpu.memory_space<vmem>>
      %dma_wait3A_577 = arith.constant 0 : i32
      %dma_wait3A_578 = arith.constant 0 : i32
      %dma_wait3A_579 = tpu.memref_slice %arg6[%dma_wait3A_577, %dma_wait3A_578] : memref<16384x64xbf16, #tpu.memory_space<vmem_shared>> -> memref<16384x64xbf16, #tpu.memory_space<vmem_shared>>
      tpu.wait_indirect_dma semaphore(%arg12 : memref<!tpu.dma_semaphore, #tpu.memory_space<semaphore_mem>>) src(%dma_wait3A_579 : memref<16384x64xbf16, #tpu.memory_space<vmem_shared>>) dst(%dma_wait3A_573 : memref<128x64xbf16, #tpu.memory_space<vmem>>)
      %dma_wait3A_580 = arith.constant 1 : i32
      %dma_wait3A_581 = arith.constant 9 : i32
      %dma_wait3A_582 = arith.constant 1 : i32
      %dma_wait3A_583 = arith.constant 1152 : i32
      %dma_wait3A_584 = arith.constant 0 : i32
      %dma_wait3A_585 = tpu.memref_slice %arg9[%dma_wait3A_582, %dma_wait3A_583, %dma_wait3A_584] : memref<2x1408x64xbf16, #tpu.memory_space<vmem>> -> memref<1x128x64xbf16, #tpu.memory_space<vmem>>
      %dma_wait3A_586 = tpu.memref_squeeze %dma_wait3A_585 : memref<1x128x64xbf16, #tpu.memory_space<vmem>> -> memref<128x64xbf16, #tpu.memory_space<vmem>>
      %dma_wait3A_587 = arith.constant 0 : i32
      %dma_wait3A_588 = tpu.memref_slice %arg7[%dma_wait3A_580, %dma_wait3A_581, %dma_wait3A_587] : memref<2x11x128xi32, #tpu.memory_space<vmem>> -> memref<1x1x128xi32, #tpu.memory_space<vmem>>
      %dma_wait3A_589 = tpu.memref_squeeze %dma_wait3A_588 : memref<1x1x128xi32, #tpu.memory_space<vmem>> -> memref<128xi32, #tpu.memory_space<vmem>>
      %dma_wait3A_590 = arith.constant 0 : i32
      %dma_wait3A_591 = arith.constant 0 : i32
      %dma_wait3A_592 = tpu.memref_slice %arg6[%dma_wait3A_590, %dma_wait3A_591] : memref<16384x64xbf16, #tpu.memory_space<vmem_shared>> -> memref<16384x64xbf16, #tpu.memory_space<vmem_shared>>
      tpu.wait_indirect_dma semaphore(%arg12 : memref<!tpu.dma_semaphore, #tpu.memory_space<semaphore_mem>>) src(%dma_wait3A_592 : memref<16384x64xbf16, #tpu.memory_space<vmem_shared>>) dst(%dma_wait3A_586 : memref<128x64xbf16, #tpu.memory_space<vmem>>)
      %dma_wait3A_593 = arith.constant 1 : i32
      %dma_wait3A_594 = arith.constant 10 : i32
      %dma_wait3A_595 = arith.constant 1 : i32
      %dma_wait3A_596 = arith.constant 1280 : i32
      %dma_wait3A_597 = arith.constant 0 : i32
      %dma_wait3A_598 = tpu.memref_slice %arg9[%dma_wait3A_595, %dma_wait3A_596, %dma_wait3A_597] : memref<2x1408x64xbf16, #tpu.memory_space<vmem>> -> memref<1x128x64xbf16, #tpu.memory_space<vmem>>
      %dma_wait3A_599 = tpu.memref_squeeze %dma_wait3A_598 : memref<1x128x64xbf16, #tpu.memory_space<vmem>> -> memref<128x64xbf16, #tpu.memory_space<vmem>>
      %dma_wait3A_600 = arith.constant 0 : i32
      %dma_wait3A_601 = tpu.memref_slice %arg7[%dma_wait3A_593, %dma_wait3A_594, %dma_wait3A_600] : memref<2x11x128xi32, #tpu.memory_space<vmem>> -> memref<1x1x128xi32, #tpu.memory_space<vmem>>
      %dma_wait3A_602 = tpu.memref_squeeze %dma_wait3A_601 : memref<1x1x128xi32, #tpu.memory_space<vmem>> -> memref<128xi32, #tpu.memory_space<vmem>>
      %dma_wait3A_603 = arith.constant 0 : i32
      %dma_wait3A_604 = arith.constant 0 : i32
      %dma_wait3A_605 = tpu.memref_slice %arg6[%dma_wait3A_603, %dma_wait3A_604] : memref<16384x64xbf16, #tpu.memory_space<vmem_shared>> -> memref<16384x64xbf16, #tpu.memory_space<vmem_shared>>
      tpu.wait_indirect_dma semaphore(%arg12 : memref<!tpu.dma_semaphore, #tpu.memory_space<semaphore_mem>>) src(%dma_wait3A_605 : memref<16384x64xbf16, #tpu.memory_space<vmem_shared>>) dst(%dma_wait3A_599 : memref<128x64xbf16, #tpu.memory_space<vmem>>)
      %add3A_606 = arith.constant 1 : i32
      %add3A_607 = arith.addi %mul3A_159, %add3A_606 : i32
      %mul3A_608 = arith.constant 64 : i32
      %mul3A_609 = arith.muli %add3A, %mul3A_608 : i32
      %add3A_610 = arith.addi %mul3A_609, %add3A_607 : i32
      %parallel_loop3A_611 = arith.constant 0 : i32
      %parallel_loop3A_612 = arith.constant 8 : i32
      %parallel_loop3A_613 = arith.constant 1 : i32
      scf.for %parallel_loop3A_616 = %parallel_loop3A_611 to %parallel_loop3A_612 step %parallel_loop3A_613  : i32 {
        %parallel_loop3A_617 = arith.constant 0.000000e+00 : f32
        %parallel_loop3A_618 = vector.broadcast %parallel_loop3A_617 : f32 to vector<16xf32>
        %parallel_loop3A_619 = arith.constant 0 : i32
        %parallel_loop3A_620 = arith.constant 11 : i32
        %parallel_loop3A_621 = arith.constant 1 : i32
        %parallel_loop3A_622:4 = scf.for %parallel_loop3A_635 = %parallel_loop3A_619 to %parallel_loop3A_620 step %parallel_loop3A_621 iter_args(%parallel_loop3A_636 = %parallel_loop3A_618, %parallel_loop3A_637 = %parallel_loop3A_618, %parallel_loop3A_638 = %parallel_loop3A_618, %parallel_loop3A_639 = %parallel_loop3A_618) -> (vector<16xf32>, vector<16xf32>, vector<16xf32>, vector<16xf32>)  : i32 {
          %parallel_loop3A_640 = arith.constant 176 : i32
          %parallel_loop3A_641 = arith.muli %parallel_loop3A_616, %parallel_loop3A_640 : i32
          %parallel_loop3A_642 = arith.constant 16 : i32
          %parallel_loop3A_643 = arith.muli %parallel_loop3A_635, %parallel_loop3A_642 : i32
          %parallel_loop3A_644 = arith.addi %parallel_loop3A_641, %parallel_loop3A_643 : i32
          %parallel_loop3A_645 = arith.constant 1 : i32
          %parallel_loop3A_646 = arith.index_cast %parallel_loop3A_645 : i32 to index
          %parallel_loop3A_647 = arith.index_cast %parallel_loop3A_644 : i32 to index
          %parallel_loop3A_648 = tpu.vector_load %arg8[%parallel_loop3A_646, %parallel_loop3A_647] {strides = array<i32>} : memref<2x1408xf32, #tpu.memory_space<vmem>>, vector<16xf32>,
          %parallel_loop3A_649 = vector.extract_strided_slice %parallel_loop3A_648 {offsets = [0], sizes = [1], strides = [1]} : vector<16xf32> to vector<1xf32>
          %parallel_loop3A_650 = vector.extract %parallel_loop3A_649[0] : f32 from vector<1xf32>
          %parallel_loop3A_651 = arith.constant 0 : i32
          %parallel_loop3A_652 = arith.addi %parallel_loop3A_644, %parallel_loop3A_651 : i32
          %parallel_loop3A_653 = arith.constant 1 : i32
          %parallel_loop3A_654 = arith.index_cast %parallel_loop3A_653 : i32 to index
          %parallel_loop3A_655 = arith.index_cast %parallel_loop3A_652 : i32 to index
          %parallel_loop3A_656 = arith.constant 0 : index
          %parallel_loop3A_657 = tpu.vector_load %arg9[%parallel_loop3A_654, %parallel_loop3A_655, %parallel_loop3A_656] {strides = array<i32>} : memref<2x1408x64xbf16, #tpu.memory_space<vmem>>, vector<32xbf16>,
          %parallel_loop3A_658 = tpu.unpack_subelements %parallel_loop3A_657, 0 {pack_format = #tpu.pack_format<interleaved>} : vector<32xbf16> -> vector<16xf32>
          %parallel_loop3A_659 = tpu.unpack_subelements %parallel_loop3A_657, 1 {pack_format = #tpu.pack_format<interleaved>} : vector<32xbf16> -> vector<16xf32>
          %parallel_loop3A_660 = arith.constant 0 : i32
          %parallel_loop3A_661 = arith.addi %parallel_loop3A_644, %parallel_loop3A_660 : i32
          %parallel_loop3A_662 = arith.constant 1 : i32
          %parallel_loop3A_663 = arith.index_cast %parallel_loop3A_662 : i32 to index
          %parallel_loop3A_664 = arith.index_cast %parallel_loop3A_661 : i32 to index
          %parallel_loop3A_665 = arith.constant 32 : index
          %parallel_loop3A_666 = tpu.vector_load %arg9[%parallel_loop3A_663, %parallel_loop3A_664, %parallel_loop3A_665] {strides = array<i32>} : memref<2x1408x64xbf16, #tpu.memory_space<vmem>>, vector<32xbf16>,
          %parallel_loop3A_667 = tpu.unpack_subelements %parallel_loop3A_666, 0 {pack_format = #tpu.pack_format<interleaved>} : vector<32xbf16> -> vector<16xf32>
          %parallel_loop3A_668 = tpu.unpack_subelements %parallel_loop3A_666, 1 {pack_format = #tpu.pack_format<interleaved>} : vector<32xbf16> -> vector<16xf32>
          %parallel_loop3A_669 = vector.broadcast %parallel_loop3A_650 : f32 to vector<16xf32>
          %parallel_loop3A_670 = arith.mulf %parallel_loop3A_669, %parallel_loop3A_658 : vector<16xf32>
          %parallel_loop3A_671 = arith.addf %parallel_loop3A_636, %parallel_loop3A_670 : vector<16xf32>
          %parallel_loop3A_672 = vector.broadcast %parallel_loop3A_650 : f32 to vector<16xf32>
          %parallel_loop3A_673 = arith.mulf %parallel_loop3A_672, %parallel_loop3A_659 : vector<16xf32>
          %parallel_loop3A_674 = arith.addf %parallel_loop3A_637, %parallel_loop3A_673 : vector<16xf32>
          %parallel_loop3A_675 = vector.broadcast %parallel_loop3A_650 : f32 to vector<16xf32>
          %parallel_loop3A_676 = arith.mulf %parallel_loop3A_675, %parallel_loop3A_667 : vector<16xf32>
          %parallel_loop3A_677 = arith.addf %parallel_loop3A_638, %parallel_loop3A_676 : vector<16xf32>
          %parallel_loop3A_678 = vector.broadcast %parallel_loop3A_650 : f32 to vector<16xf32>
          %parallel_loop3A_679 = arith.mulf %parallel_loop3A_678, %parallel_loop3A_668 : vector<16xf32>
          %parallel_loop3A_680 = arith.addf %parallel_loop3A_639, %parallel_loop3A_679 : vector<16xf32>
          %parallel_loop3A_681 = vector.extract_strided_slice %parallel_loop3A_648 {offsets = [1], sizes = [1], strides = [1]} : vector<16xf32> to vector<1xf32>
          %parallel_loop3A_682 = vector.extract %parallel_loop3A_681[0] : f32 from vector<1xf32>
          %parallel_loop3A_683 = arith.constant 1 : i32
          %parallel_loop3A_684 = arith.addi %parallel_loop3A_644, %parallel_loop3A_683 : i32
          %parallel_loop3A_685 = arith.constant 1 : i32
          %parallel_loop3A_686 = arith.index_cast %parallel_loop3A_685 : i32 to index
          %parallel_loop3A_687 = arith.index_cast %parallel_loop3A_684 : i32 to index
          %parallel_loop3A_688 = arith.constant 0 : index
          %parallel_loop3A_689 = tpu.vector_load %arg9[%parallel_loop3A_686, %parallel_loop3A_687, %parallel_loop3A_688] {strides = array<i32>} : memref<2x1408x64xbf16, #tpu.memory_space<vmem>>, vector<32xbf16>,
          %parallel_loop3A_690 = tpu.unpack_subelements %parallel_loop3A_689, 0 {pack_format = #tpu.pack_format<interleaved>} : vector<32xbf16> -> vector<16xf32>
          %parallel_loop3A_691 = tpu.unpack_subelements %parallel_loop3A_689, 1 {pack_format = #tpu.pack_format<interleaved>} : vector<32xbf16> -> vector<16xf32>
          %parallel_loop3A_692 = arith.constant 1 : i32
          %parallel_loop3A_693 = arith.addi %parallel_loop3A_644, %parallel_loop3A_692 : i32
          %parallel_loop3A_694 = arith.constant 1 : i32
          %parallel_loop3A_695 = arith.index_cast %parallel_loop3A_694 : i32 to index
          %parallel_loop3A_696 = arith.index_cast %parallel_loop3A_693 : i32 to index
          %parallel_loop3A_697 = arith.constant 32 : index
          %parallel_loop3A_698 = tpu.vector_load %arg9[%parallel_loop3A_695, %parallel_loop3A_696, %parallel_loop3A_697] {strides = array<i32>} : memref<2x1408x64xbf16, #tpu.memory_space<vmem>>, vector<32xbf16>,
          %parallel_loop3A_699 = tpu.unpack_subelements %parallel_loop3A_698, 0 {pack_format = #tpu.pack_format<interleaved>} : vector<32xbf16> -> vector<16xf32>
          %parallel_loop3A_700 = tpu.unpack_subelements %parallel_loop3A_698, 1 {pack_format = #tpu.pack_format<interleaved>} : vector<32xbf16> -> vector<16xf32>
          %parallel_loop3A_701 = vector.broadcast %parallel_loop3A_682 : f32 to vector<16xf32>
          %parallel_loop3A_702 = arith.mulf %parallel_loop3A_701, %parallel_loop3A_690 : vector<16xf32>
          %parallel_loop3A_703 = arith.addf %parallel_loop3A_671, %parallel_loop3A_702 : vector<16xf32>
          %parallel_loop3A_704 = vector.broadcast %parallel_loop3A_682 : f32 to vector<16xf32>
          %parallel_loop3A_705 = arith.mulf %parallel_loop3A_704, %parallel_loop3A_691 : vector<16xf32>
          %parallel_loop3A_706 = arith.addf %parallel_loop3A_674, %parallel_loop3A_705 : vector<16xf32>
          %parallel_loop3A_707 = vector.broadcast %parallel_loop3A_682 : f32 to vector<16xf32>
          %parallel_loop3A_708 = arith.mulf %parallel_loop3A_707, %parallel_loop3A_699 : vector<16xf32>
          %parallel_loop3A_709 = arith.addf %parallel_loop3A_677, %parallel_loop3A_708 : vector<16xf32>
          %parallel_loop3A_710 = vector.broadcast %parallel_loop3A_682 : f32 to vector<16xf32>
          %parallel_loop3A_711 = arith.mulf %parallel_loop3A_710, %parallel_loop3A_700 : vector<16xf32>
          %parallel_loop3A_712 = arith.addf %parallel_loop3A_680, %parallel_loop3A_711 : vector<16xf32>
          %parallel_loop3A_713 = vector.extract_strided_slice %parallel_loop3A_648 {offsets = [2], sizes = [1], strides = [1]} : vector<16xf32> to vector<1xf32>
          %parallel_loop3A_714 = vector.extract %parallel_loop3A_713[0] : f32 from vector<1xf32>
          %parallel_loop3A_715 = arith.constant 2 : i32
          %parallel_loop3A_716 = arith.addi %parallel_loop3A_644, %parallel_loop3A_715 : i32
          %parallel_loop3A_717 = arith.constant 1 : i32
          %parallel_loop3A_718 = arith.index_cast %parallel_loop3A_717 : i32 to index
          %parallel_loop3A_719 = arith.index_cast %parallel_loop3A_716 : i32 to index
          %parallel_loop3A_720 = arith.constant 0 : index
          %parallel_loop3A_721 = tpu.vector_load %arg9[%parallel_loop3A_718, %parallel_loop3A_719, %parallel_loop3A_720] {strides = array<i32>} : memref<2x1408x64xbf16, #tpu.memory_space<vmem>>, vector<32xbf16>,
          %parallel_loop3A_722 = tpu.unpack_subelements %parallel_loop3A_721, 0 {pack_format = #tpu.pack_format<interleaved>} : vector<32xbf16> -> vector<16xf32>
          %parallel_loop3A_723 = tpu.unpack_subelements %parallel_loop3A_721, 1 {pack_format = #tpu.pack_format<interleaved>} : vector<32xbf16> -> vector<16xf32>
          %parallel_loop3A_724 = arith.constant 2 : i32
          %parallel_loop3A_725 = arith.addi %parallel_loop3A_644, %parallel_loop3A_724 : i32
          %parallel_loop3A_726 = arith.constant 1 : i32
          %parallel_loop3A_727 = arith.index_cast %parallel_loop3A_726 : i32 to index
          %parallel_loop3A_728 = arith.index_cast %parallel_loop3A_725 : i32 to index
          %parallel_loop3A_729 = arith.constant 32 : index
          %parallel_loop3A_730 = tpu.vector_load %arg9[%parallel_loop3A_727, %parallel_loop3A_728, %parallel_loop3A_729] {strides = array<i32>} : memref<2x1408x64xbf16, #tpu.memory_space<vmem>>, vector<32xbf16>,
          %parallel_loop3A_731 = tpu.unpack_subelements %parallel_loop3A_730, 0 {pack_format = #tpu.pack_format<interleaved>} : vector<32xbf16> -> vector<16xf32>
          %parallel_loop3A_732 = tpu.unpack_subelements %parallel_loop3A_730, 1 {pack_format = #tpu.pack_format<interleaved>} : vector<32xbf16> -> vector<16xf32>
          %parallel_loop3A_733 = vector.broadcast %parallel_loop3A_714 : f32 to vector<16xf32>
          %parallel_loop3A_734 = arith.mulf %parallel_loop3A_733, %parallel_loop3A_722 : vector<16xf32>
          %parallel_loop3A_735 = arith.addf %parallel_loop3A_703, %parallel_loop3A_734 : vector<16xf32>
          %parallel_loop3A_736 = vector.broadcast %parallel_loop3A_714 : f32 to vector<16xf32>
          %parallel_loop3A_737 = arith.mulf %parallel_loop3A_736, %parallel_loop3A_723 : vector<16xf32>
          %parallel_loop3A_738 = arith.addf %parallel_loop3A_706, %parallel_loop3A_737 : vector<16xf32>
          %parallel_loop3A_739 = vector.broadcast %parallel_loop3A_714 : f32 to vector<16xf32>
          %parallel_loop3A_740 = arith.mulf %parallel_loop3A_739, %parallel_loop3A_731 : vector<16xf32>
          %parallel_loop3A_741 = arith.addf %parallel_loop3A_709, %parallel_loop3A_740 : vector<16xf32>
          %parallel_loop3A_742 = vector.broadcast %parallel_loop3A_714 : f32 to vector<16xf32>
          %parallel_loop3A_743 = arith.mulf %parallel_loop3A_742, %parallel_loop3A_732 : vector<16xf32>
          %parallel_loop3A_744 = arith.addf %parallel_loop3A_712, %parallel_loop3A_743 : vector<16xf32>
          %parallel_loop3A_745 = vector.extract_strided_slice %parallel_loop3A_648 {offsets = [3], sizes = [1], strides = [1]} : vector<16xf32> to vector<1xf32>
          %parallel_loop3A_746 = vector.extract %parallel_loop3A_745[0] : f32 from vector<1xf32>
          %parallel_loop3A_747 = arith.constant 3 : i32
          %parallel_loop3A_748 = arith.addi %parallel_loop3A_644, %parallel_loop3A_747 : i32
          %parallel_loop3A_749 = arith.constant 1 : i32
          %parallel_loop3A_750 = arith.index_cast %parallel_loop3A_749 : i32 to index
          %parallel_loop3A_751 = arith.index_cast %parallel_loop3A_748 : i32 to index
          %parallel_loop3A_752 = arith.constant 0 : index
          %parallel_loop3A_753 = tpu.vector_load %arg9[%parallel_loop3A_750, %parallel_loop3A_751, %parallel_loop3A_752] {strides = array<i32>} : memref<2x1408x64xbf16, #tpu.memory_space<vmem>>, vector<32xbf16>,
          %parallel_loop3A_754 = tpu.unpack_subelements %parallel_loop3A_753, 0 {pack_format = #tpu.pack_format<interleaved>} : vector<32xbf16> -> vector<16xf32>
          %parallel_loop3A_755 = tpu.unpack_subelements %parallel_loop3A_753, 1 {pack_format = #tpu.pack_format<interleaved>} : vector<32xbf16> -> vector<16xf32>
          %parallel_loop3A_756 = arith.constant 3 : i32
          %parallel_loop3A_757 = arith.addi %parallel_loop3A_644, %parallel_loop3A_756 : i32
          %parallel_loop3A_758 = arith.constant 1 : i32
          %parallel_loop3A_759 = arith.index_cast %parallel_loop3A_758 : i32 to index
          %parallel_loop3A_760 = arith.index_cast %parallel_loop3A_757 : i32 to index
          %parallel_loop3A_761 = arith.constant 32 : index
          %parallel_loop3A_762 = tpu.vector_load %arg9[%parallel_loop3A_759, %parallel_loop3A_760, %parallel_loop3A_761] {strides = array<i32>} : memref<2x1408x64xbf16, #tpu.memory_space<vmem>>, vector<32xbf16>,
          %parallel_loop3A_763 = tpu.unpack_subelements %parallel_loop3A_762, 0 {pack_format = #tpu.pack_format<interleaved>} : vector<32xbf16> -> vector<16xf32>
          %parallel_loop3A_764 = tpu.unpack_subelements %parallel_loop3A_762, 1 {pack_format = #tpu.pack_format<interleaved>} : vector<32xbf16> -> vector<16xf32>
          %parallel_loop3A_765 = vector.broadcast %parallel_loop3A_746 : f32 to vector<16xf32>
          %parallel_loop3A_766 = arith.mulf %parallel_loop3A_765, %parallel_loop3A_754 : vector<16xf32>
          %parallel_loop3A_767 = arith.addf %parallel_loop3A_735, %parallel_loop3A_766 : vector<16xf32>
          %parallel_loop3A_768 = vector.broadcast %parallel_loop3A_746 : f32 to vector<16xf32>
          %parallel_loop3A_769 = arith.mulf %parallel_loop3A_768, %parallel_loop3A_755 : vector<16xf32>
          %parallel_loop3A_770 = arith.addf %parallel_loop3A_738, %parallel_loop3A_769 : vector<16xf32>
          %parallel_loop3A_771 = vector.broadcast %parallel_loop3A_746 : f32 to vector<16xf32>
          %parallel_loop3A_772 = arith.mulf %parallel_loop3A_771, %parallel_loop3A_763 : vector<16xf32>
          %parallel_loop3A_773 = arith.addf %parallel_loop3A_741, %parallel_loop3A_772 : vector<16xf32>
          %parallel_loop3A_774 = vector.broadcast %parallel_loop3A_746 : f32 to vector<16xf32>
          %parallel_loop3A_775 = arith.mulf %parallel_loop3A_774, %parallel_loop3A_764 : vector<16xf32>
          %parallel_loop3A_776 = arith.addf %parallel_loop3A_744, %parallel_loop3A_775 : vector<16xf32>
          %parallel_loop3A_777 = vector.extract_strided_slice %parallel_loop3A_648 {offsets = [4], sizes = [1], strides = [1]} : vector<16xf32> to vector<1xf32>
          %parallel_loop3A_778 = vector.extract %parallel_loop3A_777[0] : f32 from vector<1xf32>
          %parallel_loop3A_779 = arith.constant 4 : i32
          %parallel_loop3A_780 = arith.addi %parallel_loop3A_644, %parallel_loop3A_779 : i32
          %parallel_loop3A_781 = arith.constant 1 : i32
          %parallel_loop3A_782 = arith.index_cast %parallel_loop3A_781 : i32 to index
          %parallel_loop3A_783 = arith.index_cast %parallel_loop3A_780 : i32 to index
          %parallel_loop3A_784 = arith.constant 0 : index
          %parallel_loop3A_785 = tpu.vector_load %arg9[%parallel_loop3A_782, %parallel_loop3A_783, %parallel_loop3A_784] {strides = array<i32>} : memref<2x1408x64xbf16, #tpu.memory_space<vmem>>, vector<32xbf16>,
          %parallel_loop3A_786 = tpu.unpack_subelements %parallel_loop3A_785, 0 {pack_format = #tpu.pack_format<interleaved>} : vector<32xbf16> -> vector<16xf32>
          %parallel_loop3A_787 = tpu.unpack_subelements %parallel_loop3A_785, 1 {pack_format = #tpu.pack_format<interleaved>} : vector<32xbf16> -> vector<16xf32>
          %parallel_loop3A_788 = arith.constant 4 : i32
          %parallel_loop3A_789 = arith.addi %parallel_loop3A_644, %parallel_loop3A_788 : i32
          %parallel_loop3A_790 = arith.constant 1 : i32
          %parallel_loop3A_791 = arith.index_cast %parallel_loop3A_790 : i32 to index
          %parallel_loop3A_792 = arith.index_cast %parallel_loop3A_789 : i32 to index
          %parallel_loop3A_793 = arith.constant 32 : index
          %parallel_loop3A_794 = tpu.vector_load %arg9[%parallel_loop3A_791, %parallel_loop3A_792, %parallel_loop3A_793] {strides = array<i32>} : memref<2x1408x64xbf16, #tpu.memory_space<vmem>>, vector<32xbf16>,
          %parallel_loop3A_795 = tpu.unpack_subelements %parallel_loop3A_794, 0 {pack_format = #tpu.pack_format<interleaved>} : vector<32xbf16> -> vector<16xf32>
          %parallel_loop3A_796 = tpu.unpack_subelements %parallel_loop3A_794, 1 {pack_format = #tpu.pack_format<interleaved>} : vector<32xbf16> -> vector<16xf32>
          %parallel_loop3A_797 = vector.broadcast %parallel_loop3A_778 : f32 to vector<16xf32>
          %parallel_loop3A_798 = arith.mulf %parallel_loop3A_797, %parallel_loop3A_786 : vector<16xf32>
          %parallel_loop3A_799 = arith.addf %parallel_loop3A_767, %parallel_loop3A_798 : vector<16xf32>
          %parallel_loop3A_800 = vector.broadcast %parallel_loop3A_778 : f32 to vector<16xf32>
          %parallel_loop3A_801 = arith.mulf %parallel_loop3A_800, %parallel_loop3A_787 : vector<16xf32>
          %parallel_loop3A_802 = arith.addf %parallel_loop3A_770, %parallel_loop3A_801 : vector<16xf32>
          %parallel_loop3A_803 = vector.broadcast %parallel_loop3A_778 : f32 to vector<16xf32>
          %parallel_loop3A_804 = arith.mulf %parallel_loop3A_803, %parallel_loop3A_795 : vector<16xf32>
          %parallel_loop3A_805 = arith.addf %parallel_loop3A_773, %parallel_loop3A_804 : vector<16xf32>
          %parallel_loop3A_806 = vector.broadcast %parallel_loop3A_778 : f32 to vector<16xf32>
          %parallel_loop3A_807 = arith.mulf %parallel_loop3A_806, %parallel_loop3A_796 : vector<16xf32>
          %parallel_loop3A_808 = arith.addf %parallel_loop3A_776, %parallel_loop3A_807 : vector<16xf32>
          %parallel_loop3A_809 = vector.extract_strided_slice %parallel_loop3A_648 {offsets = [5], sizes = [1], strides = [1]} : vector<16xf32> to vector<1xf32>
          %parallel_loop3A_810 = vector.extract %parallel_loop3A_809[0] : f32 from vector<1xf32>
          %parallel_loop3A_811 = arith.constant 5 : i32
          %parallel_loop3A_812 = arith.addi %parallel_loop3A_644, %parallel_loop3A_811 : i32
          %parallel_loop3A_813 = arith.constant 1 : i32
          %parallel_loop3A_814 = arith.index_cast %parallel_loop3A_813 : i32 to index
          %parallel_loop3A_815 = arith.index_cast %parallel_loop3A_812 : i32 to index
          %parallel_loop3A_816 = arith.constant 0 : index
          %parallel_loop3A_817 = tpu.vector_load %arg9[%parallel_loop3A_814, %parallel_loop3A_815, %parallel_loop3A_816] {strides = array<i32>} : memref<2x1408x64xbf16, #tpu.memory_space<vmem>>, vector<32xbf16>,
          %parallel_loop3A_818 = tpu.unpack_subelements %parallel_loop3A_817, 0 {pack_format = #tpu.pack_format<interleaved>} : vector<32xbf16> -> vector<16xf32>
          %parallel_loop3A_819 = tpu.unpack_subelements %parallel_loop3A_817, 1 {pack_format = #tpu.pack_format<interleaved>} : vector<32xbf16> -> vector<16xf32>
          %parallel_loop3A_820 = arith.constant 5 : i32
          %parallel_loop3A_821 = arith.addi %parallel_loop3A_644, %parallel_loop3A_820 : i32
          %parallel_loop3A_822 = arith.constant 1 : i32
          %parallel_loop3A_823 = arith.index_cast %parallel_loop3A_822 : i32 to index
          %parallel_loop3A_824 = arith.index_cast %parallel_loop3A_821 : i32 to index
          %parallel_loop3A_825 = arith.constant 32 : index
          %parallel_loop3A_826 = tpu.vector_load %arg9[%parallel_loop3A_823, %parallel_loop3A_824, %parallel_loop3A_825] {strides = array<i32>} : memref<2x1408x64xbf16, #tpu.memory_space<vmem>>, vector<32xbf16>,
          %parallel_loop3A_827 = tpu.unpack_subelements %parallel_loop3A_826, 0 {pack_format = #tpu.pack_format<interleaved>} : vector<32xbf16> -> vector<16xf32>
          %parallel_loop3A_828 = tpu.unpack_subelements %parallel_loop3A_826, 1 {pack_format = #tpu.pack_format<interleaved>} : vector<32xbf16> -> vector<16xf32>
          %parallel_loop3A_829 = vector.broadcast %parallel_loop3A_810 : f32 to vector<16xf32>
          %parallel_loop3A_830 = arith.mulf %parallel_loop3A_829, %parallel_loop3A_818 : vector<16xf32>
          %parallel_loop3A_831 = arith.addf %parallel_loop3A_799, %parallel_loop3A_830 : vector<16xf32>
          %parallel_loop3A_832 = vector.broadcast %parallel_loop3A_810 : f32 to vector<16xf32>
          %parallel_loop3A_833 = arith.mulf %parallel_loop3A_832, %parallel_loop3A_819 : vector<16xf32>
          %parallel_loop3A_834 = arith.addf %parallel_loop3A_802, %parallel_loop3A_833 : vector<16xf32>
          %parallel_loop3A_835 = vector.broadcast %parallel_loop3A_810 : f32 to vector<16xf32>
          %parallel_loop3A_836 = arith.mulf %parallel_loop3A_835, %parallel_loop3A_827 : vector<16xf32>
          %parallel_loop3A_837 = arith.addf %parallel_loop3A_805, %parallel_loop3A_836 : vector<16xf32>
          %parallel_loop3A_838 = vector.broadcast %parallel_loop3A_810 : f32 to vector<16xf32>
          %parallel_loop3A_839 = arith.mulf %parallel_loop3A_838, %parallel_loop3A_828 : vector<16xf32>
          %parallel_loop3A_840 = arith.addf %parallel_loop3A_808, %parallel_loop3A_839 : vector<16xf32>
          %parallel_loop3A_841 = vector.extract_strided_slice %parallel_loop3A_648 {offsets = [6], sizes = [1], strides = [1]} : vector<16xf32> to vector<1xf32>
          %parallel_loop3A_842 = vector.extract %parallel_loop3A_841[0] : f32 from vector<1xf32>
          %parallel_loop3A_843 = arith.constant 6 : i32
          %parallel_loop3A_844 = arith.addi %parallel_loop3A_644, %parallel_loop3A_843 : i32
          %parallel_loop3A_845 = arith.constant 1 : i32
          %parallel_loop3A_846 = arith.index_cast %parallel_loop3A_845 : i32 to index
          %parallel_loop3A_847 = arith.index_cast %parallel_loop3A_844 : i32 to index
          %parallel_loop3A_848 = arith.constant 0 : index
          %parallel_loop3A_849 = tpu.vector_load %arg9[%parallel_loop3A_846, %parallel_loop3A_847, %parallel_loop3A_848] {strides = array<i32>} : memref<2x1408x64xbf16, #tpu.memory_space<vmem>>, vector<32xbf16>,
          %parallel_loop3A_850 = tpu.unpack_subelements %parallel_loop3A_849, 0 {pack_format = #tpu.pack_format<interleaved>} : vector<32xbf16> -> vector<16xf32>
          %parallel_loop3A_851 = tpu.unpack_subelements %parallel_loop3A_849, 1 {pack_format = #tpu.pack_format<interleaved>} : vector<32xbf16> -> vector<16xf32>
          %parallel_loop3A_852 = arith.constant 6 : i32
          %parallel_loop3A_853 = arith.addi %parallel_loop3A_644, %parallel_loop3A_852 : i32
          %parallel_loop3A_854 = arith.constant 1 : i32
          %parallel_loop3A_855 = arith.index_cast %parallel_loop3A_854 : i32 to index
          %parallel_loop3A_856 = arith.index_cast %parallel_loop3A_853 : i32 to index
          %parallel_loop3A_857 = arith.constant 32 : index
          %parallel_loop3A_858 = tpu.vector_load %arg9[%parallel_loop3A_855, %parallel_loop3A_856, %parallel_loop3A_857] {strides = array<i32>} : memref<2x1408x64xbf16, #tpu.memory_space<vmem>>, vector<32xbf16>,
          %parallel_loop3A_859 = tpu.unpack_subelements %parallel_loop3A_858, 0 {pack_format = #tpu.pack_format<interleaved>} : vector<32xbf16> -> vector<16xf32>
          %parallel_loop3A_860 = tpu.unpack_subelements %parallel_loop3A_858, 1 {pack_format = #tpu.pack_format<interleaved>} : vector<32xbf16> -> vector<16xf32>
          %parallel_loop3A_861 = vector.broadcast %parallel_loop3A_842 : f32 to vector<16xf32>
          %parallel_loop3A_862 = arith.mulf %parallel_loop3A_861, %parallel_loop3A_850 : vector<16xf32>
          %parallel_loop3A_863 = arith.addf %parallel_loop3A_831, %parallel_loop3A_862 : vector<16xf32>
          %parallel_loop3A_864 = vector.broadcast %parallel_loop3A_842 : f32 to vector<16xf32>
          %parallel_loop3A_865 = arith.mulf %parallel_loop3A_864, %parallel_loop3A_851 : vector<16xf32>
          %parallel_loop3A_866 = arith.addf %parallel_loop3A_834, %parallel_loop3A_865 : vector<16xf32>
          %parallel_loop3A_867 = vector.broadcast %parallel_loop3A_842 : f32 to vector<16xf32>
          %parallel_loop3A_868 = arith.mulf %parallel_loop3A_867, %parallel_loop3A_859 : vector<16xf32>
          %parallel_loop3A_869 = arith.addf %parallel_loop3A_837, %parallel_loop3A_868 : vector<16xf32>
          %parallel_loop3A_870 = vector.broadcast %parallel_loop3A_842 : f32 to vector<16xf32>
          %parallel_loop3A_871 = arith.mulf %parallel_loop3A_870, %parallel_loop3A_860 : vector<16xf32>
          %parallel_loop3A_872 = arith.addf %parallel_loop3A_840, %parallel_loop3A_871 : vector<16xf32>
          %parallel_loop3A_873 = vector.extract_strided_slice %parallel_loop3A_648 {offsets = [7], sizes = [1], strides = [1]} : vector<16xf32> to vector<1xf32>
          %parallel_loop3A_874 = vector.extract %parallel_loop3A_873[0] : f32 from vector<1xf32>
          %parallel_loop3A_875 = arith.constant 7 : i32
          %parallel_loop3A_876 = arith.addi %parallel_loop3A_644, %parallel_loop3A_875 : i32
          %parallel_loop3A_877 = arith.constant 1 : i32
          %parallel_loop3A_878 = arith.index_cast %parallel_loop3A_877 : i32 to index
          %parallel_loop3A_879 = arith.index_cast %parallel_loop3A_876 : i32 to index
          %parallel_loop3A_880 = arith.constant 0 : index
          %parallel_loop3A_881 = tpu.vector_load %arg9[%parallel_loop3A_878, %parallel_loop3A_879, %parallel_loop3A_880] {strides = array<i32>} : memref<2x1408x64xbf16, #tpu.memory_space<vmem>>, vector<32xbf16>,
          %parallel_loop3A_882 = tpu.unpack_subelements %parallel_loop3A_881, 0 {pack_format = #tpu.pack_format<interleaved>} : vector<32xbf16> -> vector<16xf32>
          %parallel_loop3A_883 = tpu.unpack_subelements %parallel_loop3A_881, 1 {pack_format = #tpu.pack_format<interleaved>} : vector<32xbf16> -> vector<16xf32>
          %parallel_loop3A_884 = arith.constant 7 : i32
          %parallel_loop3A_885 = arith.addi %parallel_loop3A_644, %parallel_loop3A_884 : i32
          %parallel_loop3A_886 = arith.constant 1 : i32
          %parallel_loop3A_887 = arith.index_cast %parallel_loop3A_886 : i32 to index
          %parallel_loop3A_888 = arith.index_cast %parallel_loop3A_885 : i32 to index
          %parallel_loop3A_889 = arith.constant 32 : index
          %parallel_loop3A_890 = tpu.vector_load %arg9[%parallel_loop3A_887, %parallel_loop3A_888, %parallel_loop3A_889] {strides = array<i32>} : memref<2x1408x64xbf16, #tpu.memory_space<vmem>>, vector<32xbf16>,
          %parallel_loop3A_891 = tpu.unpack_subelements %parallel_loop3A_890, 0 {pack_format = #tpu.pack_format<interleaved>} : vector<32xbf16> -> vector<16xf32>
          %parallel_loop3A_892 = tpu.unpack_subelements %parallel_loop3A_890, 1 {pack_format = #tpu.pack_format<interleaved>} : vector<32xbf16> -> vector<16xf32>
          %parallel_loop3A_893 = vector.broadcast %parallel_loop3A_874 : f32 to vector<16xf32>
          %parallel_loop3A_894 = arith.mulf %parallel_loop3A_893, %parallel_loop3A_882 : vector<16xf32>
          %parallel_loop3A_895 = arith.addf %parallel_loop3A_863, %parallel_loop3A_894 : vector<16xf32>
          %parallel_loop3A_896 = vector.broadcast %parallel_loop3A_874 : f32 to vector<16xf32>
          %parallel_loop3A_897 = arith.mulf %parallel_loop3A_896, %parallel_loop3A_883 : vector<16xf32>
          %parallel_loop3A_898 = arith.addf %parallel_loop3A_866, %parallel_loop3A_897 : vector<16xf32>
          %parallel_loop3A_899 = vector.broadcast %parallel_loop3A_874 : f32 to vector<16xf32>
          %parallel_loop3A_900 = arith.mulf %parallel_loop3A_899, %parallel_loop3A_891 : vector<16xf32>
          %parallel_loop3A_901 = arith.addf %parallel_loop3A_869, %parallel_loop3A_900 : vector<16xf32>
          %parallel_loop3A_902 = vector.broadcast %parallel_loop3A_874 : f32 to vector<16xf32>
          %parallel_loop3A_903 = arith.mulf %parallel_loop3A_902, %parallel_loop3A_892 : vector<16xf32>
          %parallel_loop3A_904 = arith.addf %parallel_loop3A_872, %parallel_loop3A_903 : vector<16xf32>
          %parallel_loop3A_905 = vector.extract_strided_slice %parallel_loop3A_648 {offsets = [8], sizes = [1], strides = [1]} : vector<16xf32> to vector<1xf32>
          %parallel_loop3A_906 = vector.extract %parallel_loop3A_905[0] : f32 from vector<1xf32>
          %parallel_loop3A_907 = arith.constant 8 : i32
          %parallel_loop3A_908 = arith.addi %parallel_loop3A_644, %parallel_loop3A_907 : i32
          %parallel_loop3A_909 = arith.constant 1 : i32
          %parallel_loop3A_910 = arith.index_cast %parallel_loop3A_909 : i32 to index
          %parallel_loop3A_911 = arith.index_cast %parallel_loop3A_908 : i32 to index
          %parallel_loop3A_912 = arith.constant 0 : index
          %parallel_loop3A_913 = tpu.vector_load %arg9[%parallel_loop3A_910, %parallel_loop3A_911, %parallel_loop3A_912] {strides = array<i32>} : memref<2x1408x64xbf16, #tpu.memory_space<vmem>>, vector<32xbf16>,
          %parallel_loop3A_914 = tpu.unpack_subelements %parallel_loop3A_913, 0 {pack_format = #tpu.pack_format<interleaved>} : vector<32xbf16> -> vector<16xf32>
          %parallel_loop3A_915 = tpu.unpack_subelements %parallel_loop3A_913, 1 {pack_format = #tpu.pack_format<interleaved>} : vector<32xbf16> -> vector<16xf32>
          %parallel_loop3A_916 = arith.constant 8 : i32
          %parallel_loop3A_917 = arith.addi %parallel_loop3A_644, %parallel_loop3A_916 : i32
          %parallel_loop3A_918 = arith.constant 1 : i32
          %parallel_loop3A_919 = arith.index_cast %parallel_loop3A_918 : i32 to index
          %parallel_loop3A_920 = arith.index_cast %parallel_loop3A_917 : i32 to index
          %parallel_loop3A_921 = arith.constant 32 : index
          %parallel_loop3A_922 = tpu.vector_load %arg9[%parallel_loop3A_919, %parallel_loop3A_920, %parallel_loop3A_921] {strides = array<i32>} : memref<2x1408x64xbf16, #tpu.memory_space<vmem>>, vector<32xbf16>,
          %parallel_loop3A_923 = tpu.unpack_subelements %parallel_loop3A_922, 0 {pack_format = #tpu.pack_format<interleaved>} : vector<32xbf16> -> vector<16xf32>
          %parallel_loop3A_924 = tpu.unpack_subelements %parallel_loop3A_922, 1 {pack_format = #tpu.pack_format<interleaved>} : vector<32xbf16> -> vector<16xf32>
          %parallel_loop3A_925 = vector.broadcast %parallel_loop3A_906 : f32 to vector<16xf32>
          %parallel_loop3A_926 = arith.mulf %parallel_loop3A_925, %parallel_loop3A_914 : vector<16xf32>
          %parallel_loop3A_927 = arith.addf %parallel_loop3A_895, %parallel_loop3A_926 : vector<16xf32>
          %parallel_loop3A_928 = vector.broadcast %parallel_loop3A_906 : f32 to vector<16xf32>
          %parallel_loop3A_929 = arith.mulf %parallel_loop3A_928, %parallel_loop3A_915 : vector<16xf32>
          %parallel_loop3A_930 = arith.addf %parallel_loop3A_898, %parallel_loop3A_929 : vector<16xf32>
          %parallel_loop3A_931 = vector.broadcast %parallel_loop3A_906 : f32 to vector<16xf32>
          %parallel_loop3A_932 = arith.mulf %parallel_loop3A_931, %parallel_loop3A_923 : vector<16xf32>
          %parallel_loop3A_933 = arith.addf %parallel_loop3A_901, %parallel_loop3A_932 : vector<16xf32>
          %parallel_loop3A_934 = vector.broadcast %parallel_loop3A_906 : f32 to vector<16xf32>
          %parallel_loop3A_935 = arith.mulf %parallel_loop3A_934, %parallel_loop3A_924 : vector<16xf32>
          %parallel_loop3A_936 = arith.addf %parallel_loop3A_904, %parallel_loop3A_935 : vector<16xf32>
          %parallel_loop3A_937 = vector.extract_strided_slice %parallel_loop3A_648 {offsets = [9], sizes = [1], strides = [1]} : vector<16xf32> to vector<1xf32>
          %parallel_loop3A_938 = vector.extract %parallel_loop3A_937[0] : f32 from vector<1xf32>
          %parallel_loop3A_939 = arith.constant 9 : i32
          %parallel_loop3A_940 = arith.addi %parallel_loop3A_644, %parallel_loop3A_939 : i32
          %parallel_loop3A_941 = arith.constant 1 : i32
          %parallel_loop3A_942 = arith.index_cast %parallel_loop3A_941 : i32 to index
          %parallel_loop3A_943 = arith.index_cast %parallel_loop3A_940 : i32 to index
          %parallel_loop3A_944 = arith.constant 0 : index
          %parallel_loop3A_945 = tpu.vector_load %arg9[%parallel_loop3A_942, %parallel_loop3A_943, %parallel_loop3A_944] {strides = array<i32>} : memref<2x1408x64xbf16, #tpu.memory_space<vmem>>, vector<32xbf16>,
          %parallel_loop3A_946 = tpu.unpack_subelements %parallel_loop3A_945, 0 {pack_format = #tpu.pack_format<interleaved>} : vector<32xbf16> -> vector<16xf32>
          %parallel_loop3A_947 = tpu.unpack_subelements %parallel_loop3A_945, 1 {pack_format = #tpu.pack_format<interleaved>} : vector<32xbf16> -> vector<16xf32>
          %parallel_loop3A_948 = arith.constant 9 : i32
          %parallel_loop3A_949 = arith.addi %parallel_loop3A_644, %parallel_loop3A_948 : i32
          %parallel_loop3A_950 = arith.constant 1 : i32
          %parallel_loop3A_951 = arith.index_cast %parallel_loop3A_950 : i32 to index
          %parallel_loop3A_952 = arith.index_cast %parallel_loop3A_949 : i32 to index
          %parallel_loop3A_953 = arith.constant 32 : index
          %parallel_loop3A_954 = tpu.vector_load %arg9[%parallel_loop3A_951, %parallel_loop3A_952, %parallel_loop3A_953] {strides = array<i32>} : memref<2x1408x64xbf16, #tpu.memory_space<vmem>>, vector<32xbf16>,
          %parallel_loop3A_955 = tpu.unpack_subelements %parallel_loop3A_954, 0 {pack_format = #tpu.pack_format<interleaved>} : vector<32xbf16> -> vector<16xf32>
          %parallel_loop3A_956 = tpu.unpack_subelements %parallel_loop3A_954, 1 {pack_format = #tpu.pack_format<interleaved>} : vector<32xbf16> -> vector<16xf32>
          %parallel_loop3A_957 = vector.broadcast %parallel_loop3A_938 : f32 to vector<16xf32>
          %parallel_loop3A_958 = arith.mulf %parallel_loop3A_957, %parallel_loop3A_946 : vector<16xf32>
          %parallel_loop3A_959 = arith.addf %parallel_loop3A_927, %parallel_loop3A_958 : vector<16xf32>
          %parallel_loop3A_960 = vector.broadcast %parallel_loop3A_938 : f32 to vector<16xf32>
          %parallel_loop3A_961 = arith.mulf %parallel_loop3A_960, %parallel_loop3A_947 : vector<16xf32>
          %parallel_loop3A_962 = arith.addf %parallel_loop3A_930, %parallel_loop3A_961 : vector<16xf32>
          %parallel_loop3A_963 = vector.broadcast %parallel_loop3A_938 : f32 to vector<16xf32>
          %parallel_loop3A_964 = arith.mulf %parallel_loop3A_963, %parallel_loop3A_955 : vector<16xf32>
          %parallel_loop3A_965 = arith.addf %parallel_loop3A_933, %parallel_loop3A_964 : vector<16xf32>
          %parallel_loop3A_966 = vector.broadcast %parallel_loop3A_938 : f32 to vector<16xf32>
          %parallel_loop3A_967 = arith.mulf %parallel_loop3A_966, %parallel_loop3A_956 : vector<16xf32>
          %parallel_loop3A_968 = arith.addf %parallel_loop3A_936, %parallel_loop3A_967 : vector<16xf32>
          %parallel_loop3A_969 = vector.extract_strided_slice %parallel_loop3A_648 {offsets = [10], sizes = [1], strides = [1]} : vector<16xf32> to vector<1xf32>
          %parallel_loop3A_970 = vector.extract %parallel_loop3A_969[0] : f32 from vector<1xf32>
          %parallel_loop3A_971 = arith.constant 10 : i32
          %parallel_loop3A_972 = arith.addi %parallel_loop3A_644, %parallel_loop3A_971 : i32
          %parallel_loop3A_973 = arith.constant 1 : i32
          %parallel_loop3A_974 = arith.index_cast %parallel_loop3A_973 : i32 to index
          %parallel_loop3A_975 = arith.index_cast %parallel_loop3A_972 : i32 to index
          %parallel_loop3A_976 = arith.constant 0 : index
          %parallel_loop3A_977 = tpu.vector_load %arg9[%parallel_loop3A_974, %parallel_loop3A_975, %parallel_loop3A_976] {strides = array<i32>} : memref<2x1408x64xbf16, #tpu.memory_space<vmem>>, vector<32xbf16>,
          %parallel_loop3A_978 = tpu.unpack_subelements %parallel_loop3A_977, 0 {pack_format = #tpu.pack_format<interleaved>} : vector<32xbf16> -> vector<16xf32>
          %parallel_loop3A_979 = tpu.unpack_subelements %parallel_loop3A_977, 1 {pack_format = #tpu.pack_format<interleaved>} : vector<32xbf16> -> vector<16xf32>
          %parallel_loop3A_980 = arith.constant 10 : i32
          %parallel_loop3A_981 = arith.addi %parallel_loop3A_644, %parallel_loop3A_980 : i32
          %parallel_loop3A_982 = arith.constant 1 : i32
          %parallel_loop3A_983 = arith.index_cast %parallel_loop3A_982 : i32 to index
          %parallel_loop3A_984 = arith.index_cast %parallel_loop3A_981 : i32 to index
          %parallel_loop3A_985 = arith.constant 32 : index
          %parallel_loop3A_986 = tpu.vector_load %arg9[%parallel_loop3A_983, %parallel_loop3A_984, %parallel_loop3A_985] {strides = array<i32>} : memref<2x1408x64xbf16, #tpu.memory_space<vmem>>, vector<32xbf16>,
          %parallel_loop3A_987 = tpu.unpack_subelements %parallel_loop3A_986, 0 {pack_format = #tpu.pack_format<interleaved>} : vector<32xbf16> -> vector<16xf32>
          %parallel_loop3A_988 = tpu.unpack_subelements %parallel_loop3A_986, 1 {pack_format = #tpu.pack_format<interleaved>} : vector<32xbf16> -> vector<16xf32>
          %parallel_loop3A_989 = vector.broadcast %parallel_loop3A_970 : f32 to vector<16xf32>
          %parallel_loop3A_990 = arith.mulf %parallel_loop3A_989, %parallel_loop3A_978 : vector<16xf32>
          %parallel_loop3A_991 = arith.addf %parallel_loop3A_959, %parallel_loop3A_990 : vector<16xf32>
          %parallel_loop3A_992 = vector.broadcast %parallel_loop3A_970 : f32 to vector<16xf32>
          %parallel_loop3A_993 = arith.mulf %parallel_loop3A_992, %parallel_loop3A_979 : vector<16xf32>
          %parallel_loop3A_994 = arith.addf %parallel_loop3A_962, %parallel_loop3A_993 : vector<16xf32>
          %parallel_loop3A_995 = vector.broadcast %parallel_loop3A_970 : f32 to vector<16xf32>
          %parallel_loop3A_996 = arith.mulf %parallel_loop3A_995, %parallel_loop3A_987 : vector<16xf32>
          %parallel_loop3A_997 = arith.addf %parallel_loop3A_965, %parallel_loop3A_996 : vector<16xf32>
          %parallel_loop3A_998 = vector.broadcast %parallel_loop3A_970 : f32 to vector<16xf32>
          %parallel_loop3A_999 = arith.mulf %parallel_loop3A_998, %parallel_loop3A_988 : vector<16xf32>
          %parallel_loop3A_1000 = arith.addf %parallel_loop3A_968, %parallel_loop3A_999 : vector<16xf32>
          %parallel_loop3A_1001 = vector.extract_strided_slice %parallel_loop3A_648 {offsets = [11], sizes = [1], strides = [1]} : vector<16xf32> to vector<1xf32>
          %parallel_loop3A_1002 = vector.extract %parallel_loop3A_1001[0] : f32 from vector<1xf32>
          %parallel_loop3A_1003 = arith.constant 11 : i32
          %parallel_loop3A_1004 = arith.addi %parallel_loop3A_644, %parallel_loop3A_1003 : i32
          %parallel_loop3A_1005 = arith.constant 1 : i32
          %parallel_loop3A_1006 = arith.index_cast %parallel_loop3A_1005 : i32 to index
          %parallel_loop3A_1007 = arith.index_cast %parallel_loop3A_1004 : i32 to index
          %parallel_loop3A_1008 = arith.constant 0 : index
          %parallel_loop3A_1009 = tpu.vector_load %arg9[%parallel_loop3A_1006, %parallel_loop3A_1007, %parallel_loop3A_1008] {strides = array<i32>} : memref<2x1408x64xbf16, #tpu.memory_space<vmem>>, vector<32xbf16>,
          %parallel_loop3A_1010 = tpu.unpack_subelements %parallel_loop3A_1009, 0 {pack_format = #tpu.pack_format<interleaved>} : vector<32xbf16> -> vector<16xf32>
          %parallel_loop3A_1011 = tpu.unpack_subelements %parallel_loop3A_1009, 1 {pack_format = #tpu.pack_format<interleaved>} : vector<32xbf16> -> vector<16xf32>
          %parallel_loop3A_1012 = arith.constant 11 : i32
          %parallel_loop3A_1013 = arith.addi %parallel_loop3A_644, %parallel_loop3A_1012 : i32
          %parallel_loop3A_1014 = arith.constant 1 : i32
          %parallel_loop3A_1015 = arith.index_cast %parallel_loop3A_1014 : i32 to index
          %parallel_loop3A_1016 = arith.index_cast %parallel_loop3A_1013 : i32 to index
          %parallel_loop3A_1017 = arith.constant 32 : index
          %parallel_loop3A_1018 = tpu.vector_load %arg9[%parallel_loop3A_1015, %parallel_loop3A_1016, %parallel_loop3A_1017] {strides = array<i32>} : memref<2x1408x64xbf16, #tpu.memory_space<vmem>>, vector<32xbf16>,
          %parallel_loop3A_1019 = tpu.unpack_subelements %parallel_loop3A_1018, 0 {pack_format = #tpu.pack_format<interleaved>} : vector<32xbf16> -> vector<16xf32>
          %parallel_loop3A_1020 = tpu.unpack_subelements %parallel_loop3A_1018, 1 {pack_format = #tpu.pack_format<interleaved>} : vector<32xbf16> -> vector<16xf32>
          %parallel_loop3A_1021 = vector.broadcast %parallel_loop3A_1002 : f32 to vector<16xf32>
          %parallel_loop3A_1022 = arith.mulf %parallel_loop3A_1021, %parallel_loop3A_1010 : vector<16xf32>
          %parallel_loop3A_1023 = arith.addf %parallel_loop3A_991, %parallel_loop3A_1022 : vector<16xf32>
          %parallel_loop3A_1024 = vector.broadcast %parallel_loop3A_1002 : f32 to vector<16xf32>
          %parallel_loop3A_1025 = arith.mulf %parallel_loop3A_1024, %parallel_loop3A_1011 : vector<16xf32>
          %parallel_loop3A_1026 = arith.addf %parallel_loop3A_994, %parallel_loop3A_1025 : vector<16xf32>
          %parallel_loop3A_1027 = vector.broadcast %parallel_loop3A_1002 : f32 to vector<16xf32>
          %parallel_loop3A_1028 = arith.mulf %parallel_loop3A_1027, %parallel_loop3A_1019 : vector<16xf32>
          %parallel_loop3A_1029 = arith.addf %parallel_loop3A_997, %parallel_loop3A_1028 : vector<16xf32>
          %parallel_loop3A_1030 = vector.broadcast %parallel_loop3A_1002 : f32 to vector<16xf32>
          %parallel_loop3A_1031 = arith.mulf %parallel_loop3A_1030, %parallel_loop3A_1020 : vector<16xf32>
          %parallel_loop3A_1032 = arith.addf %parallel_loop3A_1000, %parallel_loop3A_1031 : vector<16xf32>
          %parallel_loop3A_1033 = vector.extract_strided_slice %parallel_loop3A_648 {offsets = [12], sizes = [1], strides = [1]} : vector<16xf32> to vector<1xf32>
          %parallel_loop3A_1034 = vector.extract %parallel_loop3A_1033[0] : f32 from vector<1xf32>
          %parallel_loop3A_1035 = arith.constant 12 : i32
          %parallel_loop3A_1036 = arith.addi %parallel_loop3A_644, %parallel_loop3A_1035 : i32
          %parallel_loop3A_1037 = arith.constant 1 : i32
          %parallel_loop3A_1038 = arith.index_cast %parallel_loop3A_1037 : i32 to index
          %parallel_loop3A_1039 = arith.index_cast %parallel_loop3A_1036 : i32 to index
          %parallel_loop3A_1040 = arith.constant 0 : index
          %parallel_loop3A_1041 = tpu.vector_load %arg9[%parallel_loop3A_1038, %parallel_loop3A_1039, %parallel_loop3A_1040] {strides = array<i32>} : memref<2x1408x64xbf16, #tpu.memory_space<vmem>>, vector<32xbf16>,
          %parallel_loop3A_1042 = tpu.unpack_subelements %parallel_loop3A_1041, 0 {pack_format = #tpu.pack_format<interleaved>} : vector<32xbf16> -> vector<16xf32>
          %parallel_loop3A_1043 = tpu.unpack_subelements %parallel_loop3A_1041, 1 {pack_format = #tpu.pack_format<interleaved>} : vector<32xbf16> -> vector<16xf32>
          %parallel_loop3A_1044 = arith.constant 12 : i32
          %parallel_loop3A_1045 = arith.addi %parallel_loop3A_644, %parallel_loop3A_1044 : i32
          %parallel_loop3A_1046 = arith.constant 1 : i32
          %parallel_loop3A_1047 = arith.index_cast %parallel_loop3A_1046 : i32 to index
          %parallel_loop3A_1048 = arith.index_cast %parallel_loop3A_1045 : i32 to index
          %parallel_loop3A_1049 = arith.constant 32 : index
          %parallel_loop3A_1050 = tpu.vector_load %arg9[%parallel_loop3A_1047, %parallel_loop3A_1048, %parallel_loop3A_1049] {strides = array<i32>} : memref<2x1408x64xbf16, #tpu.memory_space<vmem>>, vector<32xbf16>,
          %parallel_loop3A_1051 = tpu.unpack_subelements %parallel_loop3A_1050, 0 {pack_format = #tpu.pack_format<interleaved>} : vector<32xbf16> -> vector<16xf32>
          %parallel_loop3A_1052 = tpu.unpack_subelements %parallel_loop3A_1050, 1 {pack_format = #tpu.pack_format<interleaved>} : vector<32xbf16> -> vector<16xf32>
          %parallel_loop3A_1053 = vector.broadcast %parallel_loop3A_1034 : f32 to vector<16xf32>
          %parallel_loop3A_1054 = arith.mulf %parallel_loop3A_1053, %parallel_loop3A_1042 : vector<16xf32>
          %parallel_loop3A_1055 = arith.addf %parallel_loop3A_1023, %parallel_loop3A_1054 : vector<16xf32>
          %parallel_loop3A_1056 = vector.broadcast %parallel_loop3A_1034 : f32 to vector<16xf32>
          %parallel_loop3A_1057 = arith.mulf %parallel_loop3A_1056, %parallel_loop3A_1043 : vector<16xf32>
          %parallel_loop3A_1058 = arith.addf %parallel_loop3A_1026, %parallel_loop3A_1057 : vector<16xf32>
          %parallel_loop3A_1059 = vector.broadcast %parallel_loop3A_1034 : f32 to vector<16xf32>
          %parallel_loop3A_1060 = arith.mulf %parallel_loop3A_1059, %parallel_loop3A_1051 : vector<16xf32>
          %parallel_loop3A_1061 = arith.addf %parallel_loop3A_1029, %parallel_loop3A_1060 : vector<16xf32>
          %parallel_loop3A_1062 = vector.broadcast %parallel_loop3A_1034 : f32 to vector<16xf32>
          %parallel_loop3A_1063 = arith.mulf %parallel_loop3A_1062, %parallel_loop3A_1052 : vector<16xf32>
          %parallel_loop3A_1064 = arith.addf %parallel_loop3A_1032, %parallel_loop3A_1063 : vector<16xf32>
          %parallel_loop3A_1065 = vector.extract_strided_slice %parallel_loop3A_648 {offsets = [13], sizes = [1], strides = [1]} : vector<16xf32> to vector<1xf32>
          %parallel_loop3A_1066 = vector.extract %parallel_loop3A_1065[0] : f32 from vector<1xf32>
          %parallel_loop3A_1067 = arith.constant 13 : i32
          %parallel_loop3A_1068 = arith.addi %parallel_loop3A_644, %parallel_loop3A_1067 : i32
          %parallel_loop3A_1069 = arith.constant 1 : i32
          %parallel_loop3A_1070 = arith.index_cast %parallel_loop3A_1069 : i32 to index
          %parallel_loop3A_1071 = arith.index_cast %parallel_loop3A_1068 : i32 to index
          %parallel_loop3A_1072 = arith.constant 0 : index
          %parallel_loop3A_1073 = tpu.vector_load %arg9[%parallel_loop3A_1070, %parallel_loop3A_1071, %parallel_loop3A_1072] {strides = array<i32>} : memref<2x1408x64xbf16, #tpu.memory_space<vmem>>, vector<32xbf16>,
          %parallel_loop3A_1074 = tpu.unpack_subelements %parallel_loop3A_1073, 0 {pack_format = #tpu.pack_format<interleaved>} : vector<32xbf16> -> vector<16xf32>
          %parallel_loop3A_1075 = tpu.unpack_subelements %parallel_loop3A_1073, 1 {pack_format = #tpu.pack_format<interleaved>} : vector<32xbf16> -> vector<16xf32>
          %parallel_loop3A_1076 = arith.constant 13 : i32
          %parallel_loop3A_1077 = arith.addi %parallel_loop3A_644, %parallel_loop3A_1076 : i32
          %parallel_loop3A_1078 = arith.constant 1 : i32
          %parallel_loop3A_1079 = arith.index_cast %parallel_loop3A_1078 : i32 to index
          %parallel_loop3A_1080 = arith.index_cast %parallel_loop3A_1077 : i32 to index
          %parallel_loop3A_1081 = arith.constant 32 : index
          %parallel_loop3A_1082 = tpu.vector_load %arg9[%parallel_loop3A_1079, %parallel_loop3A_1080, %parallel_loop3A_1081] {strides = array<i32>} : memref<2x1408x64xbf16, #tpu.memory_space<vmem>>, vector<32xbf16>,
          %parallel_loop3A_1083 = tpu.unpack_subelements %parallel_loop3A_1082, 0 {pack_format = #tpu.pack_format<interleaved>} : vector<32xbf16> -> vector<16xf32>
          %parallel_loop3A_1084 = tpu.unpack_subelements %parallel_loop3A_1082, 1 {pack_format = #tpu.pack_format<interleaved>} : vector<32xbf16> -> vector<16xf32>
          %parallel_loop3A_1085 = vector.broadcast %parallel_loop3A_1066 : f32 to vector<16xf32>
          %parallel_loop3A_1086 = arith.mulf %parallel_loop3A_1085, %parallel_loop3A_1074 : vector<16xf32>
          %parallel_loop3A_1087 = arith.addf %parallel_loop3A_1055, %parallel_loop3A_1086 : vector<16xf32>
          %parallel_loop3A_1088 = vector.broadcast %parallel_loop3A_1066 : f32 to vector<16xf32>
          %parallel_loop3A_1089 = arith.mulf %parallel_loop3A_1088, %parallel_loop3A_1075 : vector<16xf32>
          %parallel_loop3A_1090 = arith.addf %parallel_loop3A_1058, %parallel_loop3A_1089 : vector<16xf32>
          %parallel_loop3A_1091 = vector.broadcast %parallel_loop3A_1066 : f32 to vector<16xf32>
          %parallel_loop3A_1092 = arith.mulf %parallel_loop3A_1091, %parallel_loop3A_1083 : vector<16xf32>
          %parallel_loop3A_1093 = arith.addf %parallel_loop3A_1061, %parallel_loop3A_1092 : vector<16xf32>
          %parallel_loop3A_1094 = vector.broadcast %parallel_loop3A_1066 : f32 to vector<16xf32>
          %parallel_loop3A_1095 = arith.mulf %parallel_loop3A_1094, %parallel_loop3A_1084 : vector<16xf32>
          %parallel_loop3A_1096 = arith.addf %parallel_loop3A_1064, %parallel_loop3A_1095 : vector<16xf32>
          %parallel_loop3A_1097 = vector.extract_strided_slice %parallel_loop3A_648 {offsets = [14], sizes = [1], strides = [1]} : vector<16xf32> to vector<1xf32>
          %parallel_loop3A_1098 = vector.extract %parallel_loop3A_1097[0] : f32 from vector<1xf32>
          %parallel_loop3A_1099 = arith.constant 14 : i32
          %parallel_loop3A_1100 = arith.addi %parallel_loop3A_644, %parallel_loop3A_1099 : i32
          %parallel_loop3A_1101 = arith.constant 1 : i32
          %parallel_loop3A_1102 = arith.index_cast %parallel_loop3A_1101 : i32 to index
          %parallel_loop3A_1103 = arith.index_cast %parallel_loop3A_1100 : i32 to index
          %parallel_loop3A_1104 = arith.constant 0 : index
          %parallel_loop3A_1105 = tpu.vector_load %arg9[%parallel_loop3A_1102, %parallel_loop3A_1103, %parallel_loop3A_1104] {strides = array<i32>} : memref<2x1408x64xbf16, #tpu.memory_space<vmem>>, vector<32xbf16>,
          %parallel_loop3A_1106 = tpu.unpack_subelements %parallel_loop3A_1105, 0 {pack_format = #tpu.pack_format<interleaved>} : vector<32xbf16> -> vector<16xf32>
          %parallel_loop3A_1107 = tpu.unpack_subelements %parallel_loop3A_1105, 1 {pack_format = #tpu.pack_format<interleaved>} : vector<32xbf16> -> vector<16xf32>
          %parallel_loop3A_1108 = arith.constant 14 : i32
          %parallel_loop3A_1109 = arith.addi %parallel_loop3A_644, %parallel_loop3A_1108 : i32
          %parallel_loop3A_1110 = arith.constant 1 : i32
          %parallel_loop3A_1111 = arith.index_cast %parallel_loop3A_1110 : i32 to index
          %parallel_loop3A_1112 = arith.index_cast %parallel_loop3A_1109 : i32 to index
          %parallel_loop3A_1113 = arith.constant 32 : index
          %parallel_loop3A_1114 = tpu.vector_load %arg9[%parallel_loop3A_1111, %parallel_loop3A_1112, %parallel_loop3A_1113] {strides = array<i32>} : memref<2x1408x64xbf16, #tpu.memory_space<vmem>>, vector<32xbf16>,
          %parallel_loop3A_1115 = tpu.unpack_subelements %parallel_loop3A_1114, 0 {pack_format = #tpu.pack_format<interleaved>} : vector<32xbf16> -> vector<16xf32>
          %parallel_loop3A_1116 = tpu.unpack_subelements %parallel_loop3A_1114, 1 {pack_format = #tpu.pack_format<interleaved>} : vector<32xbf16> -> vector<16xf32>
          %parallel_loop3A_1117 = vector.broadcast %parallel_loop3A_1098 : f32 to vector<16xf32>
          %parallel_loop3A_1118 = arith.mulf %parallel_loop3A_1117, %parallel_loop3A_1106 : vector<16xf32>
          %parallel_loop3A_1119 = arith.addf %parallel_loop3A_1087, %parallel_loop3A_1118 : vector<16xf32>
          %parallel_loop3A_1120 = vector.broadcast %parallel_loop3A_1098 : f32 to vector<16xf32>
          %parallel_loop3A_1121 = arith.mulf %parallel_loop3A_1120, %parallel_loop3A_1107 : vector<16xf32>
          %parallel_loop3A_1122 = arith.addf %parallel_loop3A_1090, %parallel_loop3A_1121 : vector<16xf32>
          %parallel_loop3A_1123 = vector.broadcast %parallel_loop3A_1098 : f32 to vector<16xf32>
          %parallel_loop3A_1124 = arith.mulf %parallel_loop3A_1123, %parallel_loop3A_1115 : vector<16xf32>
          %parallel_loop3A_1125 = arith.addf %parallel_loop3A_1093, %parallel_loop3A_1124 : vector<16xf32>
          %parallel_loop3A_1126 = vector.broadcast %parallel_loop3A_1098 : f32 to vector<16xf32>
          %parallel_loop3A_1127 = arith.mulf %parallel_loop3A_1126, %parallel_loop3A_1116 : vector<16xf32>
          %parallel_loop3A_1128 = arith.addf %parallel_loop3A_1096, %parallel_loop3A_1127 : vector<16xf32>
          %parallel_loop3A_1129 = vector.extract_strided_slice %parallel_loop3A_648 {offsets = [15], sizes = [1], strides = [1]} : vector<16xf32> to vector<1xf32>
          %parallel_loop3A_1130 = vector.extract %parallel_loop3A_1129[0] : f32 from vector<1xf32>
          %parallel_loop3A_1131 = arith.constant 15 : i32
          %parallel_loop3A_1132 = arith.addi %parallel_loop3A_644, %parallel_loop3A_1131 : i32
          %parallel_loop3A_1133 = arith.constant 1 : i32
          %parallel_loop3A_1134 = arith.index_cast %parallel_loop3A_1133 : i32 to index
          %parallel_loop3A_1135 = arith.index_cast %parallel_loop3A_1132 : i32 to index
          %parallel_loop3A_1136 = arith.constant 0 : index
          %parallel_loop3A_1137 = tpu.vector_load %arg9[%parallel_loop3A_1134, %parallel_loop3A_1135, %parallel_loop3A_1136] {strides = array<i32>} : memref<2x1408x64xbf16, #tpu.memory_space<vmem>>, vector<32xbf16>,
          %parallel_loop3A_1138 = tpu.unpack_subelements %parallel_loop3A_1137, 0 {pack_format = #tpu.pack_format<interleaved>} : vector<32xbf16> -> vector<16xf32>
          %parallel_loop3A_1139 = tpu.unpack_subelements %parallel_loop3A_1137, 1 {pack_format = #tpu.pack_format<interleaved>} : vector<32xbf16> -> vector<16xf32>
          %parallel_loop3A_1140 = arith.constant 15 : i32
          %parallel_loop3A_1141 = arith.addi %parallel_loop3A_644, %parallel_loop3A_1140 : i32
          %parallel_loop3A_1142 = arith.constant 1 : i32
          %parallel_loop3A_1143 = arith.index_cast %parallel_loop3A_1142 : i32 to index
          %parallel_loop3A_1144 = arith.index_cast %parallel_loop3A_1141 : i32 to index
          %parallel_loop3A_1145 = arith.constant 32 : index
          %parallel_loop3A_1146 = tpu.vector_load %arg9[%parallel_loop3A_1143, %parallel_loop3A_1144, %parallel_loop3A_1145] {strides = array<i32>} : memref<2x1408x64xbf16, #tpu.memory_space<vmem>>, vector<32xbf16>,
          %parallel_loop3A_1147 = tpu.unpack_subelements %parallel_loop3A_1146, 0 {pack_format = #tpu.pack_format<interleaved>} : vector<32xbf16> -> vector<16xf32>
          %parallel_loop3A_1148 = tpu.unpack_subelements %parallel_loop3A_1146, 1 {pack_format = #tpu.pack_format<interleaved>} : vector<32xbf16> -> vector<16xf32>
          %parallel_loop3A_1149 = vector.broadcast %parallel_loop3A_1130 : f32 to vector<16xf32>
          %parallel_loop3A_1150 = arith.mulf %parallel_loop3A_1149, %parallel_loop3A_1138 : vector<16xf32>
          %parallel_loop3A_1151 = arith.addf %parallel_loop3A_1119, %parallel_loop3A_1150 : vector<16xf32>
          %parallel_loop3A_1152 = vector.broadcast %parallel_loop3A_1130 : f32 to vector<16xf32>
          %parallel_loop3A_1153 = arith.mulf %parallel_loop3A_1152, %parallel_loop3A_1139 : vector<16xf32>
          %parallel_loop3A_1154 = arith.addf %parallel_loop3A_1122, %parallel_loop3A_1153 : vector<16xf32>
          %parallel_loop3A_1155 = vector.broadcast %parallel_loop3A_1130 : f32 to vector<16xf32>
          %parallel_loop3A_1156 = arith.mulf %parallel_loop3A_1155, %parallel_loop3A_1147 : vector<16xf32>
          %parallel_loop3A_1157 = arith.addf %parallel_loop3A_1125, %parallel_loop3A_1156 : vector<16xf32>
          %parallel_loop3A_1158 = vector.broadcast %parallel_loop3A_1130 : f32 to vector<16xf32>
          %parallel_loop3A_1159 = arith.mulf %parallel_loop3A_1158, %parallel_loop3A_1148 : vector<16xf32>
          %parallel_loop3A_1160 = arith.addf %parallel_loop3A_1128, %parallel_loop3A_1159 : vector<16xf32>
          scf.yield %parallel_loop3A_1151, %parallel_loop3A_1154, %parallel_loop3A_1157, %parallel_loop3A_1160 : vector<16xf32>, vector<16xf32>, vector<16xf32>, vector<16xf32>
        } {sc.loop_unroll_factor = 1 : i64, sc.parallel_access}
        %parallel_loop3A_623 = arith.index_cast %parallel_loop3A_616 : i32 to index
        %parallel_loop3A_624 = arith.constant 0 : index
        %parallel_loop3A_625 = tpu.vector_load %arg10[%parallel_loop3A_623, %parallel_loop3A_624] {strides = array<i32>} : memref<8x64xf32, #tpu.memory_space<vmem>>, vector<16xf32>,
        tpu.vector_store %arg10[%parallel_loop3A_623, %parallel_loop3A_624], %parallel_loop3A_622#0 {strides = array<i32>} : memref<8x64xf32, #tpu.memory_space<vmem>>, vector<16xf32>,
        %parallel_loop3A_626 = arith.index_cast %parallel_loop3A_616 : i32 to index
        %parallel_loop3A_627 = arith.constant 16 : index
        %parallel_loop3A_628 = tpu.vector_load %arg10[%parallel_loop3A_626, %parallel_loop3A_627] {strides = array<i32>} : memref<8x64xf32, #tpu.memory_space<vmem>>, vector<16xf32>,
        tpu.vector_store %arg10[%parallel_loop3A_626, %parallel_loop3A_627], %parallel_loop3A_622#1 {strides = array<i32>} : memref<8x64xf32, #tpu.memory_space<vmem>>, vector<16xf32>,
        %parallel_loop3A_629 = arith.index_cast %parallel_loop3A_616 : i32 to index
        %parallel_loop3A_630 = arith.constant 32 : index
        %parallel_loop3A_631 = tpu.vector_load %arg10[%parallel_loop3A_629, %parallel_loop3A_630] {strides = array<i32>} : memref<8x64xf32, #tpu.memory_space<vmem>>, vector<16xf32>,
        tpu.vector_store %arg10[%parallel_loop3A_629, %parallel_loop3A_630], %parallel_loop3A_622#2 {strides = array<i32>} : memref<8x64xf32, #tpu.memory_space<vmem>>, vector<16xf32>,
        %parallel_loop3A_632 = arith.index_cast %parallel_loop3A_616 : i32 to index
        %parallel_loop3A_633 = arith.constant 48 : index
        %parallel_loop3A_634 = tpu.vector_load %arg10[%parallel_loop3A_632, %parallel_loop3A_633] {strides = array<i32>} : memref<8x64xf32, #tpu.memory_space<vmem>>, vector<16xf32>,
        tpu.vector_store %arg10[%parallel_loop3A_632, %parallel_loop3A_633], %parallel_loop3A_622#3 {strides = array<i32>} : memref<8x64xf32, #tpu.memory_space<vmem>>, vector<16xf32>,
      } {sc.loop_unroll_factor = 1 : i64, sc.parallel_access}
      %mul3A_614 = arith.constant 8 : i32
      %mul3A_615 = arith.muli %add3A_610, %mul3A_614 : i32
      "tpu.region"() ({
        %run_scoped3A_616 = tpu.sem_alloc : memref<!tpu.dma_semaphore, #tpu.memory_space<semaphore_mem>>
        %dma_start3A_617 = arith.constant 0 : i32
        %dma_start3A_618 = tpu.memref_slice %arg5[%mul3A_615, %dma_start3A_617] : memref<16384x64xf32, #tpu.memory_space<hbm>> -> memref<8x64xf32, #tpu.memory_space<hbm>>
        %dma_start3A_619 = arith.constant 0 : i32
        %dma_start3A_620 = tpu.memref_slice %arg5[%mul3A_615, %dma_start3A_619] : memref<16384x64xf32, #tpu.memory_space<hbm>> -> memref<8x64xf32, #tpu.memory_space<hbm>>
        tpu.enqueue_dma source(%arg10 : memref<8x64xf32, #tpu.memory_space<vmem>>) target(%dma_start3A_620 : memref<8x64xf32, #tpu.memory_space<hbm>>) target_semaphore(%run_scoped3A_616 : memref<!tpu.dma_semaphore, #tpu.memory_space<semaphore_mem>>)
        %dma_wait3A_621 = arith.constant 0 : i32
        %dma_wait3A_622 = tpu.memref_slice %arg5[%mul3A_615, %dma_wait3A_621] : memref<16384x64xf32, #tpu.memory_space<hbm>> -> memref<8x64xf32, #tpu.memory_space<hbm>>
        %dma_wait3A_623 = arith.constant 0 : i32
        %dma_wait3A_624 = tpu.memref_slice %arg5[%mul3A_615, %dma_wait3A_623] : memref<16384x64xf32, #tpu.memory_space<hbm>> -> memref<8x64xf32, #tpu.memory_space<hbm>>
        tpu.wait_dma2 semaphore(%run_scoped3A_616 : memref<!tpu.dma_semaphore, #tpu.memory_space<semaphore_mem>>) src(%arg10 : memref<8x64xf32, #tpu.memory_space<vmem>>) dst(%dma_wait3A_624 : memref<8x64xf32, #tpu.memory_space<hbm>>)
        tpu.yield
      }) : () -> ()
    }
    %scan3A_156 = arith.constant 32 : i32
    return
  }
}

</mosaic_0001>

<sc_bundles>
// kernel: kernel.3.cloned.1.call-start
scs
__scs_entry_jumppad:
0x0: {  	(pc) =	sbr.rel $0x88, $3  }
0x1: {  	(tag) =	ssettag $0x0;
	lr =	simm.s32 $0x1  }
0x2: {  	[smem:$0x3F9E] =	sst lr;
	_ =	strace $0xD0000000  }
0x3: {  	_ = 	snop  }
0x4: {  	_ = 	snop  }
0x5: {  	_ = 	snop  }
0x6: {  	_ = 	snop  }
0x7: {  	_ = 	snop  }
__scs_overlays_trampoline_lowered:
0x8: {  	[smem:$0x3FAD] =	sst s0  }
0x9: {  	[smem:$0x3FAE] =	sst s1  }
0xa: {  	[smem:$0x3FAF] =	sst s2  }
0xb: {  	[smem:$0x3FB0] =	sst s3  }
0xc: {  	[smem:$0x3FB1] =	sst s4  }
0xd: {  	[smem:$0x3FB2] =	sst s5  }
0xe: {  	[smem:$0x3FB3] =	sst s6  }
0xf: {  	[smem:$0x3FB4] =	sst s7  }
0x10: {  	[smem:$0x3FB5] =	sst s8  }
0x11: {  	[smem:$0x3FB6] =	sst s9;
	s0 =	simm.s32 @!p0 $0x0  }
0x12: {  	s1 =	sld [smem:$0x3F9C];
	s0 =	simm.s32 @p0 $0x1  }
0x13: {  	[smem:$0x3FB7] =	sst s0;
	s0 =	simm.s32 @!p1 $0x0  }
0x14: {  	s2 =	sld [smem:$0x3F9B];
	s0 =	simm.s32 @p1 $0x1  }
0x15: {  	[smem:$0x3FB8] =	sst s0;
	s0 =	simm.s32 @!p2 $0x0  }
0x16: {  	s3 =	sld [smem:$0x3FDB];
	s0 =	simm.s32 @p2 $0x1  }
0x17: {  	s4 =	simm.s32 $0x1BF5;
	[smem:$0x3FBA] =	sst s0  }
0x18: {  	s0 =	sld [smem:$0x3F9D];
	_ =	swait.ge [sflag:s4], $0x0  }
0x19: {  	s7 =	sld [smem:$0x3F9E]  }
0x1a: {  	s8 =	sadd.s32 $0xFFFFE003, lr  }
0x1b: {  	s9 =	sadd.s32 $0xFFFFFEF7, lr;
	s5 =	simm.s32 $0xFFFFFFFF;
	p2 =	slt.u32 s8, $0xFFFFF086  }
0x1c: {  	p1 =	slt.u32 s9, $0xF7A;
	s5 =	simm.s32 @!p2 $0x0  }
0x1d: {  	s5 =	simm.s32 @p1 $0x1;
	p0 =	seq.s32 s7, s2  }
0x1e: {  	s7 =	smul.u32 @!p0 $0xF7A, s2;
	p2 =	seq.s32 @!p0 s5, $0x0  }
0x1f: {  	s9 =	smul.u32 $0xF7A, s1;
	s8 =	simm.s32 @!p0 $0x1BF5;
	p2 =	por !p2, p0  }
0x20: {  	[sflag:s8] =	ssyncset.s32 @!p0 $0xFFFFF086;
	s6 =	sadd.s32 @!p0 s3, s7;
	s7 =	simm.s32 @!p0 $0x108  }
0x21: {  	s3 =	sadd.s32 s3, s9;
	s6 =	sadd.s32 @!p0 $0x88, s6;
	s7 =	simm.s32 @p2 $0x1082  }
0x22: {  	[simem:s7], [sflag:s8] =	dma.local @!p0 [hbm:s6], $0xF7A  }
0x23: {  	s9 =	sor.u32 $0xD0000000, s2;
	s6 =	simm.s32 $0x108;
	_ =	swait.ge @!p0 [sflag:s8], $0x0  }
0x24: {  	s3 =	sadd.s32 $0x88, s3;
	s6 =	simm.s32 @!p1 $0x1082;
	[sflag:s4] =	ssyncset.s32 $0xFFFFF086  }
0x25: {  	[simem:s6], [sflag:s4] =	dma.local [hbm:s3], $0xF7A  }
0x26: {  	[smem:$0x3F9E] =	sst s1;
	(tag) =	ssettag s2;
	_ =	strace s9  }
0x27: {  	s1 =	sld [smem:$0x3FAE]  }
0x28: {  	s2 =	sld [smem:$0x3FAF]  }
0x29: {  	s4 =	sld [smem:$0x3FB1]  }
0x2a: {  	p0 =	seq.s32 s5, $0x0;
	s5 =	sld [smem:$0x3FB2]  }
0x2b: {  	s6 =	sld [smem:$0x3FB3]  }
0x2c: {  	s7 =	sld [smem:$0x3FB4]  }
0x2d: {  	s3 =	simm.s32 $0x108;
	s8 =	sld [smem:$0x3FB5]  }
0x2e: {  	s3 =	simm.s32 @!p0 $0x1082;
	s9 =	sld [smem:$0x3FB6]  }
0x2f: {  	lr =	sadd.s32 s0, s3;
	s0 =	sld [smem:$0x3FAD]  }
0x30: {  	s3 =	sld [smem:$0x3FB0]  }
0x31: {  	[smem:$0x3FB9] =	sst s10  }
0x32: {  	s10 =	sld [smem:$0x3FB7];
	_ =	sdelay $0x3  }
0x33: {  	p0 =	seq.s32 s10, $0x1;
	s10 =	sld [smem:$0x3FB9];
	_ =	sdelay $0x3  }
0x34: {  	[smem:$0x3FB9] =	sst s10  }
0x35: {  	s10 =	sld [smem:$0x3FB8];
	_ =	sdelay $0x3  }
0x36: {  	p1 =	seq.s32 s10, $0x1;
	s10 =	sld [smem:$0x3FB9];
	_ =	sdelay $0x3  }
0x37: {  	[smem:$0x3FB9] =	sst s10  }
0x38: {  	s10 =	sld [smem:$0x3FBA]  }
0x39: {  	_ = 	snop;
	(pc) =	sbr.ind lr, $3  }
0x3a: {  	_ = 	snop  }
0x3b: {  	_ = 	snop  }
0x3c: {  	p2 =	seq.s32 s10, $0x1;
	s10 =	sld [smem:$0x3FB9]  }
0x3d: {  	_ =	shalt  }
0x3e: {  	_ =	shalt  }
0x3f: {  	_ =	shalt  }
0x40: {  	_ =	shalt  }
0x41: {  	_ =	shalt  }
0x42: {  	_ =	shalt  }
0x43: {  	_ =	shalt  }
0x44: {  	_ =	shalt  }
0x45: {  	_ =	shalt  }
0x46: {  	_ =	shalt  }
0x47: {  	_ =	shalt  }
0x48: {  	_ =	shalt  }
0x49: {  	_ =	shalt  }
0x4a: {  	_ =	shalt  }
0x4b: {  	_ =	shalt  }
0x4c: {  	_ =	shalt  }
0x4d: {  	_ =	shalt  }
0x4e: {  	_ =	shalt  }
0x4f: {  	_ =	shalt  }
0x50: {  	_ =	shalt  }
0x51: {  	_ =	shalt  }
0x52: {  	_ =	shalt  }
0x53: {  	_ =	shalt  }
0x54: {  	_ =	shalt  }
0x55: {  	_ =	shalt  }
0x56: {  	_ =	shalt  }
0x57: {  	_ =	shalt  }
0x58: {  	_ =	shalt  }
0x59: {  	_ =	shalt  }
0x5a: {  	_ =	shalt  }
0x5b: {  	_ =	shalt  }
0x5c: {  	_ =	shalt  }
0x5d: {  	_ =	shalt  }
0x5e: {  	_ =	shalt  }
0x5f: {  	_ =	shalt  }
0x60: {  	_ =	shalt  }
0x61: {  	_ =	shalt  }
0x62: {  	_ =	shalt  }
0x63: {  	_ =	shalt  }
0x64: {  	_ =	shalt  }
0x65: {  	_ =	shalt  }
0x66: {  	_ =	shalt  }
0x67: {  	_ =	shalt  }
0x68: {  	_ =	shalt  }
0x69: {  	_ =	shalt  }
0x6a: {  	_ =	shalt  }
0x6b: {  	_ =	shalt  }
0x6c: {  	_ =	shalt  }
0x6d: {  	_ =	shalt  }
0x6e: {  	_ =	shalt  }
0x6f: {  	_ =	shalt  }
0x70: {  	_ =	shalt  }
0x71: {  	_ =	shalt  }
0x72: {  	_ =	shalt  }
0x73: {  	_ =	shalt  }
0x74: {  	_ =	shalt  }
0x75: {  	_ =	shalt  }
0x76: {  	_ =	shalt  }
0x77: {  	_ =	shalt  }
0x78: {  	_ =	shalt  }
0x79: {  	_ =	shalt  }
0x7a: {  	_ =	shalt  }
0x7b: {  	_ =	shalt  }
0x7c: {  	_ =	shalt  }
0x7d: {  	_ =	shalt  }
0x7e: {  	_ =	shalt  }
0x7f: {  	_ =	shalt  }
0x80: {  	_ =	shalt  }
0x81: {  	_ =	shalt  }
0x82: {  	_ =	shalt  }
0x83: {  	_ =	shalt  }
0x84: {  	_ =	shalt  }
0x85: {  	_ =	shalt  }
0x86: {  	_ =	shalt  }
0x87: {  	_ =	shalt  }
.Lfunc_end0:
.L_simem_size_0:
called_computation_lowered:
.L_overlay_start_0:
0x88: {  	s2 =	sld [smem:$0x3FD9]  }
0x89: {  	s3 =	sld [smem:$0x3FFE];
	_ =	sdelay $0x1  }
0x8a: {  	s1 =	srdreg.scid  }
0x8b: {  	s0 =	sand.u32 $0x1, s1  }
0x8c: {  	s17 =	sshll.u32 s0, $0xA;
	s2 =	sadd.s32 s3, s2  }
0x8d: {  	s2 =	sadd.s32 s2, s17  }
0x8e: {  	[smem:$0x3FC5] =	sst s2  }
0x8f: {  	_ = 	snop  }
0x90: {  	s2 =	sld [smem:$0x3FD0];
	(tm) =	ssettm $0x1  }
0x91: {  	s18 =	sld [smem:$0x3FFB];
	_ =	sdelay $0x3  }
0x92: {  	_ =	strace s18  }
0x93: {  	s3 =	sld [smem:$0x3FFC];
	_ =	sdelay $0x3  }
0x94: {  	_ =	strace s3  }
0x95: {  	s3 =	sld [smem:$0x3FFD];
	_ =	sdelay $0x3  }
0x96: {  	_ =	strace s3  }
0x97: {  	_ =	strace $0x8FFFFFFF  }
0x98: {  	s19 =	sld [smem:$0x3FDB];
	_ =	sdelay $0x1  }
0x99: {  	s4 =	simm.s32 $_scs_section_size  }
0x9a: {  	s5 =	simm.s32 $_size__tile_overlayer_lowered;
	s6 =	simm.s32 $_tile_overlayer_lowered  }
0x9b: {  	s22 =	simm.s32 $0x1BFF;
	s21 =	sshll.u32 s6, $0x1;
	s3 =	sadd.s32 s4, s19  }
0x9c: {  	s7 =	simm.s32 $0x0;
	s20 =	sshll.u32 s5, $0x1;
	s5 =	sadd.s32 s21, s3  }
0x9d: {  	[timem:s7], [sflag:s22] =	dma.local [hbm:s5], s20  }
0x9e: {  	_ =	swait.ge [sflag:s22], s20  }
0x9f: {  	s4 =	ssub.s32 $0x0, s20;
	[sflag:s22] =	ssyncset.done $0x0  }
0xa0: {  	[sflag:s22] =	ssyncadd.s32 s4;
	_ =	sdelay $0x1  }
0xa1: {  	s23 =	simm.s32 $0x1B8B  }
0xa2: {  	_ =	swait.ge [sflag:s23], $0x1  }
0xa3: {  	[sflag:s23] =	ssyncset.done $0x0  }
0xa4: {  	s25 =	simm.s32 $0x1B8E;
	s24 =	sld [smem:$0x3FFE];
	[sflag:s23] =	ssyncadd.s32 $0xFFFFFFFF  }
0xa5: {  	s26 =	simm.s32 $execute0_lowered;
	[smem:$0x3FD2] =	sst s25  }
0xa6: {  	s5 =	sshll.u32 s26, $0x1;
	_ =	strace $0x80000046;
	[dreg:$0x1] =	wrdreg $0xFFFFFFFF  }
0xa7: {  	s28 =	simm.s32 $_size_execute0_lowered;
	s3 =	sadd.s32 s3, s5;
	[dreg:$0x0] =	wrdreg $0x0  }
0xa8: {  	s5 =	sshll.u32 s28, $0x1;
	[dreg:$0x2] =	wrdreg s3  }
0xa9: {  	[dreg:$0x3] =	wrdreg s5  }
0xaa: {  	[dreg:$0x4] =	wrdreg $0xC0  }
0xab: {  	_ =	task [dreg:s7], $0x5FFFF  }
0xac: {  	[dreg:$0x1] =	wrdreg $0xFFFFFFFF  }
0xad: {  	[dreg:$0x0] =	wrdreg $0x60  }
0xae: {  	[dreg:$0x2] =	wrdreg s24  }
0xaf: {  	[dreg:$0x3] =	wrdreg s2  }
0xb0: {  	[dreg:$0x4] =	wrdreg $0x0  }
0xb1: {  	[dreg:$0x5] =	wrdreg $0x9  }
0xb2: {  	_ =	task.clear_ibuf [dreg:s7], $0x6FFFF;
	_ =	strace $0x90000046  }
0xb3: {  	s29 =	simm.s32 $0x9;
	_ =	strace $0x80000048  }
0xb4: {  	_ =	swait.ge [sflag:s29], $0x1  }
0xb5: {  	[sflag:s29] =	ssyncadd.s32 $0xFFFFFFFF  }
0xb6: {  	_ =	strace $0x90000048  }
0xb7: {  	_ =	sfence  }
0xb8: {  	s30 =	sld [smem:$0x0];
	_ =	sdelay $0x2  }
0xb9: {  	s31 =	sshll.u32 s1, $0xD;
	s1 =	sshrl.u32 s1, $0x2  }
0xba: {  	s3 =	sand.u32 $0x4000, s31;
	s1 =	sadd.s32 s1, s30  }
0xbb: {  	s0 =	sor.u32 s3, s0;
	s1 =	sshll.u32 s1, $0x11  }
0xbc: {  	s0 =	sor.u32 s1, s0  }
0xbd: {  	s0 =	sadd.s32 $0x8F2B, s0  }
0xbe: {  	[sflag:s0] =	ssyncadd.remote.s32 $0x1  }
0xbf: {  	_ =	sfence.sel $0xFFFF  }
0xc0: {  	[dreg:$0x0] =	wrdreg $0xFFFFFFFF;
	(pc) =	sbr.abs _section_cstart, $3  }
0xc1: {  	[dreg:$0x1] =	wrdreg $0xFFFFFFFF  }
0xc2: {  	_ =	task.clear_ibuf [dreg:s7], $0x2FFFF;
	_ =	strace $0x9FFFFFFF  }
0xc3: {  	(tm) =	ssettm $0x7FFFFFFF  }
tec
execute0_lowered:
.L_overlay_start_1:
0x0: {  	(tag) =	ssettag $0x1  }
0x1: {  	s0 =	rddreg [dreg:$0x0]  }
0x2: {  	s2 =	rddreg [dreg:$0x1]  }
0x3: {  	s3 =	rddreg [dreg:$0x2];
	s4 =	simm.s32 $0x0  }
0x4: {  	s11 =	stileid.u32;
	s5 =	srdreg.scid;
	s16 =	simm.s32 $0x3  }
0x5: {  	s28 =	simm.s32 $0x8580;
	s13 =	simm.s32 $0x8A00;
	s15 =	simm.s32 $0x1D600  }
0x6: {  	s29 =	simm.s32 $0x8A80;
	s30 =	simm.s32 $0x1E600;
	s31 =	simm.s32 $0x1  }
0x7: {  	[smem:$0x7FF] =	sst s4;
	s1 =	sshll.u32 s11, $0xC;
	s7 =	sand.u32 $0x1, s5  }
0x8: {  	s5 =	sadd.s32 $0x59600, s0;
	s8 =	sshll.u32 s11, $0x7;
	s6 =	sadd.s32 $0x1600, s0  }
0x9: {  	s20 =	sshll.u32 s11, $0xF;
	s22 =	sshll.u32 s11, $0x6;
	s11 =	simm.s32 $0x1C600  }
0xa: {  	_ =	strace $0x80000047;
	s1 =	sadd.s32 s1, s0;
	s9 =	sshll.u32 s7, $0x6  }
0xb: {  	s18 =	ssub.s32 $0x2, s7;
	s21 =	sadd.s32 s20, s3;
	s23 =	sor.u32 $0x1C03, s22  }
0xc: {  	s7 =	sor.u32 s9, s8;
	s19 =	sshrl.u32 s18, $0x1;
	s1 =	sadd.s32 $0xB1600, s1  }
0xd: {  	[dreg:$0x5] =	wrdreg s23;
	s26 =	sshrl.u32 s21, $0x3;
	s8 =	simm.s32 $0x8900  }
0xe: {  	s9 =	simm.s32 $0x1B600;
	s10 =	smul.u32 $0xB0, s7;
	s0 =	ssub.s32 s18, s19  }
0xf: {  	[dreg:$0x4] =	wrdreg s1;
	s12 =	sor.u32 $0x2, s7;
	s14 =	sor.u32 $0x1, s7  }
0x10: {  	[dreg:$0x9] =	wrdreg s26;
	s19 =	simm.s32 $0x80;
	s0 =	smax.u32 s0, $0x1  }
0x11: {  	s1 =	simm.s32 $0x2;
	s24 =	sadd.s32 s6, s10;
	[dreg:$0x8] =	wrdreg s0  }
0x12: {  	s18 =	simm.s32 $0x0;
	s25 =	sadd.s32 s5, s10;
	[dreg:$0x6] =	wrdreg s24  }
0x13: {  	s10 =	simm.s32 $0x8980;
	s0 =	simm.s32 $0x1F600;
	[dreg:$0x7] =	wrdreg s25  }
.LBB2_1:
0x14: {  	[dreg:$0xa] =	wrdreg s18  }
0x15: {  	s17 =	rddreg [dreg:$0x4]  }
0x16: {  	s24 =	rddreg [dreg:$0x5]  }
0x17: {  	s20 =	rddreg [dreg:$0x9]  }
0x18: {  	[spmem:s20], [sflag:s24] =	dma.local [hbm:s17], $0x1000  }
0x19: {  	_ =	swait.ge [sflag:s16], $0x1000  }
0x1a: {  	[sflag:s16] =	ssyncset.done $0x0  }
0x1b: {  	[sflag:s16] =	ssyncadd.s32 $0xFFFFF000  }
0x1c: {  	[bflag:$0x0] =	sbarrier.arrive $0xFFFF  }
0x1d: {  	s26 =	simm.s32 $0x8000;
	s25 =	rddreg [dreg:$0x6]  }
0x1e: {  	[tilespmem:s26], [sflag:$0x3] =	stream.linear.gather [hbm4b:s25+s4], $0x580, $0x38;
	[tilespmem:$0x1F800] =	vst v63  }
0x1f: {  	_ =	swait.ge [sflag:s16], $0x580  }
0x20: {  	[sflag:s16] =	ssyncset.done $0x0  }
0x21: {  	s21 =	simm.s32 $0x8B00;
	s20 =	rddreg [dreg:$0x7];
	[sflag:s16] =	ssyncadd.s32 $0xFFFFFA80  }
0x22: {  	[tilespmem:s21], [sflag:$0x3] =	stream.linear.gather [hbm4b:s20+s4], $0x580, $0x38;
	[tilespmem:$0x1F800] =	vst v63  }
0x23: {  	_ =	swait.ge [sflag:s16], $0x580  }
0x24: {  	[sflag:s16] =	ssyncset.done $0x0  }
0x25: {  	s22 =	simm.s32 $0x9600;
	[sflag:s16] =	ssyncadd.s32 $0xFFFFFA80  }
0x26: {  	[tilespmem:s22], [sflag:$0x1] =	stream.indirect.gather [spmem:s3], $0x20, s26, s19, $0xb8;
	[tilespmem:$0x1F800] =	vst v63  }
0x27: {  	s23 =	simm.s32 $0x8080;
	s24 =	simm.s32 $0xA600  }
0x28: {  	[tilespmem:s24], [sflag:$0x1] =	stream.indirect.gather [spmem:s3], $0x20, s23, s19, $0xb8;
	[tilespmem:$0x1F800] =	vst v63  }
0x29: {  	s25 =	simm.s32 $0x8100;
	s26 =	simm.s32 $0xB600  }
0x2a: {  	[tilespmem:s26], [sflag:$0x1] =	stream.indirect.gather [spmem:s3], $0x20, s25, s19, $0xb8;
	[tilespmem:$0x1F800] =	vst v63  }
0x2b: {  	s18 =	simm.s32 $0x8180;
	s20 =	simm.s32 $0xC600  }
0x2c: {  	[tilespmem:s20], [sflag:$0x1] =	stream.indirect.gather [spmem:s3], $0x20, s18, s19, $0xb8;
	[tilespmem:$0x1F800] =	vst v63  }
0x2d: {  	s21 =	simm.s32 $0x8200;
	s22 =	simm.s32 $0xD600  }
0x2e: {  	[tilespmem:s22], [sflag:$0x1] =	stream.indirect.gather [spmem:s3], $0x20, s21, s19, $0xb8;
	[tilespmem:$0x1F800] =	vst v63  }
0x2f: {  	s23 =	simm.s32 $0x8280;
	s24 =	simm.s32 $0xE600  }
0x30: {  	[tilespmem:s24], [sflag:$0x1] =	stream.indirect.gather [spmem:s3], $0x20, s23, s19, $0xb8;
	[tilespmem:$0x1F800] =	vst v63  }
0x31: {  	s25 =	simm.s32 $0x8300;
	s26 =	simm.s32 $0xF600  }
0x32: {  	[tilespmem:s26], [sflag:$0x1] =	stream.indirect.gather [spmem:s3], $0x20, s25, s19, $0xb8;
	[tilespmem:$0x1F800] =	vst v63  }
0x33: {  	s18 =	simm.s32 $0x8380;
	s20 =	simm.s32 $0x10600  }
0x34: {  	[tilespmem:s20], [sflag:$0x1] =	stream.indirect.gather [spmem:s3], $0x20, s18, s19, $0xb8;
	[tilespmem:$0x1F800] =	vst v63  }
0x35: {  	s21 =	simm.s32 $0x8400;
	s22 =	simm.s32 $0x11600  }
0x36: {  	[tilespmem:s22], [sflag:$0x1] =	stream.indirect.gather [spmem:s3], $0x20, s21, s19, $0xb8;
	[tilespmem:$0x1F800] =	vst v63  }
0x37: {  	s23 =	simm.s32 $0x8480;
	s24 =	simm.s32 $0x12600  }
0x38: {  	[tilespmem:s24], [sflag:$0x1] =	stream.indirect.gather [spmem:s3], $0x20, s23, s19, $0xb8;
	[tilespmem:$0x1F800] =	vst v63  }
0x39: {  	s25 =	simm.s32 $0x8500;
	s26 =	simm.s32 $0x13600;
	s18 =	simm.s32 $0x0  }
0x3a: {  	[tilespmem:s26], [sflag:$0x1] =	stream.indirect.gather [spmem:s3], $0x20, s25, s19, $0xb8;
	[tilespmem:$0x1F800] =	vst v63  }
.LBB2_2:
0x3b: {  	s21 =	sshll.u32 s18, $0x1  }
0x3c: {  	s20 =	sor.u32 s14, s21  }
0x3d: {  	s23 =	smul.u32 $0xB0, s20;
	_ =	sdelay $0x1  }
0x3e: {  	s22 =	simm.s32 $0x0;
	s24 =	sadd.s32 s6, s23  }
0x3f: {  	[tilespmem:s28], [sflag:$0x3] =	stream.linear.gather [hbm4b:s24+s22], $0x580, $0x38;
	[tilespmem:$0x1F800] =	vst v63  }
0x40: {  	_ =	swait.ge [sflag:s16], $0x580  }
0x41: {  	[sflag:s16] =	ssyncset.done $0x0  }
0x42: {  	s17 =	simm.s32 $0x9080;
	s23 =	sadd.s32 s5, s23;
	[sflag:s16] =	ssyncadd.s32 $0xFFFFFA80  }
0x43: {  	[tilespmem:s17], [sflag:$0x3] =	stream.linear.gather [hbm4b:s23+s22], $0x580, $0x38;
	[tilespmem:$0x1F800] =	vst v63  }
0x44: {  	_ =	swait.ge [sflag:s16], $0x580  }
0x45: {  	[sflag:s16] =	ssyncset.done $0x0  }
0x46: {  	s26 =	simm.s32 $0x14600;
	[sflag:s16] =	ssyncadd.s32 $0xFFFFFA80  }
0x47: {  	[tilespmem:s26], [sflag:$0x2] =	stream.indirect.gather [spmem:s3], $0x20, s28, s19, $0xb8;
	[tilespmem:$0x1F800] =	vst v63  }
0x48: {  	s24 =	simm.s32 $0x15600;
	s23 =	simm.s32 $0x8600  }
0x49: {  	[tilespmem:s24], [sflag:$0x2] =	stream.indirect.gather [spmem:s3], $0x20, s23, s19, $0xb8;
	[tilespmem:$0x1F800] =	vst v63  }
0x4a: {  	s25 =	simm.s32 $0x8680;
	s26 =	simm.s32 $0x16600  }
0x4b: {  	[tilespmem:s26], [sflag:$0x2] =	stream.indirect.gather [spmem:s3], $0x20, s25, s19, $0xb8;
	[tilespmem:$0x1F800] =	vst v63  }
0x4c: {  	s23 =	simm.s32 $0x8700;
	s24 =	simm.s32 $0x17600  }
0x4d: {  	[tilespmem:s24], [sflag:$0x2] =	stream.indirect.gather [spmem:s3], $0x20, s23, s19, $0xb8;
	[tilespmem:$0x1F800] =	vst v63  }
0x4e: {  	s25 =	simm.s32 $0x8780;
	s26 =	simm.s32 $0x18600  }
0x4f: {  	[tilespmem:s26], [sflag:$0x2] =	stream.indirect.gather [spmem:s3], $0x20, s25, s19, $0xb8;
	[tilespmem:$0x1F800] =	vst v63  }
0x50: {  	s23 =	simm.s32 $0x8800;
	s24 =	simm.s32 $0x19600  }
0x51: {  	[tilespmem:s24], [sflag:$0x2] =	stream.indirect.gather [spmem:s3], $0x20, s23, s19, $0xb8;
	[tilespmem:$0x1F800] =	vst v63  }
0x52: {  	s25 =	simm.s32 $0x8880;
	s26 =	simm.s32 $0x1A600  }
0x53: {  	[tilespmem:s26], [sflag:$0x2] =	stream.indirect.gather [spmem:s3], $0x20, s25, s19, $0xb8;
	[tilespmem:$0x1F800] =	vst v63  }
0x54: {  	_ = 	snop  }
0x55: {  	[tilespmem:s9], [sflag:$0x2] =	stream.indirect.gather [spmem:s3], $0x20, s8, s19, $0xb8;
	[tilespmem:$0x1F800] =	vst v63  }
0x56: {  	_ = 	snop  }
0x57: {  	[tilespmem:s11], [sflag:$0x2] =	stream.indirect.gather [spmem:s3], $0x20, s10, s19, $0xb8;
	[tilespmem:$0x1F800] =	vst v63  }
0x58: {  	_ = 	snop  }
0x59: {  	[tilespmem:s15], [sflag:$0x2] =	stream.indirect.gather [spmem:s3], $0x20, s13, s19, $0xb8;
	[tilespmem:$0x1F800] =	vst v63  }
0x5a: {  	_ = 	snop  }
0x5b: {  	[tilespmem:s30], [sflag:$0x2] =	stream.indirect.gather [spmem:s3], $0x20, s29, s19, $0xb8;
	[tilespmem:$0x1F800] =	vst v63  }
0x5c: {  	_ =	swait.ge [sflag:s31], $0x1000  }
0x5d: {  	[sflag:s31] =	ssyncset.done $0x0  }
0x5e: {  	[sflag:s31] =	ssyncadd.s32 $0xFFFFF000  }
0x5f: {  	_ =	swait.ge [sflag:s31], $0x1000  }
0x60: {  	[sflag:s31] =	ssyncset.done $0x0  }
0x61: {  	[sflag:s31] =	ssyncadd.s32 $0xFFFFF000  }
0x62: {  	_ =	swait.ge [sflag:s31], $0x1000  }
0x63: {  	[sflag:s31] =	ssyncset.done $0x0  }
0x64: {  	[sflag:s31] =	ssyncadd.s32 $0xFFFFF000  }
0x65: {  	_ =	swait.ge [sflag:s31], $0x1000  }
0x66: {  	[sflag:s31] =	ssyncset.done $0x0  }
0x67: {  	[sflag:s31] =	ssyncadd.s32 $0xFFFFF000  }
0x68: {  	_ =	swait.ge [sflag:s31], $0x1000  }
0x69: {  	[sflag:s31] =	ssyncset.done $0x0  }
0x6a: {  	[sflag:s31] =	ssyncadd.s32 $0xFFFFF000  }
0x6b: {  	_ =	swait.ge [sflag:s31], $0x1000  }
0x6c: {  	[sflag:s31] =	ssyncset.done $0x0  }
0x6d: {  	[sflag:s31] =	ssyncadd.s32 $0xFFFFF000  }
0x6e: {  	_ =	swait.ge [sflag:s31], $0x1000  }
0x6f: {  	[sflag:s31] =	ssyncset.done $0x0  }
0x70: {  	[sflag:s31] =	ssyncadd.s32 $0xFFFFF000  }
0x71: {  	_ =	swait.ge [sflag:s31], $0x1000  }
0x72: {  	[sflag:s31] =	ssyncset.done $0x0  }
0x73: {  	[sflag:s31] =	ssyncadd.s32 $0xFFFFF000  }
0x74: {  	_ =	swait.ge [sflag:s31], $0x1000  }
0x75: {  	[sflag:s31] =	ssyncset.done $0x0  }
0x76: {  	[sflag:s31] =	ssyncadd.s32 $0xFFFFF000  }
0x77: {  	_ =	swait.ge [sflag:s31], $0x1000  }
0x78: {  	[sflag:s31] =	ssyncset.done $0x0  }
0x79: {  	[sflag:s31] =	ssyncadd.s32 $0xFFFFF000  }
0x7a: {  	_ =	swait.ge [sflag:s31], $0x1000  }
0x7b: {  	[sflag:s31] =	ssyncset.done $0x0  }
0x7c: {  	s23 =	simm.s32 $0x8B00;
	s25 =	simm.s32 $0x9700;
	[sflag:s31] =	ssyncadd.s32 $0xFFFFF000  }
.LBB2_3:
0x7d: {  	v0 =	vld [tilespmem:s25+$0xE0]  }
0x7e: {  	v1 =	vld [tilespmem:s25+$0xF0]  }
0x7f: {  	v2 =	vld [tilespmem:s25+$0xC0]  }
0x80: {  	v3 =	vld [tilespmem:s25+$0xD0]  }
0x81: {  	v6 =	vmov s23;
	v4 =	vld [tilespmem:s25+$0xA0]  }
0x82: {  	v5 =	vld [tilespmem:s25+$0xB0];
	[tilespmem:$0x1FEB0] =	vst v6  }
0x83: {  	v7 =	vld [tilespmem:s25+$0x80]  }
0x84: {  	v8 =	vld [tilespmem:s25+$0x90]  }
0x85: {  	v9 =	vld [tilespmem:s25+$0x60]  }
0x86: {  	s24 =	simm.s32 $0x0;
	v10 =	vld [tilespmem:s25+$0x70]  }
0x87: {  	v6 =	vld.idx.msk [tilespmem:v6+s24+$0x0 ss:$0x1], $0xffff;
	v11 =	vunpack.i.u.bf16.f32 v0  }
0x88: {  	v13 =	vunpack.i.l.bf16.f32 v0;
	v29 =	vunpack.i.u.bf16.f32 v1;
	v0 =	vld [tilespmem:s25+$0x40];
	v31 =	vunpack.i.l.bf16.f32 v1  }
0x89: {  	v1 =	vld [tilespmem:s25+$0x50];
	v32 =	vunpack.i.u.bf16.f32 v3;
	v33 =	vunpack.i.l.bf16.f32 v3;
	v17 =	vunpack.i.u.bf16.f32 v4  }
0x8a: {  	v3 =	vld [tilespmem:s25+$0x20];
	v18 =	vunpack.i.l.bf16.f32 v4;
	v34 =	vunpack.i.u.bf16.f32 v5;
	v5 =	vunpack.i.l.bf16.f32 v5  }
0x8b: {  	v4 =	vld [tilespmem:s25+$0x30];
	[tilespmem:$0x1FEC0] =	vst v5;
	v19 =	vunpack.i.u.bf16.f32 v7;
	v21 =	vunpack.i.l.bf16.f32 v7;
	v7 =	vunpack.i.u.bf16.f32 v8  }
0x8c: {  	v20 =	vld [tilespmem:s25+$0x0];
	[tilespmem:$0x1FED0] =	vst v7;
	v7 =	vunpack.i.l.bf16.f32 v8  }
0x8d: {  	[tilespmem:$0x1FEE0] =	vst v7  }
0x8e: {  	v12 =	vunpack.i.u.bf16.f32 v10;
	v7 =	vld [tilespmem:s25+$0x10]  }
0x8f: {  	v37 =	vunpack.i.u.bf16.f32 v9;
	v38 =	vunpack.i.l.bf16.f32 v9;
	v10 =	vunpack.i.l.bf16.f32 v10;
	v9 =	vld [tilespmem:s25+$0xFFFFFFE0];
	[tilespmem:$0x1FEF0] =	vst v12  }
0x90: {  	[tilespmem:$0x1FF00] =	vst v10;
	v41 =	vunpack.i.u.bf16.f32 v0;
	v42 =	vunpack.i.l.bf16.f32 v0;
	v0 =	vunpack.i.u.bf16.f32 v1  }
0x91: {  	v14 =	vunpack.i.u.bf16.f32 v2;
	v16 =	vunpack.i.l.bf16.f32 v2;
	v1 =	vunpack.i.l.bf16.f32 v1;
	v10 =	vld [tilespmem:s25+$0xFFFFFFF0];
	[tilespmem:$0x1FF10] =	vst v0  }
0x92: {  	v46 =	vunpack.i.u.bf16.f32 v3;
	v47 =	vunpack.i.l.bf16.f32 v3;
	v3 =	vunpack.i.u.bf16.f32 v4;
	v0 =	vld [tilespmem:s25+$0xFFFFFFC0];
	[tilespmem:$0x1FF20] =	vst v1  }
0x93: {  	v2 =	vbroadcast v6, $0xF;
	v5 =	vbroadcast v6, $0xE;
	v1 =	vld [tilespmem:s25+$0xFFFFFFD0];
	[tilespmem:$0x1FF30] =	vst v3;
	v3 =	vunpack.i.l.bf16.f32 v4  }
0x94: {  	v8 =	vbroadcast v6, $0xD;
	v12 =	vbroadcast v6, $0xC;
	[tilespmem:$0x1FF40] =	vst v3  }
0x95: {  	v15 =	vbroadcast v6, $0xB;
	v25 =	vbroadcast v6, $0x9;
	v3 =	vld [tilespmem:s25+$0xFFFFFFA0];
	v22 =	vunpack.i.u.bf16.f32 v7  }
0x96: {  	v30 =	vbroadcast v6, $0x8;
	v35 =	vbroadcast v6, $0x7;
	v4 =	vld [tilespmem:s25+$0xFFFFFFB0];
	v7 =	vunpack.i.l.bf16.f32 v7;
	[tilespmem:$0x1FF50] =	vst v22  }
0x97: {  	v40 =	vbroadcast v6, $0x6;
	v48 =	vbroadcast v6, $0x4;
	[tilespmem:$0x1FF60] =	vst v7  }
0x98: {  	v45 =	vbroadcast v6, $0x5;
	v60 =	vbroadcast v6, $0x3;
	v50 =	vunpack.i.u.bf16.f32 v20;
	v7 =	vld [tilespmem:s25+$0xFFFFFF80]  }
0x99: {  	v51 =	vunpack.i.l.bf16.f32 v20;
	v20 =	vbroadcast v6, $0xA;
	v49 =	vunpack.i.u.bf16.f32 v9  }
0x9a: {  	v54 =	vunpack.i.l.bf16.f32 v9;
	v9 =	vunpack.i.u.bf16.f32 v10;
	v55 =	vunpack.i.u.bf16.f32 v0  }
0x9b: {  	[tilespmem:$0x1FF70] =	vst v9;
	v9 =	vunpack.i.l.bf16.f32 v10;
	v59 =	vunpack.i.l.bf16.f32 v0;
	v10 =	vbroadcast v6, $0x2  }
0x9c: {  	v36 =	vunpack.i.u.bf16.f32 v1;
	v39 =	vunpack.i.l.bf16.f32 v1;
	v1 =	vbroadcast v6, $0x1  }
0x9d: {  	[tilespmem:$0x1FF80] =	vst v9;
	v43 =	vunpack.i.u.bf16.f32 v4;
	v44 =	vunpack.i.l.bf16.f32 v4;
	v0 =	vunpack.i.u.bf16.f32 v7  }
0x9e: {  	v9 =	vld [tilespmem:s25+$0xFFFFFF90];
	v4 =	vunpack.i.l.bf16.f32 v7;
	v7 =	vbroadcast v6, $0x0;
	v6 =	vmul.f32 v13, v2  }
0x9f: {  	v52 =	vld [tilespmem:s25+$0xFFFFFF70]  }
0xa0: {  	v62 =	vunpack.i.u.bf16.f32 v3;
	v63 =	vunpack.i.l.bf16.f32 v3;
	v3 =	vld [tilespmem:s25+$0xFFFFFF60];
	[tilespmem:$0x1FF90] =	vst v6;
	v6 =	vmul.f32 v11, v2;
	_ =	sdelay $0x1  }
0xa1: {  	[tilespmem:$0x1FFA0] =	vst v6;
	v6 =	vmul.f32 v16, v5;
	_ =	sdelay $0x1  }
0xa2: {  	v58 =	vunpack.i.u.bf16.f32 v9;
	v61 =	vunpack.i.l.bf16.f32 v9;
	[tilespmem:$0x1FFB0] =	vst v6;
	v6 =	vmul.f32 v14, v5  }
0xa3: {  	v9 =	vunpack.i.u.bf16.f32 v3;
	v11 =	vunpack.i.l.bf16.f32 v3;
	v3 =	vmul.f32 v17, v8  }
0xa4: {  	v13 =	vld [tilespmem:s25+$0xFFFFFF40];
	[tilespmem:$0x1FFC0] =	vst v6;
	v6 =	vmul.f32 v18, v8  }
0xa5: {  	[tilespmem:$0x1FFE0] =	vst v3  }
0xa6: {  	v28 =	vmul.f32 v21, v12;
	v38 =	vmul.f32 v38, v15;
	[tilespmem:$0x1FFD0] =	vst v6  }
0xa7: {  	v37 =	vmul.f32 v37, v15;
	v3 =	vmul.f32 v19, v12;
	v16 =	vld [tilespmem:s25+$0xFFFFFF50]  }
0xa8: {  	v53 =	vimm.f32 $0.0e+00;
	v47 =	vmul.f32 v47, v25;
	v46 =	vmul.f32 v46, v25  }
0xa9: {  	v57 =	vmul.f32 v51, v30;
	v56 =	vmul.f32 v50, v30;
	v51 =	vimm.f32 $0.0e+00;
	[tilespmem:$0x1FFF0] =	vst v3  }
0xaa: {  	v50 =	vimm.f32 $0.0e+00;
	v42 =	vmul.f32 v42, v20;
	v41 =	vmul.f32 v41, v20;
	v19 =	vld [tilespmem:s25+$0xFFFFFF20]  }
0xab: {  	v6 =	vunpack.i.l.bf16.f32 v52;
	v3 =	vunpack.i.u.bf16.f32 v52;
	v52 =	vimm.f32 $0.0e+00;
	v17 =	vld [tilespmem:s25+$0xFFFFFF30]  }
0xac: {  	s26 =	simm.s32 $0x40;
	s24 =	smov.u32 s25;
	v14 =	vunpack.i.u.bf16.f32 v13;
	v18 =	vunpack.i.l.bf16.f32 v13;
	v21 =	vld [tilespmem:s25+$0xFFFFFF00];
	v13 =	vunpack.i.u.bf16.f32 v16  }
.LBB2_4:
0xad: {  	v22 =	vld [tilespmem:s24+$0xFFFFFF10];
	_ =	sdelay $0x3  }
0xae: {  	v23 =	vunpack.i.u.bf16.f32 v19;
	v19 =	vunpack.i.l.bf16.f32 v19  }
0xaf: {  	v26 =	vunpack.i.u.bf16.f32 v21;
	v21 =	vunpack.i.l.bf16.f32 v21;
	v27 =	vunpack.i.u.bf16.f32 v22  }
0xb0: {  	v22 =	vunpack.i.l.bf16.f32 v22;
	v21 =	vmul.f32 v21, v7;
	v26 =	vmul.f32 v26, v7  }
0xb1: {  	v24 =	vunpack.i.u.bf16.f32 v17;
	v22 =	vmul.f32 v22, v7;
	v7 =	vmul.f32 v27, v7  }
0xb2: {  	v17 =	vunpack.i.l.bf16.f32 v17;
	v19 =	vmul.f32 v19, v1;
	v23 =	vmul.f32 v23, v1  }
0xb3: {  	v17 =	vmul.f32 v17, v1;
	v1 =	vmul.f32 v24, v1;
	v7 =	vadd.f32 v7, v50;
	_ =	sdelay $0x1  }
0xb4: {  	v1 =	vadd.f32 v1, v7;
	v7 =	vmul.f32 v13, v10;
	_ =	sdelay $0x1  }
0xb5: {  	v3 =	vmul.f32 v3, v60;
	v1 =	vadd.f32 v7, v1;
	_ =	sdelay $0x1  }
0xb6: {  	v1 =	vadd.f32 v3, v1;
	v3 =	vmul.f32 v58, v48;
	_ =	sdelay $0x1  }
0xb7: {  	v1 =	vadd.f32 v3, v1;
	v3 =	vmul.f32 v43, v45;
	_ =	sdelay $0x1  }
0xb8: {  	v1 =	vadd.f32 v3, v1;
	v3 =	vmul.f32 v36, v40;
	_ =	sdelay $0x1  }
0xb9: {  	v1 =	vadd.f32 v3, v1;
	v3 =	vld [tilespmem:$0x1FF70];
	_ =	sdelay $0x1  }
0xba: {  	v21 =	vadd.f32 v21, v51;
	v26 =	vadd.f32 v26, v53  }
0xbb: {  	v16 =	vunpack.i.l.bf16.f32 v16;
	v18 =	vmul.f32 v18, v10;
	v22 =	vadd.f32 v22, v52  }
0xbc: {  	v14 =	vmul.f32 v14, v10;
	v19 =	vadd.f32 v19, v21;
	v21 =	vadd.f32 v23, v26  }
0xbd: {  	v16 =	vmul.f32 v16, v10;
	v17 =	vadd.f32 v17, v22;
	v3 =	vmul.f32 v3, v35  }
0xbe: {  	v11 =	vmul.f32 v11, v60;
	v10 =	vadd.f32 v18, v19;
	v13 =	vadd.f32 v14, v21  }
0xbf: {  	v6 =	vmul.f32 v6, v60;
	v14 =	vadd.f32 v16, v17;
	v1 =	vadd.f32 v3, v1;
	v3 =	vld [tilespmem:$0x1FF50]  }
0xc0: {  	v4 =	vmul.f32 v4, v48  }
0xc1: {  	v7 =	vadd.f32 v11, v10;
	v10 =	vmul.f32 v61, v48;
	v6 =	vadd.f32 v6, v14;
	_ =	sdelay $0x1  }
0xc2: {  	v4 =	vadd.f32 v4, v7;
	v7 =	vmul.f32 v44, v45;
	v6 =	vadd.f32 v10, v6  }
0xc3: {  	v9 =	vmul.f32 v9, v60;
	v3 =	vmul.f32 v3, v30  }
0xc4: {  	v6 =	vadd.f32 v7, v6;
	v7 =	vld [tilespmem:$0x1FF80]  }
0xc5: {  	v0 =	vmul.f32 v0, v48;
	v9 =	vadd.f32 v9, v13;
	v1 =	vadd.f32 v3, v1;
	v3 =	vld [tilespmem:$0x1FF30];
	_ =	sdelay $0x1  }
0xc6: {  	v0 =	vadd.f32 v0, v9;
	v9 =	vmul.f32 v39, v40;
	_ =	sdelay $0x1  }
0xc7: {  	v6 =	vadd.f32 v9, v6;
	v9 =	vld [tilespmem:$0x1FF60];
	v7 =	vmul.f32 v7, v35  }
0xc8: {  	v3 =	vmul.f32 v3, v25  }
0xc9: {  	v6 =	vadd.f32 v7, v6;
	v7 =	vld [tilespmem:$0x1FF40]  }
0xca: {  	v1 =	vadd.f32 v3, v1;
	v3 =	vld [tilespmem:$0x1FF10];
	_ =	sdelay $0x1  }
0xcb: {  	v9 =	vmul.f32 v9, v30  }
0xcc: {  	v63 =	vmul.f32 v63, v45  }
0xcd: {  	v6 =	vadd.f32 v9, v6;
	v7 =	vmul.f32 v7, v25  }
0xce: {  	v59 =	vmul.f32 v59, v40;
	v4 =	vadd.f32 v63, v4;
	v9 =	vld [tilespmem:$0x1FF20];
	v3 =	vmul.f32 v3, v20  }
0xcf: {  	v54 =	vmul.f32 v54, v35;
	v6 =	vadd.f32 v7, v6;
	v7 =	vld [tilespmem:$0x1FF00]  }
0xd0: {  	v62 =	vmul.f32 v62, v45;
	v4 =	vadd.f32 v59, v4;
	v1 =	vadd.f32 v3, v1;
	v3 =	vld [tilespmem:$0x1FEF0];
	_ =	sdelay $0x1  }
0xd1: {  	v55 =	vmul.f32 v55, v40;
	v10 =	vld [tilespmem:$0x1FEE0];
	v0 =	vadd.f32 v62, v0;
	v4 =	vadd.f32 v54, v4  }
0xd2: {  	v9 =	vmul.f32 v9, v20  }
0xd3: {  	v49 =	vmul.f32 v49, v35;
	v0 =	vadd.f32 v55, v0;
	v4 =	vadd.f32 v57, v4  }
0xd4: {  	v6 =	vadd.f32 v9, v6;
	v7 =	vmul.f32 v7, v15;
	v3 =	vmul.f32 v3, v15  }
0xd5: {  	v0 =	vadd.f32 v49, v0;
	v4 =	vadd.f32 v47, v4  }
0xd6: {  	v10 =	vmul.f32 v10, v12;
	v6 =	vadd.f32 v7, v6;
	v1 =	vadd.f32 v3, v1;
	v3 =	vld [tilespmem:$0x1FED0]  }
0xd7: {  	v4 =	vadd.f32 v42, v4  }
0xd8: {  	v0 =	vadd.f32 v56, v0;
	v6 =	vadd.f32 v10, v6;
	v10 =	vld [tilespmem:$0x1FFD0]  }
0xd9: {  	v4 =	vadd.f32 v38, v4  }
0xda: {  	v0 =	vadd.f32 v46, v0  }
0xdb: {  	v4 =	vadd.f32 v28, v4;
	v3 =	vmul.f32 v3, v12;
	v12 =	vld [tilespmem:$0x1FFF0]  }
0xdc: {  	v0 =	vadd.f32 v41, v0  }
0xdd: {  	v4 =	vadd.f32 v10, v4;
	v10 =	vld [tilespmem:$0x1FFE0]  }
0xde: {  	v0 =	vadd.f32 v37, v0  }
0xdf: {  	v1 =	vadd.f32 v3, v1;
	v3 =	vmul.f32 v34, v8  }
0xe0: {  	v0 =	vadd.f32 v12, v0  }
0xe1: {  	v1 =	vadd.f32 v3, v1  }
0xe2: {  	v3 =	vmul.f32 v32, v5;
	v0 =	vadd.f32 v10, v0;
	v10 =	vmul.f32 v33, v5;
	v5 =	vld [tilespmem:$0x1FEB0];
	_ =	sdelay $0x1  }
0xe3: {  	v12 =	vld [tilespmem:$0x1FEC0];
	_ =	sdelay $0x2  }
0xe4: {  	s24 =	sadd.s32 $0x200, s24  }
0xe5: {  	v13 =	vld [tilespmem:s24+$0xD0]  }
0xe6: {  	s17 =	sshra.s32 s26, $0x2;
	v14 =	vld [tilespmem:s24+$0xB0];
	v12 =	vmul.f32 v12, v8  }
0xe7: {  	v16 =	vld.idx.msk [tilespmem:v5+s17+$0x0 ss:$0x1], $0xffff  }
0xe8: {  	v6 =	vadd.f32 v12, v6;
	v5 =	vld [tilespmem:$0x1FFB0]  }
0xe9: {  	v7 =	vld [tilespmem:s24+$0xC0]  }
0xea: {  	v6 =	vadd.f32 v10, v6;
	v10 =	vld [tilespmem:$0x1FF90]  }
0xeb: {  	v1 =	vadd.f32 v3, v1;
	v3 =	vld [tilespmem:s24+$0x90]  }
0xec: {  	v8 =	vld [tilespmem:s24+$0xA0]  }
0xed: {  	v4 =	vadd.f32 v5, v4;
	v5 =	vld [tilespmem:$0x1FFC0];
	_ =	sdelay $0x1  }
0xee: {  	v17 =	vunpack.i.u.bf16.f32 v7;
	v51 =	vadd.f32 v10, v4;
	v4 =	vld [tilespmem:$0x1FFA0]  }
0xef: {  	v11 =	vld [tilespmem:s24+$0xF0];
	v18 =	vunpack.i.l.bf16.f32 v7;
	v32 =	vunpack.i.u.bf16.f32 v13;
	v33 =	vunpack.i.l.bf16.f32 v13  }
0xf0: {  	v12 =	vld [tilespmem:s24+$0x80];
	v13 =	vunpack.i.u.bf16.f32 v8;
	v19 =	vunpack.i.l.bf16.f32 v8;
	v8 =	vunpack.i.u.bf16.f32 v3  }
0xf1: {  	v9 =	vld [tilespmem:s24+$0xE0];
	v34 =	vunpack.i.u.bf16.f32 v14;
	[tilespmem:$0x1FED0] =	vst v8;
	v8 =	vbroadcast v16, $0xD;
	v0 =	vadd.f32 v5, v0  }
0xf2: {  	v7 =	vld [tilespmem:s24+$0x50];
	v3 =	vunpack.i.l.bf16.f32 v3;
	v5 =	vmul.f32 v31, v2;
	v2 =	vmul.f32 v29, v2  }
0xf3: {  	v15 =	vbroadcast v16, $0xB;
	v20 =	vbroadcast v16, $0xA;
	v53 =	vadd.f32 v4, v0;
	v0 =	vld [tilespmem:s24+$0x60]  }
0xf4: {  	v25 =	vbroadcast v16, $0x9;
	v30 =	vbroadcast v16, $0x8;
	v50 =	vadd.f32 v2, v1;
	v1 =	vld [tilespmem:s24+$0x70]  }
0xf5: {  	v21 =	vunpack.i.u.bf16.f32 v12;
	v35 =	vbroadcast v16, $0x7;
	v40 =	vbroadcast v16, $0x6;
	v4 =	vld [tilespmem:s24+$0x40]  }
0xf6: {  	v48 =	vbroadcast v16, $0x4;
	v52 =	vadd.f32 v5, v6;
	v5 =	vunpack.i.l.bf16.f32 v14;
	v14 =	vld [tilespmem:s24+$0x0]  }
0xf7: {  	[tilespmem:$0x1FEE0] =	vst v3;
	v3 =	vld [tilespmem:s24+$0x10];
	v22 =	vunpack.i.l.bf16.f32 v12;
	v45 =	vbroadcast v16, $0x5;
	v60 =	vbroadcast v16, $0x3  }
0xf8: {  	v10 =	vld [tilespmem:s24+$0x20];
	v31 =	vunpack.i.l.bf16.f32 v11;
	v6 =	vunpack.i.u.bf16.f32 v9;
	v2 =	vunpack.i.u.bf16.f32 v11  }
0xf9: {  	v9 =	vunpack.i.l.bf16.f32 v9;
	v11 =	vld [tilespmem:s24+$0x30];
	[tilespmem:$0x1FEA0] =	vst v2;
	v23 =	vunpack.i.u.bf16.f32 v0;
	v24 =	vunpack.i.l.bf16.f32 v0  }
0xfa: {  	[tilespmem:$0x1FEC0] =	vst v5;
	v0 =	vld [tilespmem:s24+$0xFFFFFFE0];
	v12 =	vunpack.i.u.bf16.f32 v1;
	v1 =	vunpack.i.l.bf16.f32 v1;
	v26 =	vunpack.i.u.bf16.f32 v4  }
0xfb: {  	v27 =	vunpack.i.l.bf16.f32 v4;
	v4 =	vunpack.i.u.bf16.f32 v7;
	v56 =	vunpack.i.u.bf16.f32 v14;
	[tilespmem:$0x1FF00] =	vst v1;
	v1 =	vld [tilespmem:s24+$0xFFFFFFF0]  }
0xfc: {  	v57 =	vunpack.i.l.bf16.f32 v14;
	v14 =	vunpack.i.u.bf16.f32 v3;
	v3 =	vunpack.i.l.bf16.f32 v3;
	[tilespmem:$0x1FF10] =	vst v4;
	v4 =	vld [tilespmem:s24+$0xFFFFFFC0]  }
0xfd: {  	v46 =	vunpack.i.u.bf16.f32 v10;
	v47 =	vunpack.i.l.bf16.f32 v10;
	v2 =	vbroadcast v16, $0xF;
	[tilespmem:$0x1FF60] =	vst v3;
	v3 =	vld [tilespmem:s24+$0xFFFFFF80]  }
0xfe: {  	v5 =	vbroadcast v16, $0xE;
	v47 =	vmul.f32 v47, v25;
	v10 =	vunpack.i.u.bf16.f32 v11;
	[tilespmem:$0x1FEF0] =	vst v12  }
0xff: {  	v46 =	vmul.f32 v46, v25;
	v7 =	vunpack.i.l.bf16.f32 v7;
	[tilespmem:$0x1FF30] =	vst v10;
	v10 =	vunpack.i.l.bf16.f32 v11  }
0x100: {  	[tilespmem:$0x1FF20] =	vst v7;
	v49 =	vunpack.i.u.bf16.f32 v0;
	v54 =	vunpack.i.l.bf16.f32 v0;
	v0 =	vunpack.i.u.bf16.f32 v1  }
0x101: {  	v7 =	vld [tilespmem:s24+$0xFFFFFFD0];
	v55 =	vunpack.i.u.bf16.f32 v4;
	v59 =	vunpack.i.l.bf16.f32 v4;
	[tilespmem:$0x1FF70] =	vst v0;
	v0 =	vunpack.i.l.bf16.f32 v1  }
0x102: {  	v11 =	vld [tilespmem:s24+$0xFFFFFFB0];
	v4 =	vunpack.i.l.bf16.f32 v3;
	[tilespmem:$0x1FF80] =	vst v0;
	v0 =	vunpack.i.u.bf16.f32 v3;
	v3 =	vmul.f32 v9, v2  }
0x103: {  	v12 =	vbroadcast v16, $0xC;
	v38 =	vmul.f32 v24, v15;
	[tilespmem:$0x1FF40] =	vst v10;
	v10 =	vld [tilespmem:s24+$0xFFFFFFA0]  }
0x104: {  	v37 =	vmul.f32 v23, v15;
	[tilespmem:$0x1FF90] =	vst v3;
	v3 =	vmul.f32 v6, v2  }
0x105: {  	[tilespmem:$0x1FF50] =	vst v14;
	v14 =	vld [tilespmem:s24+$0xFFFFFF90];
	v41 =	vmul.f32 v26, v20;
	v57 =	vmul.f32 v57, v30  }
0x106: {  	v28 =	vld [tilespmem:s24+$0xFFFFFF60];
	v56 =	vmul.f32 v56, v30;
	[tilespmem:$0x1FFA0] =	vst v3;
	v3 =	vmul.f32 v18, v5  }
0x107: {  	v29 =	vld [tilespmem:s24+$0xFFFFFF40];
	v36 =	vunpack.i.u.bf16.f32 v7;
	v39 =	vunpack.i.l.bf16.f32 v7;
	v43 =	vunpack.i.u.bf16.f32 v11  }
0x108: {  	v42 =	vld [tilespmem:s24+$0xFFFFFF70];
	v7 =	vbroadcast v16, $0x0;
	v62 =	vunpack.i.u.bf16.f32 v10;
	[tilespmem:$0x1FFB0] =	vst v3;
	v3 =	vmul.f32 v17, v5  }
0x109: {  	p0 =	sne.s32 s26, $0x280;
	v63 =	vunpack.i.l.bf16.f32 v10;
	v10 =	vbroadcast v16, $0x2;
	v1 =	vbroadcast v16, $0x1;
	v16 =	vld [tilespmem:s24+$0xFFFFFF50]  }
.Ltmp0:
0x10a: {  	v44 =	vunpack.i.l.bf16.f32 v11;
	v58 =	vunpack.i.u.bf16.f32 v14;
	[tilespmem:$0x1FFC0] =	vst v3;
	v3 =	vmul.f32 v19, v8;
	(pc) =	sbr.rel @p0 .LBB2_4-.Ltmp0, $4  }
0x10b: {  	v61 =	vunpack.i.l.bf16.f32 v14;
	v11 =	vunpack.i.l.bf16.f32 v28;
	v6 =	vmul.f32 v21, v12;
	v21 =	vld [tilespmem:s24+$0xFFFFFF00]  }
0x10c: {  	v14 =	vunpack.i.u.bf16.f32 v29;
	v18 =	vunpack.i.l.bf16.f32 v29;
	v29 =	vld [tilespmem:$0x1FEA0];
	[tilespmem:$0x1FFD0] =	vst v3;
	v3 =	vmul.f32 v13, v8  }
0x10d: {  	v9 =	vunpack.i.u.bf16.f32 v28;
	v28 =	vmul.f32 v22, v12;
	[tilespmem:$0x1FFF0] =	vst v6;
	v6 =	vunpack.i.l.bf16.f32 v42;
	v17 =	vld [tilespmem:s24+$0xFFFFFF30]  }
0x10e: {  	s26 =	sadd.s32 $0x40, s26;
	v19 =	vld [tilespmem:s24+$0xFFFFFF20];
	v13 =	vunpack.i.u.bf16.f32 v16;
	[tilespmem:$0x1FFE0] =	vst v3;
	v3 =	vunpack.i.u.bf16.f32 v42;
	v42 =	vmul.f32 v27, v20  }
0x10f: {  	v18 =	vmul.f32 v18, v10  }
0x110: {  	v14 =	vmul.f32 v14, v10;
	v11 =	vmul.f32 v11, v60  }
0x111: {  	v22 =	vld [tilespmem:s24+$0xFFFFFF10];
	v9 =	vmul.f32 v9, v60;
	v6 =	vmul.f32 v6, v60  }
0x112: {  	v3 =	vmul.f32 v3, v60;
	v23 =	vunpack.i.u.bf16.f32 v21;
	v21 =	vunpack.i.l.bf16.f32 v21  }
0x113: {  	v16 =	vunpack.i.l.bf16.f32 v16;
	v21 =	vmul.f32 v21, v7;
	v23 =	vmul.f32 v23, v7  }
0x114: {  	v4 =	vmul.f32 v4, v48;
	v0 =	vmul.f32 v0, v48;
	v26 =	vunpack.i.l.bf16.f32 v17  }
0x115: {  	v21 =	vadd.f32 v21, v51;
	v23 =	vadd.f32 v23, v53;
	v53 =	vunpack.i.l.bf16.f32 v19  }
0x116: {  	v51 =	vunpack.i.u.bf16.f32 v19;
	v26 =	vmul.f32 v26, v1;
	v24 =	vunpack.i.u.bf16.f32 v22  }
0x117: {  	v22 =	vunpack.i.l.bf16.f32 v22;
	v19 =	vmul.f32 v51, v1;
	v51 =	vmul.f32 v16, v10  }
0x118: {  	v16 =	vmul.f32 v62, v45;
	v22 =	vmul.f32 v22, v7  }
0x119: {  	v7 =	vmul.f32 v24, v7;
	v24 =	vmul.f32 v53, v1  }
0x11a: {  	v53 =	vunpack.i.u.bf16.f32 v17;
	v17 =	vmul.f32 v44, v45;
	v27 =	vadd.f32 v19, v23  }
0x11b: {  	v19 =	vmul.f32 v59, v40;
	v22 =	vadd.f32 v22, v52;
	v21 =	vadd.f32 v24, v21  }
0x11c: {  	v23 =	vmul.f32 v39, v40;
	v7 =	vadd.f32 v7, v50;
	v14 =	vadd.f32 v14, v27  }
0x11d: {  	v24 =	vmul.f32 v53, v1;
	v52 =	vmul.f32 v13, v10;
	v53 =	vadd.f32 v18, v21  }
0x11e: {  	v13 =	vmul.f32 v58, v48;
	v50 =	vadd.f32 v26, v22;
	v9 =	vadd.f32 v9, v14  }
0x11f: {  	v1 =	vadd.f32 v24, v7;
	v18 =	vmul.f32 v43, v45;
	v60 =	vadd.f32 v11, v53  }
0x120: {  	v21 =	vmul.f32 v55, v40;
	v7 =	vadd.f32 v51, v50;
	v0 =	vadd.f32 v0, v9  }
0x121: {  	v44 =	vld [tilespmem:$0x1FF30];
	v14 =	vmul.f32 v63, v45;
	v1 =	vadd.f32 v52, v1;
	v4 =	vadd.f32 v4, v60  }
0x122: {  	v39 =	vld [tilespmem:$0x1FF60];
	v11 =	vmul.f32 v61, v48;
	v6 =	vadd.f32 v6, v7;
	v0 =	vadd.f32 v16, v0  }
0x123: {  	v27 =	vld [tilespmem:$0x1FF80];
	v24 =	vmul.f32 v36, v40;
	v1 =	vadd.f32 v3, v1;
	v4 =	vadd.f32 v14, v4  }
0x124: {  	v26 =	vmul.f32 v49, v35;
	v36 =	vld [tilespmem:$0x1FF70];
	v3 =	vadd.f32 v11, v6;
	v0 =	vadd.f32 v21, v0  }
0x125: {  	v22 =	vmul.f32 v54, v35;
	v40 =	vld [tilespmem:$0x1FF50];
	v1 =	vadd.f32 v13, v1;
	v4 =	vadd.f32 v19, v4  }
0x126: {  	v43 =	vld [tilespmem:$0x1FF40];
	v3 =	vadd.f32 v17, v3;
	v0 =	vadd.f32 v26, v0  }
0x127: {  	v49 =	vld [tilespmem:$0x1FEE0];
	v1 =	vadd.f32 v18, v1;
	v4 =	vadd.f32 v22, v4  }
0x128: {  	v55 =	vld [tilespmem:$0x1FFE0];
	v6 =	vmul.f32 v27, v35;
	v3 =	vadd.f32 v23, v3;
	v0 =	vadd.f32 v56, v0  }
0x129: {  	v45 =	vld [tilespmem:$0x1FF20];
	v9 =	vmul.f32 v36, v35;
	v1 =	vadd.f32 v24, v1;
	v4 =	vadd.f32 v57, v4  }
0x12a: {  	v3 =	vadd.f32 v6, v3;
	v6 =	vmul.f32 v39, v30;
	v0 =	vadd.f32 v46, v0;
	v46 =	vld [tilespmem:$0x1FF10]  }
0x12b: {  	v7 =	vmul.f32 v40, v30;
	v1 =	vadd.f32 v9, v1;
	v4 =	vadd.f32 v47, v4;
	v47 =	vld [tilespmem:$0x1FF00]  }
0x12c: {  	v48 =	vld [tilespmem:$0x1FEF0];
	v3 =	vadd.f32 v6, v3;
	v6 =	vmul.f32 v43, v25  }
0x12d: {  	v51 =	vld [tilespmem:$0x1FFF0];
	v1 =	vadd.f32 v7, v1;
	v7 =	vmul.f32 v44, v25  }
0x12e: {  	v50 =	vld [tilespmem:$0x1FED0];
	v0 =	vadd.f32 v41, v0;
	v3 =	vadd.f32 v6, v3;
	v6 =	vmul.f32 v45, v20  }
0x12f: {  	v53 =	vld [tilespmem:$0x1FEC0];
	v4 =	vadd.f32 v42, v4;
	v1 =	vadd.f32 v7, v1;
	v7 =	vmul.f32 v46, v20  }
0x130: {  	v52 =	vld [tilespmem:$0x1FFD0];
	v0 =	vadd.f32 v37, v0;
	v3 =	vadd.f32 v6, v3;
	v6 =	vmul.f32 v47, v15  }
0x131: {  	v59 =	vld [tilespmem:$0x1FFC0];
	v4 =	vadd.f32 v38, v4;
	v1 =	vadd.f32 v7, v1;
	v7 =	vmul.f32 v48, v15  }
0x132: {  	v56 =	vld [tilespmem:$0x1FFB0];
	v0 =	vadd.f32 v51, v0;
	v3 =	vadd.f32 v6, v3;
	v6 =	vmul.f32 v49, v12  }
0x133: {  	v63 =	vld [tilespmem:$0x1FFA0];
	v4 =	vadd.f32 v28, v4;
	v1 =	vadd.f32 v7, v1;
	v7 =	vmul.f32 v50, v12  }
0x134: {  	v60 =	vld [tilespmem:$0x1FF90];
	v0 =	vadd.f32 v55, v0;
	v3 =	vadd.f32 v6, v3;
	v6 =	vmul.f32 v53, v8  }
0x135: {  	v54 =	vmul.f32 v34, v8;
	v4 =	vadd.f32 v52, v4;
	v1 =	vadd.f32 v7, v1  }
0x136: {  	v57 =	vmul.f32 v33, v5;
	v0 =	vadd.f32 v59, v0;
	v3 =	vadd.f32 v6, v3  }
0x137: {  	s17 =	sshll.u32 s22, $0x6;
	s22 =	sadd.s32 $0x1, s22;
	v58 =	vmul.f32 v32, v5;
	v4 =	vadd.f32 v56, v4;
	v1 =	vadd.f32 v54, v1  }
0x138: {  	p0 =	sne.s32 s22, $0x8;
	v61 =	vmul.f32 v31, v2;
	v0 =	vadd.f32 v63, v0;
	v3 =	vadd.f32 v57, v3  }
.Ltmp1:
0x139: {  	s17 =	sand.u32 $0x3FFFFFC0, s17;
	v62 =	vmul.f32 v29, v2;
	v4 =	vadd.f32 v60, v4;
	v1 =	vadd.f32 v58, v1;
	(pc) =	sbr.rel @p0 .LBB2_3-.Ltmp1, $4  }
0x13a: {  	[tilespmem:s17+$0x1F610] =	vst v0;
	v3 =	vadd.f32 v61, v3  }
0x13b: {  	[tilespmem:s17+$0x1F600] =	vst v4;
	v1 =	vadd.f32 v62, v1  }
0x13c: {  	[tilespmem:s17+$0x1F620] =	vst v3  }
0x13d: {  	s23 =	sadd.s32 $0xB0, s23;
	s25 =	sadd.s32 $0x1600, s25;
	[tilespmem:s17+$0x1F630] =	vst v1  }
0x13e: {  	s17 =	sadd.s32 s7, s21  }
0x13f: {  	s17 =	sshll.u32 s17, $0x6  }
0x140: {  	p0 =	seq.s32 s18, $0x1F;
	s17 =	sadd.s32 s2, s17  }
0x141: {  	[hbm4b:s17+s4] =	stream.linear.scatter [tilespmem:s0], [sflag:$0x3], $0x200, $0x38;
	[tilespmem:$0x1F800] =	vst v63  }
0x142: {  	s17 =	sadd.s32 @!p0 s21, s12  }
0x143: {  	_ =	swait.ge [sflag:s16], $0x200;
	s17 =	smul.u32 @!p0 $0xB0, s17  }
0x144: {  	s22 =	simm.s32 @!p0 $0x0;
	[sflag:s16] =	ssyncset.done $0x0  }
0x145: {  	s23 =	simm.s32 @!p0 $0x8000;
	[sflag:s16] =	ssyncadd.s32 $0xFFFFFE00;
	s21 =	sadd.s32 @!p0 s6, s17  }
0x146: {  	[tilespmem:s23], [sflag:$0x3] =	stream.linear.gather @!p0 [hbm4b:s21+s22], $0x580, $0x38;
	[tilespmem:$0x1F800] =	vst v63  }
0x147: {  	s21 =	simm.s32 @!p0 $0x3  }
0x148: {  	_ =	swait.ge @!p0 [sflag:s21], $0x580  }
0x149: {  	[sflag:s21] =	ssyncset.done @!p0 $0x0  }
0x14a: {  	s24 =	simm.s32 @!p0 $0x8B00;
	s17 =	sadd.s32 @!p0 s5, s17;
	[sflag:s21] =	ssyncadd.s32 @!p0 $0xFFFFFA80  }
0x14b: {  	[tilespmem:s24], [sflag:$0x3] =	stream.linear.gather @!p0 [hbm4b:s17+s22], $0x580, $0x38;
	[tilespmem:$0x1F800] =	vst v63  }
0x14c: {  	_ =	swait.ge @!p0 [sflag:s21], $0x580  }
0x14d: {  	[sflag:s21] =	ssyncset.done @!p0 $0x0  }
0x14e: {  	s17 =	simm.s32 @!p0 $0x80;
	[sflag:s21] =	ssyncadd.s32 @!p0 $0xFFFFFA80;
	s21 =	simm.s32 @!p0 $0x9600  }
0x14f: {  	[tilespmem:s21], [sflag:$0x1] =	stream.indirect.gather @!p0 [spmem:s3], $0x20, s23, s17, $0xb8;
	[tilespmem:$0x1F800] =	vst v63  }
0x150: {  	s22 =	simm.s32 @!p0 $0xA600;
	s21 =	simm.s32 @!p0 $0x8080  }
0x151: {  	[tilespmem:s22], [sflag:$0x1] =	stream.indirect.gather @!p0 [spmem:s3], $0x20, s21, s17, $0xb8;
	[tilespmem:$0x1F800] =	vst v63  }
0x152: {  	s21 =	simm.s32 @!p0 $0x8100;
	s22 =	simm.s32 @!p0 $0xB600  }
0x153: {  	[tilespmem:s22], [sflag:$0x1] =	stream.indirect.gather @!p0 [spmem:s3], $0x20, s21, s17, $0xb8;
	[tilespmem:$0x1F800] =	vst v63  }
0x154: {  	s21 =	simm.s32 @!p0 $0x8180;
	s22 =	simm.s32 @!p0 $0xC600  }
0x155: {  	[tilespmem:s22], [sflag:$0x1] =	stream.indirect.gather @!p0 [spmem:s3], $0x20, s21, s17, $0xb8;
	[tilespmem:$0x1F800] =	vst v63  }
0x156: {  	s21 =	simm.s32 @!p0 $0x8200;
	s22 =	simm.s32 @!p0 $0xD600  }
0x157: {  	[tilespmem:s22], [sflag:$0x1] =	stream.indirect.gather @!p0 [spmem:s3], $0x20, s21, s17, $0xb8;
	[tilespmem:$0x1F800] =	vst v63  }
0x158: {  	s21 =	simm.s32 @!p0 $0x8280;
	s22 =	simm.s32 @!p0 $0xE600  }
0x159: {  	[tilespmem:s22], [sflag:$0x1] =	stream.indirect.gather @!p0 [spmem:s3], $0x20, s21, s17, $0xb8;
	[tilespmem:$0x1F800] =	vst v63  }
0x15a: {  	s21 =	simm.s32 @!p0 $0x8300;
	s22 =	simm.s32 @!p0 $0xF600  }
0x15b: {  	[tilespmem:s22], [sflag:$0x1] =	stream.indirect.gather @!p0 [spmem:s3], $0x20, s21, s17, $0xb8;
	[tilespmem:$0x1F800] =	vst v63  }
0x15c: {  	s21 =	simm.s32 @!p0 $0x8380;
	s22 =	simm.s32 @!p0 $0x10600  }
0x15d: {  	[tilespmem:s22], [sflag:$0x1] =	stream.indirect.gather @!p0 [spmem:s3], $0x20, s21, s17, $0xb8;
	[tilespmem:$0x1F800] =	vst v63  }
0x15e: {  	s21 =	simm.s32 @!p0 $0x8400;
	s22 =	simm.s32 @!p0 $0x11600  }
0x15f: {  	[tilespmem:s22], [sflag:$0x1] =	stream.indirect.gather @!p0 [spmem:s3], $0x20, s21, s17, $0xb8;
	[tilespmem:$0x1F800] =	vst v63  }
0x160: {  	s21 =	simm.s32 @!p0 $0x8480;
	s22 =	simm.s32 @!p0 $0x12600  }
0x161: {  	[tilespmem:s22], [sflag:$0x1] =	stream.indirect.gather @!p0 [spmem:s3], $0x20, s21, s17, $0xb8;
	[tilespmem:$0x1F800] =	vst v63  }
0x162: {  	s21 =	simm.s32 @!p0 $0x8500;
	s22 =	simm.s32 @!p0 $0x13600  }
0x163: {  	[tilespmem:s22], [sflag:$0x1] =	stream.indirect.gather @!p0 [spmem:s3], $0x20, s21, s17, $0xb8;
	[tilespmem:$0x1F800] =	vst v63  }
0x164: {  	_ =	swait.ge [sflag:s1], $0x1000  }
0x165: {  	[sflag:s1] =	ssyncset.done $0x0  }
0x166: {  	[sflag:s1] =	ssyncadd.s32 $0xFFFFF000  }
0x167: {  	_ =	swait.ge [sflag:s1], $0x1000  }
0x168: {  	[sflag:s1] =	ssyncset.done $0x0  }
0x169: {  	[sflag:s1] =	ssyncadd.s32 $0xFFFFF000  }
0x16a: {  	_ =	swait.ge [sflag:s1], $0x1000  }
0x16b: {  	[sflag:s1] =	ssyncset.done $0x0  }
0x16c: {  	[sflag:s1] =	ssyncadd.s32 $0xFFFFF000  }
0x16d: {  	_ =	swait.ge [sflag:s1], $0x1000  }
0x16e: {  	[sflag:s1] =	ssyncset.done $0x0  }
0x16f: {  	[sflag:s1] =	ssyncadd.s32 $0xFFFFF000  }
0x170: {  	_ =	swait.ge [sflag:s1], $0x1000  }
0x171: {  	[sflag:s1] =	ssyncset.done $0x0  }
0x172: {  	[sflag:s1] =	ssyncadd.s32 $0xFFFFF000  }
0x173: {  	_ =	swait.ge [sflag:s1], $0x1000  }
0x174: {  	[sflag:s1] =	ssyncset.done $0x0  }
0x175: {  	[sflag:s1] =	ssyncadd.s32 $0xFFFFF000  }
0x176: {  	_ =	swait.ge [sflag:s1], $0x1000  }
0x177: {  	[sflag:s1] =	ssyncset.done $0x0  }
0x178: {  	[sflag:s1] =	ssyncadd.s32 $0xFFFFF000  }
0x179: {  	_ =	swait.ge [sflag:s1], $0x1000  }
0x17a: {  	[sflag:s1] =	ssyncset.done $0x0  }
0x17b: {  	[sflag:s1] =	ssyncadd.s32 $0xFFFFF000  }
0x17c: {  	_ =	swait.ge [sflag:s1], $0x1000  }
0x17d: {  	[sflag:s1] =	ssyncset.done $0x0  }
0x17e: {  	[sflag:s1] =	ssyncadd.s32 $0xFFFFF000  }
0x17f: {  	_ =	swait.ge [sflag:s1], $0x1000  }
0x180: {  	[sflag:s1] =	ssyncset.done $0x0  }
0x181: {  	[sflag:s1] =	ssyncadd.s32 $0xFFFFF000  }
0x182: {  	_ =	swait.ge [sflag:s1], $0x1000  }
0x183: {  	s23 =	simm.s32 $0x9080;
	[sflag:s1] =	ssyncset.done $0x0  }
0x184: {  	s21 =	simm.s32 $0x0;
	s22 =	simm.s32 $0x9600;
	[sflag:s1] =	ssyncadd.s32 $0xFFFFF000  }
.LBB2_7:
0x185: {  	v9 =	vmov s22;
	_ =	sdelay $0x3  }
0x186: {  	s26 =	simm.s32 $0x0;
	v8 =	vld [tilespmem:s23+$0x0]  }
0x187: {  	v0 =	vld.idx.msk [tilespmem:v9+s26+$0xB1E0 ss:$0x1], $0xffff  }
0x188: {  	v1 =	vld.idx.msk [tilespmem:v9+s26+$0xB1F0 ss:$0x1], $0xffff  }
0x189: {  	v2 =	vld.idx.msk [tilespmem:v9+s26+$0xB1C0 ss:$0x1], $0xffff  }
0x18a: {  	v4 =	vld.idx.msk [tilespmem:v9+s26+$0xB1D0 ss:$0x1], $0xffff  }
0x18b: {  	v5 =	vld.idx.msk [tilespmem:v9+s26+$0xB1A0 ss:$0x1], $0xffff  }
0x18c: {  	v7 =	vld.idx.msk [tilespmem:v9+s26+$0xB1B0 ss:$0x1], $0xffff  }
0x18d: {  	v10 =	vld.idx.msk [tilespmem:v9+s26+$0xB180 ss:$0x1], $0xffff  }
0x18e: {  	v11 =	vld.idx.msk [tilespmem:v9+s26+$0xB190 ss:$0x1], $0xffff  }
0x18f: {  	v12 =	vld.idx.msk [tilespmem:v9+s26+$0xB160 ss:$0x1], $0xffff  }
0x190: {  	v14 =	vld.idx.msk [tilespmem:v9+s26+$0xB170 ss:$0x1], $0xffff  }
0x191: {  	v17 =	vld.idx.msk [tilespmem:v9+s26+$0xB140 ss:$0x1], $0xffff;
	v6 =	vunpack.i.u.bf16.f32 v1  }
0x192: {  	v19 =	vld.idx.msk [tilespmem:v9+s26+$0xB150 ss:$0x1], $0xffff;
	v1 =	vunpack.i.l.bf16.f32 v1;
	[tilespmem:$0x1FD50] =	vst v6  }
0x193: {  	v20 =	vunpack.i.u.bf16.f32 v2;
	v22 =	vunpack.i.l.bf16.f32 v2;
	v2 =	vunpack.i.u.bf16.f32 v4;
	[tilespmem:$0x1FD60] =	vst v1  }
0x194: {  	v4 =	vunpack.i.l.bf16.f32 v4;
	v1 =	vld.idx.msk [tilespmem:v9+s26+$0xB120 ss:$0x1], $0xffff;
	[tilespmem:$0x1FD70] =	vst v2  }
0x195: {  	v3 =	vbroadcast v8, $0xE;
	v26 =	vbroadcast v8, $0x8;
	v13 =	vunpack.i.u.bf16.f32 v7;
	v2 =	vld.idx.msk [tilespmem:v9+s26+$0xB130 ss:$0x1], $0xffff;
	[tilespmem:$0x1FD80] =	vst v4  }
0x196: {  	v31 =	vbroadcast v8, $0x7;
	v36 =	vbroadcast v8, $0x6;
	v7 =	vunpack.i.l.bf16.f32 v7;
	v4 =	vld.idx.msk [tilespmem:v9+s26+$0xB100 ss:$0x1], $0xffff;
	[tilespmem:$0x1FD90] =	vst v13  }
0x197: {  	v41 =	vbroadcast v8, $0x5;
	v48 =	vbroadcast v8, $0x4;
	[tilespmem:$0x1FDA0] =	vst v7  }
0x198: {  	v60 =	vbroadcast v8, $0x2;
	v57 =	vbroadcast v8, $0x3;
	v16 =	vunpack.i.u.bf16.f32 v11;
	v7 =	vld.idx.msk [tilespmem:v9+s26+$0xB110 ss:$0x1], $0xffff  }
0x199: {  	v15 =	vunpack.i.u.bf16.f32 v0;
	v18 =	vunpack.i.l.bf16.f32 v0;
	v11 =	vunpack.i.l.bf16.f32 v11;
	v28 =	vld.idx.msk [tilespmem:v9+s26+$0xB0E0 ss:$0x1], $0xffff;
	[tilespmem:$0x1FDB0] =	vst v16  }
0x19a: {  	v37 =	vunpack.i.u.bf16.f32 v12;
	v38 =	vunpack.i.l.bf16.f32 v12;
	v12 =	vunpack.i.u.bf16.f32 v14;
	[tilespmem:$0x1FDC0] =	vst v11  }
0x19b: {  	v0 =	vbroadcast v8, $0xF;
	v23 =	vunpack.i.u.bf16.f32 v5;
	v14 =	vunpack.i.l.bf16.f32 v14;
	v11 =	vld.idx.msk [tilespmem:v9+s26+$0xB0F0 ss:$0x1], $0xffff;
	[tilespmem:$0x1FDD0] =	vst v12  }
0x19c: {  	v24 =	vunpack.i.u.bf16.f32 v10;
	v33 =	vunpack.i.l.bf16.f32 v10;
	v21 =	vunpack.i.u.bf16.f32 v19;
	v12 =	vld.idx.msk [tilespmem:v9+s26+$0xB0C0 ss:$0x1], $0xffff;
	[tilespmem:$0x1FDE0] =	vst v14  }
0x19d: {  	v10 =	vbroadcast v8, $0xC;
	v19 =	vunpack.i.l.bf16.f32 v19;
	v6 =	vbroadcast v8, $0xD;
	v14 =	vld.idx.msk [tilespmem:v9+s26+$0xB0D0 ss:$0x1], $0xffff;
	[tilespmem:$0x1FDF0] =	vst v21  }
0x19e: {  	v5 =	vunpack.i.l.bf16.f32 v5;
	v13 =	vbroadcast v8, $0xB;
	v16 =	vbroadcast v8, $0xA;
	[tilespmem:$0x1FE00] =	vst v19  }
0x19f: {  	v46 =	vunpack.i.l.bf16.f32 v1;
	v19 =	vunpack.i.u.bf16.f32 v1;
	v1 =	vunpack.i.u.bf16.f32 v2;
	v29 =	vld.idx.msk [tilespmem:v9+s26+$0xB0A0 ss:$0x1], $0xffff  }
0x1a0: {  	v21 =	vbroadcast v8, $0x9;
	v34 =	vld.idx.msk [tilespmem:v9+s26+$0xB0B0 ss:$0x1], $0xffff;
	[tilespmem:$0x1FE10] =	vst v1;
	v1 =	vunpack.i.l.bf16.f32 v2;
	v49 =	vunpack.i.u.bf16.f32 v4  }
0x1a1: {  	v50 =	vunpack.i.l.bf16.f32 v4;
	v4 =	vbroadcast v8, $0x1;
	[tilespmem:$0x1FE20] =	vst v1;
	v1 =	vunpack.i.u.bf16.f32 v7  }
0x1a2: {  	v51 =	vunpack.i.u.bf16.f32 v28;
	v52 =	vunpack.i.l.bf16.f32 v28;
	v43 =	vld.idx.msk [tilespmem:v9+s26+$0xB080 ss:$0x1], $0xffff;
	[tilespmem:$0x1FE30] =	vst v1;
	v32 =	vunpack.i.u.bf16.f32 v11  }
0x1a3: {  	v35 =	vunpack.i.l.bf16.f32 v11;
	v11 =	vbroadcast v8, $0x0;
	v8 =	vmul.f32 v18, v0;
	v28 =	vld.idx.msk [tilespmem:v9+s26+$0xB090 ss:$0x1], $0xffff  }
0x1a4: {  	v42 =	vunpack.i.u.bf16.f32 v17;
	v5 =	vmul.f32 v5, v6;
	v47 =	vld.idx.msk [tilespmem:v9+s26+$0xB070 ss:$0x1], $0xffff  }
0x1a5: {  	v39 =	vunpack.i.u.bf16.f32 v14;
	v40 =	vunpack.i.l.bf16.f32 v14;
	v14 =	vld.idx.msk [tilespmem:v9+s26+$0xB060 ss:$0x1], $0xffff;
	[tilespmem:$0x1FE40] =	vst v8;
	v8 =	vmul.f32 v15, v0  }
0x1a6: {  	v17 =	vunpack.i.l.bf16.f32 v17;
	v38 =	vmul.f32 v38, v13;
	v37 =	vmul.f32 v37, v13  }
0x1a7: {  	v42 =	vmul.f32 v42, v16;
	v30 =	vunpack.i.l.bf16.f32 v7;
	[tilespmem:$0x1FE50] =	vst v8;
	v8 =	vmul.f32 v22, v3  }
0x1a8: {  	v54 =	vmul.f32 v50, v26;
	v53 =	vmul.f32 v49, v26;
	v50 =	vimm.f32 $0.0e+00  }
0x1a9: {  	v49 =	vimm.f32 $0.0e+00;
	v63 =	vmul.f32 v52, v31;
	[tilespmem:$0x1FE60] =	vst v8;
	v8 =	vmul.f32 v20, v3  }
0x1aa: {  	v62 =	vmul.f32 v51, v31;
	v52 =	vimm.f32 $0.0e+00;
	v15 =	vld.idx.msk [tilespmem:v9+s26+$0xB040 ss:$0x1], $0xffff;
	[tilespmem:$0x1FE80] =	vst v5;
	v5 =	vmul.f32 v23, v6  }
0x1ab: {  	v51 =	vimm.f32 $0.0e+00;
	v56 =	vunpack.i.u.bf16.f32 v12;
	v59 =	vunpack.i.l.bf16.f32 v12;
	[tilespmem:$0x1FE70] =	vst v8  }
0x1ac: {  	v61 =	vunpack.i.u.bf16.f32 v29;
	v1 =	vunpack.i.l.bf16.f32 v29;
	v44 =	vunpack.i.u.bf16.f32 v34;
	[tilespmem:$0x1FE90] =	vst v5  }
0x1ad: {  	v45 =	vunpack.i.l.bf16.f32 v34;
	v34 =	vmul.f32 v33, v10;
	v33 =	vmul.f32 v24, v10;
	v23 =	vld.idx.msk [tilespmem:v9+s26+$0xB050 ss:$0x1], $0xffff  }
0x1ae: {  	v2 =	vunpack.i.u.bf16.f32 v43;
	v7 =	vunpack.i.l.bf16.f32 v43;
	v43 =	vmul.f32 v17, v16  }
0x1af: {  	v55 =	vunpack.i.u.bf16.f32 v28;
	v58 =	vunpack.i.l.bf16.f32 v28;
	v8 =	vunpack.i.l.bf16.f32 v47;
	v22 =	vld.idx.msk [tilespmem:v9+s26+$0xB020 ss:$0x1], $0xffff  }
0x1b0: {  	v5 =	vunpack.i.u.bf16.f32 v47;
	v47 =	vmul.f32 v46, v21;
	v46 =	vmul.f32 v19, v21;
	v19 =	vld.idx.msk [tilespmem:v9+s26+$0xB030 ss:$0x1], $0xffff  }
0x1b1: {  	v12 =	vunpack.i.u.bf16.f32 v14;
	v14 =	vunpack.i.l.bf16.f32 v14;
	v24 =	vld.idx.msk [tilespmem:v9+s26+$0xB010 ss:$0x1], $0xffff;
	v18 =	vunpack.i.u.bf16.f32 v15  }
0x1b2: {  	s24 =	simm.s32 $0x800;
	s25 =	smov.u32 s23;
	v20 =	vunpack.i.l.bf16.f32 v15;
	v15 =	vunpack.i.u.bf16.f32 v23;
	v17 =	vunpack.i.l.bf16.f32 v23;
	v23 =	vld.idx.msk [tilespmem:v9+s26+$0xB000 ss:$0x1], $0xffff  }
.LBB2_8:
0x1b3: {  	_ =	sdelay $0x2  }
0x1b4: {  	v25 =	vunpack.i.u.bf16.f32 v22;
	v22 =	vunpack.i.l.bf16.f32 v22  }
0x1b5: {  	v28 =	vunpack.i.u.bf16.f32 v23;
	v23 =	vunpack.i.l.bf16.f32 v23;
	v29 =	vunpack.i.u.bf16.f32 v24  }
0x1b6: {  	v24 =	vunpack.i.l.bf16.f32 v24;
	v23 =	vmul.f32 v23, v11;
	v28 =	vmul.f32 v28, v11  }
0x1b7: {  	v27 =	vunpack.i.u.bf16.f32 v19;
	v24 =	vmul.f32 v24, v11;
	v11 =	vmul.f32 v29, v11  }
0x1b8: {  	v19 =	vunpack.i.l.bf16.f32 v19;
	v22 =	vmul.f32 v22, v4;
	v25 =	vmul.f32 v25, v4  }
0x1b9: {  	v19 =	vmul.f32 v19, v4;
	v4 =	vmul.f32 v27, v4;
	v11 =	vadd.f32 v11, v49;
	_ =	sdelay $0x1  }
0x1ba: {  	v4 =	vadd.f32 v4, v11;
	v11 =	vmul.f32 v15, v60;
	_ =	sdelay $0x1  }
0x1bb: {  	v5 =	vmul.f32 v5, v57;
	v4 =	vadd.f32 v11, v4;
	_ =	sdelay $0x1  }
0x1bc: {  	v4 =	vadd.f32 v5, v4;
	v5 =	vmul.f32 v55, v48;
	_ =	sdelay $0x1  }
0x1bd: {  	v4 =	vadd.f32 v5, v4;
	v5 =	vmul.f32 v44, v41;
	_ =	sdelay $0x1  }
0x1be: {  	v4 =	vadd.f32 v5, v4;
	v5 =	vmul.f32 v39, v36;
	_ =	sdelay $0x1  }
0x1bf: {  	v4 =	vadd.f32 v5, v4;
	v5 =	vmul.f32 v32, v31;
	_ =	sdelay $0x1  }
0x1c0: {  	v4 =	vadd.f32 v5, v4;
	v5 =	vld [tilespmem:$0x1FE30];
	_ =	sdelay $0x4  }
0x1c1: {  	v23 =	vadd.f32 v23, v50;
	v5 =	vmul.f32 v5, v26  }
0x1c2: {  	v24 =	vadd.f32 v24, v51  }
0x1c3: {  	v20 =	vmul.f32 v20, v60;
	v22 =	vadd.f32 v22, v23;
	v4 =	vadd.f32 v5, v4;
	v5 =	vld [tilespmem:$0x1FE10]  }
0x1c4: {  	v17 =	vmul.f32 v17, v60;
	v19 =	vadd.f32 v19, v24  }
0x1c5: {  	v14 =	vmul.f32 v14, v57;
	v15 =	vadd.f32 v20, v22  }
0x1c6: {  	v8 =	vmul.f32 v8, v57;
	v17 =	vadd.f32 v17, v19  }
0x1c7: {  	v7 =	vmul.f32 v7, v48;
	v11 =	vadd.f32 v14, v15  }
0x1c8: {  	v14 =	vmul.f32 v58, v48;
	v8 =	vadd.f32 v8, v17;
	v5 =	vmul.f32 v5, v21  }
0x1c9: {  	v1 =	vmul.f32 v1, v41;
	v7 =	vadd.f32 v7, v11  }
0x1ca: {  	v11 =	vmul.f32 v45, v41;
	v8 =	vadd.f32 v14, v8;
	v4 =	vadd.f32 v5, v4;
	v5 =	vld [tilespmem:$0x1FDF0];
	_ =	sdelay $0x1  }
0x1cb: {  	v1 =	vadd.f32 v1, v7;
	v7 =	vmul.f32 v40, v36;
	v8 =	vadd.f32 v11, v8;
	_ =	sdelay $0x1  }
0x1cc: {  	v11 =	vmul.f32 v35, v31;
	v7 =	vadd.f32 v7, v8  }
0x1cd: {  	v5 =	vmul.f32 v5, v16  }
0x1ce: {  	v7 =	vadd.f32 v11, v7;
	v11 =	vld [tilespmem:$0x1FE20]  }
0x1cf: {  	v4 =	vadd.f32 v5, v4;
	v5 =	vld [tilespmem:$0x1FDD0];
	_ =	sdelay $0x1  }
0x1d0: {  	v8 =	vmul.f32 v30, v26  }
0x1d1: {  	v28 =	vadd.f32 v28, v52  }
0x1d2: {  	v7 =	vadd.f32 v8, v7;
	v8 =	vld [tilespmem:$0x1FE00];
	v11 =	vmul.f32 v11, v21  }
0x1d3: {  	v18 =	vmul.f32 v18, v60;
	v23 =	vadd.f32 v25, v28;
	v5 =	vmul.f32 v5, v13  }
0x1d4: {  	v7 =	vadd.f32 v11, v7;
	v11 =	vld [tilespmem:$0x1FDE0]  }
0x1d5: {  	v12 =	vmul.f32 v12, v57;
	v18 =	vadd.f32 v18, v23;
	v4 =	vadd.f32 v5, v4;
	v5 =	vld [tilespmem:$0x1FDB0]  }
0x1d6: {  	v59 =	vmul.f32 v59, v36  }
0x1d7: {  	v2 =	vmul.f32 v2, v48;
	v12 =	vadd.f32 v12, v18;
	v8 =	vmul.f32 v8, v16  }
0x1d8: {  	v61 =	vmul.f32 v61, v41;
	v1 =	vadd.f32 v59, v1  }
0x1d9: {  	v2 =	vadd.f32 v2, v12;
	v7 =	vadd.f32 v8, v7;
	v11 =	vmul.f32 v11, v13  }
0x1da: {  	v1 =	vadd.f32 v63, v1;
	v5 =	vmul.f32 v5, v10  }
0x1db: {  	v56 =	vmul.f32 v56, v36;
	v2 =	vadd.f32 v61, v2;
	v7 =	vadd.f32 v11, v7;
	v11 =	vld [tilespmem:$0x1FDA0]  }
0x1dc: {  	v1 =	vadd.f32 v54, v1;
	v4 =	vadd.f32 v5, v4;
	v5 =	vld [tilespmem:$0x1FD90]  }
0x1dd: {  	v2 =	vadd.f32 v56, v2  }
0x1de: {  	v1 =	vadd.f32 v47, v1;
	v13 =	vld [tilespmem:$0x1FDC0]  }
0x1df: {  	v2 =	vadd.f32 v62, v2  }
0x1e0: {  	v1 =	vadd.f32 v43, v1  }
0x1e1: {  	v2 =	vadd.f32 v53, v2;
	v11 =	vmul.f32 v11, v6;
	v5 =	vmul.f32 v5, v6;
	v6 =	vld [tilespmem:$0x1FE80]  }
0x1e2: {  	v1 =	vadd.f32 v38, v1  }
0x1e3: {  	s26 =	sshra.s32 s24, $0x2;
	v2 =	vadd.f32 v46, v2;
	v13 =	vmul.f32 v13, v10  }
0x1e4: {  	v27 =	vld.idx.msk [tilespmem:v9+s26+$0xB0F0 ss:$0x1], $0xffff;
	v1 =	vadd.f32 v34, v1  }
0x1e5: {  	v22 =	vld.idx.msk [tilespmem:v9+s26+$0xB100 ss:$0x1], $0xffff;
	v2 =	vadd.f32 v42, v2;
	v7 =	vadd.f32 v13, v7  }
0x1e6: {  	v1 =	vadd.f32 v6, v1;
	v6 =	vld [tilespmem:$0x1FE90]  }
0x1e7: {  	v2 =	vadd.f32 v37, v2;
	v7 =	vadd.f32 v11, v7;
	v11 =	vld [tilespmem:$0x1FE60]  }
0x1e8: {  	v23 =	vld.idx.msk [tilespmem:v9+s26+$0xB110 ss:$0x1], $0xffff  }
0x1e9: {  	s25 =	sadd.s32 $0x10, s25;
	v15 =	vld.idx.msk [tilespmem:v9+s26+$0xB1A0 ss:$0x1], $0xffff;
	v2 =	vadd.f32 v33, v2  }
0x1ea: {  	v17 =	vld [tilespmem:s25+$0x0]  }
0x1eb: {  	v2 =	vadd.f32 v6, v2;
	v6 =	vld [tilespmem:$0x1FD80]  }
0x1ec: {  	v1 =	vadd.f32 v11, v1;
	v11 =	vld [tilespmem:$0x1FE70]  }
0x1ed: {  	v12 =	vld.idx.msk [tilespmem:v9+s26+$0xB1E0 ss:$0x1], $0xffff  }
0x1ee: {  	v4 =	vadd.f32 v5, v4;
	v5 =	vld [tilespmem:$0x1FD70]  }
0x1ef: {  	v8 =	vld.idx.msk [tilespmem:v9+s26+$0xB1F0 ss:$0x1], $0xffff  }
0x1f0: {  	v16 =	vld.idx.msk [tilespmem:v9+s26+$0xB190 ss:$0x1], $0xffff;
	v6 =	vmul.f32 v6, v3  }
0x1f1: {  	v2 =	vadd.f32 v11, v2;
	v11 =	vld [tilespmem:$0x1FD60]  }
0x1f2: {  	v6 =	vadd.f32 v6, v7;
	v7 =	vld [tilespmem:$0x1FE40]  }
0x1f3: {  	v35 =	vunpack.i.l.bf16.f32 v27;
	v36 =	vbroadcast v17, $0x6;
	v10 =	vld.idx.msk [tilespmem:v9+s26+$0xB1D0 ss:$0x1], $0xffff;
	v3 =	vmul.f32 v5, v3  }
0x1f4: {  	v20 =	vunpack.i.u.bf16.f32 v15;
	v41 =	vbroadcast v17, $0x5;
	v48 =	vbroadcast v17, $0x4;
	v13 =	vld.idx.msk [tilespmem:v9+s26+$0xB1B0 ss:$0x1], $0xffff  }
0x1f5: {  	v60 =	vbroadcast v17, $0x2;
	v57 =	vbroadcast v17, $0x3;
	v3 =	vadd.f32 v3, v4;
	v4 =	vld [tilespmem:$0x1FD50]  }
0x1f6: {  	v15 =	vunpack.i.l.bf16.f32 v15;
	v31 =	vbroadcast v17, $0x7;
	v5 =	vld.idx.msk [tilespmem:v9+s26+$0xB180 ss:$0x1], $0xffff;
	v11 =	vmul.f32 v11, v0  }
0x1f7: {  	v21 =	vunpack.i.u.bf16.f32 v16;
	v16 =	vunpack.i.l.bf16.f32 v16;
	v50 =	vadd.f32 v7, v1;
	v1 =	vld [tilespmem:$0x1FE50]  }
0x1f8: {  	v30 =	vunpack.i.l.bf16.f32 v23;
	[tilespmem:$0x1FDC0] =	vst v16;
	v51 =	vadd.f32 v11, v6;
	v6 =	vunpack.i.u.bf16.f32 v8;
	v11 =	vld.idx.msk [tilespmem:v9+s26+$0xB130 ss:$0x1], $0xffff  }
0x1f9: {  	v32 =	vunpack.i.u.bf16.f32 v27;
	v18 =	vunpack.i.u.bf16.f32 v12;
	[tilespmem:$0x1FD50] =	vst v6;
	v6 =	vunpack.i.l.bf16.f32 v8;
	v8 =	vld.idx.msk [tilespmem:v9+s26+$0xB120 ss:$0x1], $0xffff  }
0x1fa: {  	v12 =	vunpack.i.l.bf16.f32 v12;
	v26 =	vbroadcast v17, $0x8;
	[tilespmem:$0x1FDB0] =	vst v21;
	v0 =	vmul.f32 v4, v0;
	v4 =	vld.idx.msk [tilespmem:v9+s26+$0xB160 ss:$0x1], $0xffff  }
0x1fb: {  	v53 =	vunpack.i.u.bf16.f32 v22;
	v54 =	vunpack.i.l.bf16.f32 v22;
	[tilespmem:$0x1FD60] =	vst v6;
	v6 =	vunpack.i.u.bf16.f32 v10;
	v7 =	vld.idx.msk [tilespmem:v9+s26+$0xB150 ss:$0x1], $0xffff  }
0x1fc: {  	v54 =	vmul.f32 v54, v26;
	v10 =	vunpack.i.l.bf16.f32 v10;
	[tilespmem:$0x1FD70] =	vst v6;
	v52 =	vadd.f32 v1, v2;
	v1 =	vld.idx.msk [tilespmem:v9+s26+$0xB170 ss:$0x1], $0xffff  }
0x1fd: {  	v53 =	vmul.f32 v53, v26;
	v16 =	vbroadcast v17, $0xA;
	[tilespmem:$0x1FD80] =	vst v10;
	v10 =	vunpack.i.u.bf16.f32 v13;
	v2 =	vld.idx.msk [tilespmem:v9+s26+$0xB140 ss:$0x1], $0xffff  }
0x1fe: {  	v21 =	vbroadcast v17, $0x9;
	v24 =	vunpack.i.u.bf16.f32 v5;
	[tilespmem:$0x1FD90] =	vst v10;
	v10 =	vunpack.i.l.bf16.f32 v13  }
0x1ff: {  	[tilespmem:$0x1FDA0] =	vst v10;
	v46 =	vunpack.i.u.bf16.f32 v8;
	v47 =	vunpack.i.l.bf16.f32 v8;
	v8 =	vunpack.i.u.bf16.f32 v11  }
0x200: {  	v25 =	vunpack.i.l.bf16.f32 v5;
	v5 =	vld.idx.msk [tilespmem:v9+s26+$0xB0E0 ss:$0x1], $0xffff;
	[tilespmem:$0x1FE10] =	vst v8;
	v8 =	vunpack.i.l.bf16.f32 v11;
	v28 =	vunpack.i.u.bf16.f32 v4  }
0x201: {  	v29 =	vunpack.i.l.bf16.f32 v4;
	[tilespmem:$0x1FE20] =	vst v8;
	v8 =	vld.idx.msk [tilespmem:v9+s26+$0xB080 ss:$0x1], $0xffff;
	v4 =	vunpack.i.u.bf16.f32 v1;
	v1 =	vunpack.i.l.bf16.f32 v1  }
0x202: {  	v42 =	vunpack.i.u.bf16.f32 v2;
	v43 =	vunpack.i.l.bf16.f32 v2;
	v2 =	vunpack.i.u.bf16.f32 v7;
	[tilespmem:$0x1FDE0] =	vst v1;
	v1 =	vld.idx.msk [tilespmem:v9+s26+$0xB0D0 ss:$0x1], $0xffff  }
0x203: {  	v6 =	vbroadcast v17, $0xD;
	v10 =	vbroadcast v17, $0xC;
	[tilespmem:$0x1FDF0] =	vst v2;
	v2 =	vunpack.i.l.bf16.f32 v7;
	v7 =	vld.idx.msk [tilespmem:v9+s26+$0xB0B0 ss:$0x1], $0xffff  }
0x204: {  	v13 =	vbroadcast v17, $0xB;
	v49 =	vadd.f32 v0, v3;
	v0 =	vbroadcast v17, $0xF;
	[tilespmem:$0x1FE00] =	vst v2;
	v2 =	vld.idx.msk [tilespmem:v9+s26+$0xB0A0 ss:$0x1], $0xffff  }
0x205: {  	v3 =	vbroadcast v17, $0xE;
	v62 =	vunpack.i.u.bf16.f32 v5;
	v34 =	vmul.f32 v25, v10  }
0x206: {  	v14 =	vld.idx.msk [tilespmem:v9+s26+$0xB1C0 ss:$0x1], $0xffff;
	v63 =	vunpack.i.l.bf16.f32 v5;
	v33 =	vmul.f32 v24, v10;
	v47 =	vmul.f32 v47, v21  }
0x207: {  	v11 =	vunpack.i.u.bf16.f32 v23;
	v46 =	vmul.f32 v46, v21;
	v63 =	vmul.f32 v63, v31  }
0x208: {  	[tilespmem:$0x1FDD0] =	vst v4;
	v4 =	vld.idx.msk [tilespmem:v9+s26+$0xB0C0 ss:$0x1], $0xffff;
	v39 =	vunpack.i.u.bf16.f32 v1;
	v40 =	vunpack.i.l.bf16.f32 v1;
	v44 =	vunpack.i.u.bf16.f32 v7  }
0x209: {  	v22 =	vld.idx.msk [tilespmem:v9+s26+$0xB090 ss:$0x1], $0xffff;
	v45 =	vunpack.i.l.bf16.f32 v7;
	v7 =	vunpack.i.l.bf16.f32 v8;
	v61 =	vunpack.i.u.bf16.f32 v2  }
0x20a: {  	v5 =	vld.idx.msk [tilespmem:v9+s26+$0xB060 ss:$0x1], $0xffff;
	v1 =	vunpack.i.l.bf16.f32 v2;
	v2 =	vunpack.i.u.bf16.f32 v8;
	v8 =	vmul.f32 v12, v0  }
0x20b: {  	v19 =	vunpack.i.u.bf16.f32 v14;
	v62 =	vmul.f32 v62, v31;
	[tilespmem:$0x1FE30] =	vst v11;
	v11 =	vbroadcast v17, $0x0  }
0x20c: {  	v27 =	vld.idx.msk [tilespmem:v9+s26+$0xB050 ss:$0x1], $0xffff;
	v14 =	vunpack.i.l.bf16.f32 v14;
	v38 =	vmul.f32 v29, v13;
	[tilespmem:$0x1FE40] =	vst v8;
	v8 =	vmul.f32 v18, v0  }
0x20d: {  	v56 =	vunpack.i.u.bf16.f32 v4;
	v59 =	vunpack.i.l.bf16.f32 v4;
	v4 =	vbroadcast v17, $0x1;
	v17 =	vld.idx.msk [tilespmem:v9+s26+$0xB040 ss:$0x1], $0xffff  }
0x20e: {  	p0 =	sne.s32 s24, $0x5000;
	v55 =	vunpack.i.u.bf16.f32 v22;
	v23 =	vld.idx.msk [tilespmem:v9+s26+$0xB070 ss:$0x1], $0xffff;
	v37 =	vmul.f32 v28, v13;
	[tilespmem:$0x1FE50] =	vst v8;
	v8 =	vmul.f32 v14, v3  }
.Ltmp2:
0x20f: {  	v12 =	vunpack.i.u.bf16.f32 v5;
	v14 =	vunpack.i.l.bf16.f32 v5;
	v5 =	vmul.f32 v15, v6;
	(pc) =	sbr.rel @p0 .LBB2_8-.Ltmp2, $4  }
0x210: {  	v58 =	vunpack.i.l.bf16.f32 v22;
	v22 =	vld.idx.msk [tilespmem:v9+s26+$0xB020 ss:$0x1], $0xffff;
	v43 =	vmul.f32 v43, v16;
	[tilespmem:$0x1FE60] =	vst v8;
	v8 =	vmul.f32 v19, v3  }
0x211: {  	v24 =	vld.idx.msk [tilespmem:v9+s26+$0xB010 ss:$0x1], $0xffff;
	v42 =	vmul.f32 v42, v16;
	[tilespmem:$0x1FE80] =	vst v5;
	v5 =	vmul.f32 v20, v6  }
0x212: {  	v18 =	vunpack.i.u.bf16.f32 v17;
	v15 =	vunpack.i.u.bf16.f32 v27;
	v19 =	vld.idx.msk [tilespmem:v9+s26+$0xB030 ss:$0x1], $0xffff;
	v20 =	vunpack.i.l.bf16.f32 v17;
	[tilespmem:$0x1FE70] =	vst v8  }
0x213: {  	s24 =	sadd.s32 $0x800, s24;
	v17 =	vunpack.i.l.bf16.f32 v27;
	[tilespmem:$0x1FE90] =	vst v5;
	v5 =	vunpack.i.u.bf16.f32 v23;
	v8 =	vunpack.i.l.bf16.f32 v23;
	v23 =	vld.idx.msk [tilespmem:v9+s26+$0xB000 ss:$0x1], $0xffff  }
0x214: {  	_ =	sdelay $0x2  }
0x215: {  	v20 =	vmul.f32 v20, v60;
	v17 =	vmul.f32 v17, v60  }
0x216: {  	v15 =	vmul.f32 v15, v60;
	v12 =	vmul.f32 v12, v57;
	v9 =	vunpack.i.u.bf16.f32 v23  }
0x217: {  	v8 =	vmul.f32 v8, v57;
	v28 =	vunpack.i.l.bf16.f32 v23;
	v9 =	vmul.f32 v9, v11  }
0x218: {  	v25 =	vunpack.i.u.bf16.f32 v24;
	v29 =	vunpack.i.l.bf16.f32 v24;
	v23 =	vmul.f32 v28, v11  }
0x219: {  	v24 =	vmul.f32 v29, v11;
	v9 =	vadd.f32 v9, v52;
	v52 =	vunpack.i.l.bf16.f32 v22  }
0x21a: {  	v11 =	vmul.f32 v25, v11;
	v23 =	vadd.f32 v23, v50;
	v25 =	vmul.f32 v52, v4  }
0x21b: {  	v5 =	vmul.f32 v5, v57;
	v27 =	vunpack.i.u.bf16.f32 v19;
	v24 =	vadd.f32 v24, v51  }
0x21c: {  	v28 =	vunpack.i.u.bf16.f32 v22;
	v51 =	vmul.f32 v18, v60;
	v23 =	vadd.f32 v25, v23  }
0x21d: {  	v29 =	vunpack.i.l.bf16.f32 v19;
	v60 =	vmul.f32 v14, v57;
	v22 =	vmul.f32 v28, v4  }
0x21e: {  	v11 =	vadd.f32 v11, v49;
	v50 =	vmul.f32 v27, v4;
	v52 =	vadd.f32 v20, v23  }
0x21f: {  	v7 =	vmul.f32 v7, v48;
	v19 =	vmul.f32 v29, v4;
	v9 =	vadd.f32 v22, v9  }
0x220: {  	v2 =	vmul.f32 v2, v48;
	v4 =	vadd.f32 v50, v11;
	v11 =	vadd.f32 v60, v52  }
0x221: {  	v1 =	vmul.f32 v1, v41;
	v18 =	vmul.f32 v58, v48;
	v19 =	vadd.f32 v19, v24  }
0x222: {  	v24 =	vmul.f32 v44, v41;
	v9 =	vadd.f32 v51, v9;
	v7 =	vadd.f32 v7, v11  }
0x223: {  	v27 =	vmul.f32 v40, v36;
	v28 =	vmul.f32 v39, v36;
	v17 =	vadd.f32 v17, v19  }
0x224: {  	v57 =	vld [tilespmem:$0x1FE70];
	v22 =	vmul.f32 v59, v36;
	v9 =	vadd.f32 v12, v9;
	v1 =	vadd.f32 v1, v7  }
0x225: {  	v58 =	vld [tilespmem:$0x1FE40];
	v19 =	vmul.f32 v55, v48;
	v4 =	vadd.f32 v15, v4;
	v8 =	vadd.f32 v8, v17  }
0x226: {  	v39 =	vld [tilespmem:$0x1FE20];
	v20 =	vmul.f32 v61, v41;
	v2 =	vadd.f32 v2, v9;
	v1 =	vadd.f32 v22, v1  }
0x227: {  	v40 =	vld [tilespmem:$0x1FE10];
	v23 =	vmul.f32 v45, v41;
	v4 =	vadd.f32 v5, v4;
	v5 =	vadd.f32 v18, v8  }
0x228: {  	v44 =	vld [tilespmem:$0x1FDE0];
	v25 =	vmul.f32 v56, v36;
	v2 =	vadd.f32 v20, v2;
	v1 =	vadd.f32 v63, v1  }
0x229: {  	v49 =	vld [tilespmem:$0x1FDA0];
	v4 =	vadd.f32 v19, v4;
	v5 =	vadd.f32 v23, v5  }
0x22a: {  	v36 =	vld [tilespmem:$0x1FE30];
	v2 =	vadd.f32 v25, v2;
	v1 =	vadd.f32 v54, v1  }
0x22b: {  	v29 =	vmul.f32 v35, v31;
	v48 =	vld [tilespmem:$0x1FE80];
	v4 =	vadd.f32 v24, v4;
	v5 =	vadd.f32 v27, v5  }
0x22c: {  	v50 =	vld [tilespmem:$0x1FD90];
	v2 =	vadd.f32 v62, v2;
	v1 =	vadd.f32 v47, v1  }
0x22d: {  	v32 =	vmul.f32 v32, v31;
	v41 =	vld [tilespmem:$0x1FE00];
	v4 =	vadd.f32 v28, v4;
	v5 =	vadd.f32 v29, v5  }
0x22e: {  	v35 =	vmul.f32 v30, v26;
	v2 =	vadd.f32 v53, v2;
	v1 =	vadd.f32 v43, v1;
	v43 =	vld [tilespmem:$0x1FDF0]  }
0x22f: {  	v55 =	vld [tilespmem:$0x1FD70];
	v8 =	vmul.f32 v36, v26;
	v4 =	vadd.f32 v32, v4  }
0x230: {  	v45 =	vld [tilespmem:$0x1FDD0];
	v7 =	vmul.f32 v39, v21;
	v5 =	vadd.f32 v35, v5;
	v2 =	vadd.f32 v46, v2  }
0x231: {  	v4 =	vadd.f32 v8, v4;
	v8 =	vmul.f32 v40, v21;
	v46 =	vld [tilespmem:$0x1FDC0]  }
0x232: {  	v5 =	vadd.f32 v7, v5;
	v7 =	vmul.f32 v41, v16;
	v47 =	vld [tilespmem:$0x1FDB0];
	v2 =	vadd.f32 v42, v2  }
0x233: {  	v52 =	vld [tilespmem:$0x1FE90];
	v4 =	vadd.f32 v8, v4;
	v8 =	vmul.f32 v43, v16  }
0x234: {  	v59 =	vld [tilespmem:$0x1FD60];
	v5 =	vadd.f32 v7, v5;
	v7 =	vmul.f32 v44, v13;
	v2 =	vadd.f32 v37, v2  }
0x235: {  	v54 =	vld [tilespmem:$0x1FD80];
	v1 =	vadd.f32 v38, v1;
	v4 =	vadd.f32 v8, v4;
	v8 =	vmul.f32 v45, v13  }
0x236: {  	v53 =	vld [tilespmem:$0x1FE60];
	v5 =	vadd.f32 v7, v5;
	v7 =	vmul.f32 v46, v10;
	v2 =	vadd.f32 v33, v2  }
0x237: {  	v62 =	vld [tilespmem:$0x1FE50];
	v1 =	vadd.f32 v34, v1;
	v4 =	vadd.f32 v8, v4;
	v8 =	vmul.f32 v47, v10  }
0x238: {  	v60 =	vld [tilespmem:$0x1FD50];
	v5 =	vadd.f32 v7, v5;
	v7 =	vmul.f32 v49, v6;
	v2 =	vadd.f32 v52, v2  }
0x239: {  	v51 =	vmul.f32 v50, v6;
	v1 =	vadd.f32 v48, v1;
	v4 =	vadd.f32 v8, v4  }
0x23a: {  	v5 =	vadd.f32 v7, v5;
	v7 =	vmul.f32 v54, v3;
	v2 =	vadd.f32 v57, v2  }
0x23b: {  	s17 =	sshll.u32 s21, $0x6;
	s21 =	sadd.s32 $0x1, s21;
	v56 =	vmul.f32 v55, v3;
	v1 =	vadd.f32 v53, v1;
	v4 =	vadd.f32 v51, v4  }
0x23c: {  	p0 =	sne.s32 s21, $0x8;
	v6 =	vmul.f32 v59, v0;
	v5 =	vadd.f32 v7, v5;
	v2 =	vadd.f32 v62, v2  }
.Ltmp3:
0x23d: {  	s17 =	sand.u32 $0x3FFFFFC0, s17;
	v61 =	vmul.f32 v60, v0;
	v1 =	vadd.f32 v58, v1;
	v3 =	vadd.f32 v56, v4;
	(pc) =	sbr.rel @p0 .LBB2_7-.Ltmp3, $4  }
0x23e: {  	v63 =	vadd.f32 v6, v5;
	[tilespmem:s17+$0x1F610] =	vst v2  }
0x23f: {  	[tilespmem:s17+$0x1F600] =	vst v1;
	v0 =	vadd.f32 v61, v3  }
0x240: {  	[tilespmem:s17+$0x1F620] =	vst v63  }
0x241: {  	s22 =	sadd.s32 $0x1600, s22;
	s23 =	sadd.s32 $0xB0, s23;
	[tilespmem:s17+$0x1F630] =	vst v0  }
0x242: {  	s18 =	sadd.s32 $0x1, s18  }
0x243: {  	s17 =	sshll.u32 s20, $0x6;
	p0 =	sne.s32 s18, $0x20  }
.Ltmp4:
0x244: {  	s17 =	sadd.s32 s2, s17;
	(pc) =	sbr.rel @p0 .LBB2_2-.Ltmp4, $4  }
0x245: {  	[hbm4b:s17+s4] =	stream.linear.scatter [tilespmem:s0], [sflag:$0x3], $0x200, $0x38;
	[tilespmem:$0x1F800] =	vst v63  }
0x246: {  	_ =	swait.ge [sflag:s16], $0x200  }
0x247: {  	[sflag:s16] =	ssyncset.done $0x0  }
0x248: {  	[sflag:s16] =	ssyncadd.s32 $0xFFFFFE00  }
0x249: {  	s18 =	rddreg [dreg:$0xa]  }
0x24a: {  	s17 =	rddreg [dreg:$0x8];
	s18 =	sadd.s32 $0x1, s18  }
0x24b: {  	p0 =	sne.s32 s18, s17  }
.Ltmp5:
0x24c: {  	_ = 	snop;
	(pc) =	sbr.rel @p0 .LBB2_1-.Ltmp5, $1  }
0x24d: {  	_ =	sdelay $0x3  }
0x24e: {  	_ =	sfence.sel $0x180000  }
0x24f: {  	[bflag:$0x0] =	sbarrier.arrive $0xFFFF  }
0x250: {  	_ =	strace $0x90000047  }
0x251: {  	s0 =	stileid.u32;
	[bflag:$0x2] =	sbarrier.arrive $0xFFFF  }
0x252: {  	p0 =	sne.s32 s0, $0x0;
	s0 =	rddreg [dreg:$0x3]  }
0x253: {  	s0 =	sadd.s32 @!p0 $0x100000, s0  }
0x254: {  	[sflag:s0] =	ssyncadd.tile.s32 @!p0 $0x1;
	_ =	shalt  }
.Lfunc_end2:
_tile_overlayer_lowered:
.L_overlay_start_2:
0x255: {  	(tag) =	ssettag $0x2  }
0x256: {  	s0 =	rddreg [dreg:$0x0];
	s2 =	stileid.u32  }
0x257: {  	s1 =	rddreg [dreg:$0x1];
	p0 =	sne.s32 s2, $0x0  }
0x258: {  	s3 =	rddreg [dreg:$0x2];
	[bflag:$0x3] =	sbarrier.arrive $0xFFFF;
	s2 =	simm.s32 @!p0 $0x1C03  }
0x259: {  	[timem:s3], [sflag:s2] =	dma.local @!p0 [hbm:s0], s1  }
0x25a: {  	s0 =	simm.s32 @!p0 $0x3  }
0x25b: {  	_ =	swait.ge @!p0 [sflag:s0], s1  }
0x25c: {  	s1 =	ssub.s32 @!p0 $0x0, s1;
	[sflag:s0] =	ssyncset.done @!p0 $0x0  }
0x25d: {  	[sflag:s0] =	ssyncadd.s32 @!p0 s1  }
0x25e: {  	[bflag:$0x3] =	sbarrier.arrive $0xFFFF  }
0x25f: {  	_ =	shalt  }

</sc_bundles>
